<compile_context>
chip_gen: v7x
topology: tpu7x:2x2x1
jax: 0.10.2.dev20260603
libtpu: 0.0.44.dev20260713+nightly
codegen_flags: <defaults>
</compile_context>

<pallas_src>
import functools
import numpy as np
import jax
import jax.numpy as jnp
from jax import lax
from jax.experimental import pallas as pl
from jax.experimental.pallas import tpu as pltpu
from jax.experimental.pallas import tpu_sc as plsc

B = 4
LQ = 900
E = 256
H = 8
D = 32
SUM_P = 16
SPATIAL = ((128, 128), (64, 64), (32, 32), (16, 16))
LV = sum(h * w for h, w in SPATIAL)
NQ = B * LQ
NR = NQ * H
KPR = 4 * SUM_P
NK = NR * KPR
TROWS = B * LV * H

NWORK = 32
RPW = NR // NWORK
GSZ = 20
NGRP = RPW // GSZ
KG = GSZ * KPR
NCH = KG // 128

_lev_of_p = np.array([p // 4 for p in range(SUM_P)])
_W_of_lev = np.array([w for (h, w) in SPATIAL], dtype=np.float64)
_H_of_lev = np.array([h for (h, w) in SPATIAL], dtype=np.float64)
_base_of_lev = np.cumsum([0] + [h * w for (h, w) in SPATIAL])[:4]

_dim256 = np.zeros(256, np.float32)
for _j in range(256):
    _p = (_j % 32) // 2
    _l = _lev_of_p[_p]
    _dim256[_j] = _W_of_lev[_l] if _j % 2 == 0 else _H_of_lev[_l]
_xybit256 = np.array([_j % 2 for _j in range(256)], np.float32)

_cx512 = np.zeros(512, np.float32); _cy512 = np.zeros(512, np.float32)
_Wl512 = np.zeros(512, np.float32); _Hl512 = np.zeros(512, np.float32)
_base512 = np.zeros(512, np.float32); _h512 = np.zeros(512, np.float32)
for _j in range(512):
    _h = _j // 64; _p = (_j % 64) // 4; _c = _j % 4
    _l = _lev_of_p[_p]
    _cx512[_j] = _c % 2; _cy512[_j] = _c // 2
    _Wl512[_j] = _W_of_lev[_l]; _Hl512[_j] = _H_of_lev[_l]
    _base512[_j] = _base_of_lev[_l]; _h512[_j] = _h

_SelX = np.zeros((256, 512), np.float32)
_SelY = np.zeros((256, 512), np.float32)
_SelA = np.zeros((128, 512), np.float32)
for _j in range(512):
    _h = _j // 64; _p = (_j % 64) // 4
    _SelX[_h * 32 + _p * 2 + 0, _j] = 1.0
    _SelY[_h * 32 + _p * 2 + 1, _j] = 1.0
    _SelA[_h * 16 + _p, _j] = 1.0
_Msum = np.kron(np.eye(8, dtype=np.float32), np.ones((16, 16), np.float32))

_C256 = np.stack([_dim256, _xybit256]).astype(np.float32)
_C512 = np.stack([_cx512, _cy512, _Wl512, _Hl512, _base512, _h512]).astype(np.float32)
_BOFF = ((np.arange(NQ) // LQ) * (LV * H)).astype(np.float32)[:, None]


def _proj_body(x_ref, w_ref, b_ref, o_ref):
    o_ref[...] = jnp.dot(x_ref[...], w_ref[...],
                         preferred_element_type=jnp.float32) + b_ref[...]


def _value_proj(value2d, Wv, bv):
    m = value2d.shape[0]
    blk = 1024
    grid = m // blk
    return pl.pallas_call(
        _proj_body,
        grid=(grid,),
        in_specs=[
            pl.BlockSpec((blk, E), lambda i: (i, 0)),
            pl.BlockSpec((E, E), lambda i: (0, 0)),
            pl.BlockSpec((1, E), lambda i: (0, 0)),
        ],
        out_specs=pl.BlockSpec((blk, E), lambda i: (i, 0)),
        out_shape=jax.ShapeDtypeStruct((m, E), jnp.float32),
    )(value2d, Wv, bv.reshape(1, E))


def _prep_body(q_ref, rp_ref, boff_ref, ws_ref, bso_ref, wa_ref, ba_ref,
               msum_ref, selx_ref, sely_ref, sela_ref, c256_ref, c512_ref,
               idx_ref, w_ref):
    q = q_ref[...]
    rp = rp_ref[...]
    so = jnp.dot(q, ws_ref[...], preferred_element_type=jnp.float32) + bso_ref[...]
    logits = jnp.dot(q, wa_ref[...], preferred_element_type=jnp.float32) + ba_ref[...]
    e = jnp.exp(logits)
    aw = e / jnp.dot(e, msum_ref[...], preferred_element_type=jnp.float32)

    dim = c256_ref[0:1, :]
    xybit = c256_ref[1:2, :]
    cxy = jnp.where(xybit == 1.0, rp[:, 1:2], rp[:, 0:1])
    cwh = jnp.where(xybit == 1.0, rp[:, 3:4], rp[:, 2:3])
    loc = cxy + ((so * 0.25) * cwh) * 0.5
    g = 2.0 * loc - 1.0
    pix = (g + 1.0) * (dim * 0.5) - 0.5
    f0 = jnp.floor(pix)
    fr = pix - f0

    selx = selx_ref[...]; sely = sely_ref[...]
    x0e = jnp.dot(f0, selx, preferred_element_type=jnp.float32)
    y0e = jnp.dot(f0, sely, preferred_element_type=jnp.float32)
    fxe = jnp.dot(fr, selx, preferred_element_type=jnp.float32)
    fye = jnp.dot(fr, sely, preferred_element_type=jnp.float32)

    cx = c512_ref[0:1, :]; cy = c512_ref[1:2, :]
    wl = c512_ref[2:3, :]; hl = c512_ref[3:4, :]
    basel = c512_ref[4:5, :]; hlane = c512_ref[5:6, :]

    xc = x0e + cx
    yc = y0e + cy
    valid = ((xc >= 0.0) & (xc <= wl - 1.0) & (yc >= 0.0) & (yc <= hl - 1.0))
    xcc = jnp.clip(xc, 0.0, wl - 1.0)
    ycc = jnp.clip(yc, 0.0, hl - 1.0)
    wx = jnp.where(cx == 1.0, fxe, 1.0 - fxe)
    wy = jnp.where(cy == 1.0, fye, 1.0 - fye)
    awe = jnp.dot(aw, sela_ref[...], preferred_element_type=jnp.float32)
    w_ref[...] = wx * wy * awe * jnp.where(valid, 1.0, 0.0)
    idxf = (basel + ycc * wl + xcc) * 8.0 + hlane + boff_ref[...]
    idx_ref[...] = idxf.astype(jnp.int32)


def _prep(q2, rp2, consts):
    blk = 720
    grid = NQ // blk
    ws, bso, wa, ba, msum, selx, sely, sela, c256, c512, boff = consts
    return pl.pallas_call(
        _prep_body,
        grid=(grid,),
        in_specs=[
            pl.BlockSpec((blk, E), lambda i: (i, 0)),
            pl.BlockSpec((blk, 4), lambda i: (i, 0)),
            pl.BlockSpec((blk, 1), lambda i: (i, 0)),
            pl.BlockSpec((E, 256), lambda i: (0, 0)),
            pl.BlockSpec((1, 256), lambda i: (0, 0)),
            pl.BlockSpec((E, 128), lambda i: (0, 0)),
            pl.BlockSpec((1, 128), lambda i: (0, 0)),
            pl.BlockSpec((128, 128), lambda i: (0, 0)),
            pl.BlockSpec((256, 512), lambda i: (0, 0)),
            pl.BlockSpec((256, 512), lambda i: (0, 0)),
            pl.BlockSpec((128, 512), lambda i: (0, 0)),
            pl.BlockSpec((2, 256), lambda i: (0, 0)),
            pl.BlockSpec((6, 512), lambda i: (0, 0)),
        ],
        out_specs=[
            pl.BlockSpec((blk, 512), lambda i: (i, 0)),
            pl.BlockSpec((blk, 512), lambda i: (i, 0)),
        ],
        out_shape=[
            jax.ShapeDtypeStruct((NQ, 512), jnp.int32),
            jax.ShapeDtypeStruct((NQ, 512), jnp.float32),
        ],
    )(q2, rp2, boff, ws, bso, wa, ba, msum, selx, sely, sela, c256, c512)


def _bcast_lane(vec, j):
    idx = jnp.full((16, 1), j, jnp.int32)
    dnums = lax.GatherDimensionNumbers(
        offset_dims=(), collapsed_slice_dims=(0,), start_index_map=(0,))
    return lax.gather(vec, idx, dnums, (1,),
                      mode=lax.GatherScatterMode.PROMISE_IN_BOUNDS)

def _sc_body(table_hbm, idx_hbm, w_hbm, out_hbm, idx_v, w_v, rows_v, out_v, sem):
    wid = lax.axis_index("s") * 2 + lax.axis_index("c")
    rbase = wid * RPW

    def group(gi, _):
        r0 = rbase + gi * GSZ
        k0 = r0 * KPR
        pltpu.sync_copy(idx_hbm.at[pl.ds(k0, KG)], idx_v)
        pltpu.sync_copy(w_hbm.at[pl.ds(k0, KG)], w_v)
        descs = []
        for j in range(NCH):
            descs.append(pltpu.async_copy(
                table_hbm.at[idx_v.at[pl.ds(j * 128, 128)]],
                rows_v.at[pl.ds(j * 128, 128)], sem))
        for d in descs:
            d.wait()

        def row(r, _):
            r64 = r * KPR
            acc0 = jnp.zeros((16,), jnp.float32)
            acc1 = jnp.zeros((16,), jnp.float32)
            for k16 in range(KPR // 16):
                wv = w_v[pl.ds(r64 + k16 * 16, 16)]
                for j in range(16):
                    kk = r64 + k16 * 16 + j
                    wb = _bcast_lane(wv, j)
                    acc0 = acc0 + wb * rows_v[kk, pl.ds(0, 16)]
                    acc1 = acc1 + wb * rows_v[kk, pl.ds(16, 16)]
            out_v[pl.ds(r * D, 16)] = acc0
            out_v[pl.ds(r * D + 16, 16)] = acc1
            return 0

        lax.fori_loop(0, GSZ, row, 0)
        pltpu.sync_copy(out_v, out_hbm.at[pl.ds(r0 * D, GSZ * D)])
        return 0

    lax.fori_loop(0, NGRP, group, 0)


def _sc_gather(table, idx2d, wflat):
    mesh = plsc.VectorSubcoreMesh(core_axis_name="c", subcore_axis_name="s")
    f = pl.kernel(
        _sc_body,
        out_type=jax.ShapeDtypeStruct((NR * D,), jnp.float32),
        mesh=mesh,
        compiler_params=pltpu.CompilerParams(use_tc_tiling_on_sc=False),
        scratch_types=[
            pltpu.VMEM((KG,), jnp.int32),
            pltpu.VMEM((KG,), jnp.float32),
            pltpu.VMEM((KG, D), jnp.float32),
            pltpu.VMEM((GSZ * D,), jnp.float32),
            pltpu.SemaphoreType.DMA,
        ],
    )
    return f(table, idx2d, wflat)


def _out_proj(core2d, Wo, bo):
    return pl.pallas_call(
        _proj_body,
        grid=(5,),
        in_specs=[
            pl.BlockSpec((720, E), lambda i: (i, 0)),
            pl.BlockSpec((E, E), lambda i: (0, 0)),
            pl.BlockSpec((1, E), lambda i: (0, 0)),
        ],
        out_specs=pl.BlockSpec((720, E), lambda i: (i, 0)),
        out_shape=jax.ShapeDtypeStruct((NQ, E), jnp.float32),
    )(core2d, Wo, bo.reshape(1, E))


def kernel(query, reference_points, value, value_spatial_shapes, Wv, bv, Ws, bso, Wa, ba, Wo, bo):
    del value_spatial_shapes
    q2 = query.reshape(NQ, E)
    rp2 = reference_points.reshape(NQ, 4)

    v2 = _value_proj(value.reshape(B * LV, E), Wv, bv)
    table = v2.reshape(TROWS, D)

    consts = (Ws, bso.reshape(1, 256), Wa, ba.reshape(1, 128),
              jnp.asarray(_Msum), jnp.asarray(_SelX), jnp.asarray(_SelY),
              jnp.asarray(_SelA), jnp.asarray(_C256), jnp.asarray(_C512),
              jnp.asarray(_BOFF))
    idx, w = _prep(q2, rp2, consts)

    core = _sc_gather(table, idx.reshape(NK), w.reshape(NK))
    out = _out_proj(core.reshape(NQ, E), Wo, bo)
    return out.reshape(B, LQ, E)

# --- scband reference (transcript-rebuilt; emitter-appended) ---
"""Pipeline reference for scband-msdeformable-attention-25409026523845 (READ-ONLY COPY).

The authoritative reference and input builder live on the scoring server;
editing this copy changes nothing except your own understanding.
"""

import jax, jax.numpy as jnp
import numpy as np

EMBED = 256
HEADS = 8
HEAD_DIM = 32
LEVELS = 4
NUM_POINTS_LIST = [4, 4, 4, 4]
SUM_P = 16
TOTAL_POINTS = HEADS * SUM_P
OFFSET_SCALE = 0.5
SPATIAL = [(128, 128), (64, 64), (32, 32), (16, 16)]
LEN_V = sum(h * w for h, w in SPATIAL)
BS = 4
LEN_Q = 900


def bilinear_grid_sample(im, grid):
    # im: [N, C, H, W]; grid: [N, Hg, Wg, 2] in [-1, 1]
    # matches torch F.grid_sample(mode='bilinear', padding_mode='zeros', align_corners=False)
    N, C, H, W = im.shape
    gx = (grid[..., 0] + 1.0) * (W * 0.5) - 0.5
    gy = (grid[..., 1] + 1.0) * (H * 0.5) - 0.5
    x0 = jnp.floor(gx)
    y0 = jnp.floor(gy)
    x1 = x0 + 1.0
    y1 = y0 + 1.0
    wx1 = gx - x0
    wx0 = 1.0 - wx1
    wy1 = gy - y0
    wy0 = 1.0 - wy1
    flat = im.reshape(N, C, H * W)

    def gather(xi, yi):
        valid = (xi >= 0) & (xi <= W - 1) & (yi >= 0) & (yi <= H - 1)
        xi_c = jnp.clip(xi, 0, W - 1).astype(jnp.int32)
        yi_c = jnp.clip(yi, 0, H - 1).astype(jnp.int32)
        idx = (yi_c * W + xi_c).reshape(N, 1, -1)
        idx_b = jnp.broadcast_to(idx, (N, C, idx.shape[-1]))
        vals = jnp.take_along_axis(flat, idx_b, axis=2).reshape((N, C) + gx.shape[1:])
        return vals * valid[:, None, :, :].astype(im.dtype)

    out = (gather(x0, y0) * (wx0 * wy0)[:, None, :, :]
           + gather(x1, y0) * (wx1 * wy0)[:, None, :, :]
           + gather(x0, y1) * (wx0 * wy1)[:, None, :, :]
           + gather(x1, y1) * (wx1 * wy1)[:, None, :, :])
    return out  # [N, C, Hg, Wg]


def _forward(query, reference_points, value, Wv, bv, Ws, bso, Wa, ba, Wo, bo):
    bs, Lq = query.shape[0], query.shape[1]
    Lv = value.shape[1]
    # value projection
    v = value @ Wv + bv
    v = v.reshape(bs, Lv, HEADS, HEAD_DIM)
    # sampling offsets and attention weights
    so = (query @ Ws + bso).reshape(bs, Lq, HEADS, SUM_P, 2)
    aw = jax.nn.softmax((query @ Wa + ba).reshape(bs, Lq, HEADS, SUM_P), axis=-1)
    # reference_points has last dim 4 (cx, cy, w, h); shape [bs, Lq, 1, 4]
    nps = jnp.array([1.0 / n for n in NUM_POINTS_LIST for _ in range(n)], dtype=query.dtype)[:, None]
    offset = so * nps * reference_points[:, :, None, :, 2:] * OFFSET_SCALE
    loc = reference_points[:, :, None, :, :2] + offset  # [bs, Lq, HEADS, SUM_P, 2]
    # deformable attention core
    value_perm = v.transpose(0, 2, 3, 1).reshape(bs * HEADS, HEAD_DIM, Lv)
    grids = (2.0 * loc - 1.0).transpose(0, 2, 1, 3, 4).reshape(bs * HEADS, Lq, SUM_P, 2)
    svals = []
    sv = 0
    sp = 0
    for (h, w), npts in zip(SPATIAL, NUM_POINTS_LIST):
        vl = value_perm[:, :, sv:sv + h * w].reshape(bs * HEADS, HEAD_DIM, h, w)
        gl = grids[:, :, sp:sp + npts, :]
        svals.append(bilinear_grid_sample(vl, gl))
        sv += h * w
        sp += npts
    attn = aw.transpose(0, 2, 1, 3).reshape(bs * HEADS, 1, Lq, SUM_P)
    weighted = jnp.concatenate(svals, axis=-1) * attn
    out = weighted.sum(-1).reshape(bs, HEADS * HEAD_DIM, Lq).transpose(0, 2, 1)
    return out @ Wo + bo


def setup_inputs(seed: int = 0) -> dict:
    key = jax.random.key(seed)
    ks = jax.random.split(key, 8)
    query = jax.random.normal(ks[0], (BS, LEN_Q, EMBED), dtype=jnp.float32)
    reference_points = jax.random.uniform(ks[1], (BS, LEN_Q, 1, 4), dtype=jnp.float32)
    value = jax.random.normal(ks[2], (BS, LEN_V, EMBED), dtype=jnp.float32)
    value_spatial_shapes = jnp.array(SPATIAL, dtype=jnp.int32)
    Wv = jax.random.normal(ks[3], (EMBED, EMBED), dtype=jnp.float32) * 0.0625
    bv = jnp.zeros((EMBED,), dtype=jnp.float32)
    Ws = jax.random.normal(ks[4], (EMBED, TOTAL_POINTS * 2), dtype=jnp.float32) * 0.01
    bso = jax.random.normal(ks[5], (TOTAL_POINTS * 2,), dtype=jnp.float32) * 0.5
    Wa = jax.random.normal(ks[6], (EMBED, TOTAL_POINTS), dtype=jnp.float32) * 0.01
    ba = jnp.zeros((TOTAL_POINTS,), dtype=jnp.float32)
    Wo = jax.random.normal(ks[7], (EMBED, EMBED), dtype=jnp.float32) * 0.0625
    bo = jnp.zeros((EMBED,), dtype=jnp.float32)
    return {"query": query, "reference_points": reference_points, "value": value,
            "value_spatial_shapes": value_spatial_shapes,
            "Wv": Wv, "bv": bv, "Ws": Ws, "bso": bso, "Wa": Wa, "ba": ba, "Wo": Wo, "bo": bo}


def reference(query, reference_points, value, value_spatial_shapes, Wv, bv, Ws, bso, Wa, ba, Wo, bo):
    # value_spatial_shapes is a static constant equal to SPATIAL
    return _forward(query, reference_points, value, Wv, bv, Ws, bso, Wa, ba, Wo, bo)

if __name__ == "__main__":
    import jax
    _d = setup_inputs()
    print(jax.jit(kernel)(*tuple(_d.values())))

</pallas_src>

<mosaic_0001>
#map = affine_map<(d0, d1) -> (0, 0)>
#map1 = affine_map<(d0, d1) -> (0)>
module attributes {stable_mosaic.version = 14 : i64} {
  func.func @_sc_body(%arg0: i32, %arg1: i32, %arg2: memref<696320x32xf32, #tpu.memory_space<hbm>>, %arg3: memref<1843200xi32, #tpu.memory_space<hbm>>, %arg4: memref<1843200xf32, #tpu.memory_space<hbm>>, %arg5: memref<921600xf32, #tpu.memory_space<hbm>>, %arg6: memref<1280xi32, #tpu.memory_space<vmem>>, %arg7: memref<1280xf32, #tpu.memory_space<vmem>>, %arg8: memref<1280x32xf32, #tpu.memory_space<vmem>>, %arg9: memref<640xf32, #tpu.memory_space<vmem>>, %arg10: memref<!tpu.dma_semaphore, #tpu.memory_space<semaphore_mem>>) attributes {dimension_semantics = [#tpu.dimension_semantics<core_parallel>, #tpu.dimension_semantics<subcore_parallel>], iteration_bounds = array<i64: 2, 16>, scalar_prefetch = 0 : i64, scratch_operands = 5 : i64, tpu.core_type = #tpu.core_type<sc_vector_subcore>, window_params = [{transform_indices = #map}, {transform_indices = #map1}, {transform_indices = #map1}, {transform_indices = #map1}]} {
    %mul3A = arith.constant 2 : i32
    %mul3A_0 = arith.muli %arg1, %mul3A : i32
    %add3A = arith.addi %mul3A_0, %arg0 : i32
    %mul3A_1 = arith.constant 900 : i32
    %mul3A_2 = arith.muli %add3A, %mul3A_1 : i32
    %scan3A = arith.constant 0 : i32
    %scan3A_3 = arith.constant 0 : i32
    %scan3A_4 = arith.constant 45 : i32
    %scan3A_5 = arith.addi %scan3A_3, %scan3A_4 : i32
    %scan3A_6 = arith.constant 1 : i32
    %scan3A_7 = scf.for %scan3A_9 = %scan3A_3 to %scan3A_5 step %scan3A_6 iter_args(%scan3A_10 = %scan3A) -> (i32)  : i32 {
      %mul3A_11 = arith.constant 20 : i32
      %mul3A_12 = arith.muli %scan3A_9, %mul3A_11 : i32
      %add3A_13 = arith.addi %mul3A_2, %mul3A_12 : i32
      %mul3A_14 = arith.constant 64 : i32
      %mul3A_15 = arith.muli %add3A_13, %mul3A_14 : i32
      "tpu.region"() ({
        %run_scoped3A = tpu.sem_alloc : memref<!tpu.dma_semaphore, #tpu.memory_space<semaphore_mem>>
        %dma_start3A_184 = tpu.memref_slice %arg3[%mul3A_15] : memref<1843200xi32, #tpu.memory_space<hbm>> -> memref<1280xi32, #tpu.memory_space<hbm>>
        %dma_start3A_185 = tpu.memref_slice %arg3[%mul3A_15] : memref<1843200xi32, #tpu.memory_space<hbm>> -> memref<1280xi32, #tpu.memory_space<hbm>>
        tpu.enqueue_dma source(%dma_start3A_185 : memref<1280xi32, #tpu.memory_space<hbm>>) target(%arg6 : memref<1280xi32, #tpu.memory_space<vmem>>) target_semaphore(%run_scoped3A : memref<!tpu.dma_semaphore, #tpu.memory_space<semaphore_mem>>)
        %dma_wait3A_186 = tpu.memref_slice %arg3[%mul3A_15] : memref<1843200xi32, #tpu.memory_space<hbm>> -> memref<1280xi32, #tpu.memory_space<hbm>>
        %dma_wait3A_187 = tpu.memref_slice %arg3[%mul3A_15] : memref<1843200xi32, #tpu.memory_space<hbm>> -> memref<1280xi32, #tpu.memory_space<hbm>>
        tpu.wait_dma2 semaphore(%run_scoped3A : memref<!tpu.dma_semaphore, #tpu.memory_space<semaphore_mem>>) src(%dma_wait3A_187 : memref<1280xi32, #tpu.memory_space<hbm>>) dst(%arg6 : memref<1280xi32, #tpu.memory_space<vmem>>)
        tpu.yield
      }) : () -> ()
      "tpu.region"() ({
        %run_scoped3A = tpu.sem_alloc : memref<!tpu.dma_semaphore, #tpu.memory_space<semaphore_mem>>
        %dma_start3A_184 = tpu.memref_slice %arg4[%mul3A_15] : memref<1843200xf32, #tpu.memory_space<hbm>> -> memref<1280xf32, #tpu.memory_space<hbm>>
        %dma_start3A_185 = tpu.memref_slice %arg4[%mul3A_15] : memref<1843200xf32, #tpu.memory_space<hbm>> -> memref<1280xf32, #tpu.memory_space<hbm>>
        tpu.enqueue_dma source(%dma_start3A_185 : memref<1280xf32, #tpu.memory_space<hbm>>) target(%arg7 : memref<1280xf32, #tpu.memory_space<vmem>>) target_semaphore(%run_scoped3A : memref<!tpu.dma_semaphore, #tpu.memory_space<semaphore_mem>>)
        %dma_wait3A_186 = tpu.memref_slice %arg4[%mul3A_15] : memref<1843200xf32, #tpu.memory_space<hbm>> -> memref<1280xf32, #tpu.memory_space<hbm>>
        %dma_wait3A_187 = tpu.memref_slice %arg4[%mul3A_15] : memref<1843200xf32, #tpu.memory_space<hbm>> -> memref<1280xf32, #tpu.memory_space<hbm>>
        tpu.wait_dma2 semaphore(%run_scoped3A : memref<!tpu.dma_semaphore, #tpu.memory_space<semaphore_mem>>) src(%dma_wait3A_187 : memref<1280xf32, #tpu.memory_space<hbm>>) dst(%arg7 : memref<1280xf32, #tpu.memory_space<vmem>>)
        tpu.yield
      }) : () -> ()
      %dma_start3A = arith.constant 0 : i32
      %dma_start3A_16 = arith.constant 0 : i32
      %dma_start3A_17 = tpu.memref_slice %arg8[%dma_start3A, %dma_start3A_16] : memref<1280x32xf32, #tpu.memory_space<vmem>> -> memref<128x32xf32, #tpu.memory_space<vmem>>
      %dma_start3A_18 = arith.constant 0 : i32
      %dma_start3A_19 = tpu.memref_slice %arg6[%dma_start3A_18] : memref<1280xi32, #tpu.memory_space<vmem>> -> memref<128xi32, #tpu.memory_space<vmem>>
      %dma_start3A_20 = arith.constant 0 : i32
      %dma_start3A_21 = arith.constant 0 : i32
      %dma_start3A_22 = tpu.memref_slice %arg2[%dma_start3A_20, %dma_start3A_21] : memref<696320x32xf32, #tpu.memory_space<hbm>> -> memref<696320x32xf32, #tpu.memory_space<hbm>>
      tpu.enqueue_indirect_dma source(%dma_start3A_22 : memref<696320x32xf32, #tpu.memory_space<hbm>>) target(%dma_start3A_17 : memref<128x32xf32, #tpu.memory_space<vmem>>) offsets(%dma_start3A_19 : memref<128xi32, #tpu.memory_space<vmem>>) semaphore(%arg10 : memref<!tpu.dma_semaphore, #tpu.memory_space<semaphore_mem>>)
      %dma_start3A_23 = arith.constant 128 : i32
      %dma_start3A_24 = arith.constant 0 : i32
      %dma_start3A_25 = tpu.memref_slice %arg8[%dma_start3A_23, %dma_start3A_24] : memref<1280x32xf32, #tpu.memory_space<vmem>> -> memref<128x32xf32, #tpu.memory_space<vmem>>
      %dma_start3A_26 = arith.constant 128 : i32
      %dma_start3A_27 = tpu.memref_slice %arg6[%dma_start3A_26] : memref<1280xi32, #tpu.memory_space<vmem>> -> memref<128xi32, #tpu.memory_space<vmem>>
      %dma_start3A_28 = arith.constant 0 : i32
      %dma_start3A_29 = arith.constant 0 : i32
      %dma_start3A_30 = tpu.memref_slice %arg2[%dma_start3A_28, %dma_start3A_29] : memref<696320x32xf32, #tpu.memory_space<hbm>> -> memref<696320x32xf32, #tpu.memory_space<hbm>>
      tpu.enqueue_indirect_dma source(%dma_start3A_30 : memref<696320x32xf32, #tpu.memory_space<hbm>>) target(%dma_start3A_25 : memref<128x32xf32, #tpu.memory_space<vmem>>) offsets(%dma_start3A_27 : memref<128xi32, #tpu.memory_space<vmem>>) semaphore(%arg10 : memref<!tpu.dma_semaphore, #tpu.memory_space<semaphore_mem>>)
      %dma_start3A_31 = arith.constant 256 : i32
      %dma_start3A_32 = arith.constant 0 : i32
      %dma_start3A_33 = tpu.memref_slice %arg8[%dma_start3A_31, %dma_start3A_32] : memref<1280x32xf32, #tpu.memory_space<vmem>> -> memref<128x32xf32, #tpu.memory_space<vmem>>
      %dma_start3A_34 = arith.constant 256 : i32
      %dma_start3A_35 = tpu.memref_slice %arg6[%dma_start3A_34] : memref<1280xi32, #tpu.memory_space<vmem>> -> memref<128xi32, #tpu.memory_space<vmem>>
      %dma_start3A_36 = arith.constant 0 : i32
      %dma_start3A_37 = arith.constant 0 : i32
      %dma_start3A_38 = tpu.memref_slice %arg2[%dma_start3A_36, %dma_start3A_37] : memref<696320x32xf32, #tpu.memory_space<hbm>> -> memref<696320x32xf32, #tpu.memory_space<hbm>>
      tpu.enqueue_indirect_dma source(%dma_start3A_38 : memref<696320x32xf32, #tpu.memory_space<hbm>>) target(%dma_start3A_33 : memref<128x32xf32, #tpu.memory_space<vmem>>) offsets(%dma_start3A_35 : memref<128xi32, #tpu.memory_space<vmem>>) semaphore(%arg10 : memref<!tpu.dma_semaphore, #tpu.memory_space<semaphore_mem>>)
      %dma_start3A_39 = arith.constant 384 : i32
      %dma_start3A_40 = arith.constant 0 : i32
      %dma_start3A_41 = tpu.memref_slice %arg8[%dma_start3A_39, %dma_start3A_40] : memref<1280x32xf32, #tpu.memory_space<vmem>> -> memref<128x32xf32, #tpu.memory_space<vmem>>
      %dma_start3A_42 = arith.constant 384 : i32
      %dma_start3A_43 = tpu.memref_slice %arg6[%dma_start3A_42] : memref<1280xi32, #tpu.memory_space<vmem>> -> memref<128xi32, #tpu.memory_space<vmem>>
      %dma_start3A_44 = arith.constant 0 : i32
      %dma_start3A_45 = arith.constant 0 : i32
      %dma_start3A_46 = tpu.memref_slice %arg2[%dma_start3A_44, %dma_start3A_45] : memref<696320x32xf32, #tpu.memory_space<hbm>> -> memref<696320x32xf32, #tpu.memory_space<hbm>>
      tpu.enqueue_indirect_dma source(%dma_start3A_46 : memref<696320x32xf32, #tpu.memory_space<hbm>>) target(%dma_start3A_41 : memref<128x32xf32, #tpu.memory_space<vmem>>) offsets(%dma_start3A_43 : memref<128xi32, #tpu.memory_space<vmem>>) semaphore(%arg10 : memref<!tpu.dma_semaphore, #tpu.memory_space<semaphore_mem>>)
      %dma_start3A_47 = arith.constant 512 : i32
      %dma_start3A_48 = arith.constant 0 : i32
      %dma_start3A_49 = tpu.memref_slice %arg8[%dma_start3A_47, %dma_start3A_48] : memref<1280x32xf32, #tpu.memory_space<vmem>> -> memref<128x32xf32, #tpu.memory_space<vmem>>
      %dma_start3A_50 = arith.constant 512 : i32
      %dma_start3A_51 = tpu.memref_slice %arg6[%dma_start3A_50] : memref<1280xi32, #tpu.memory_space<vmem>> -> memref<128xi32, #tpu.memory_space<vmem>>
      %dma_start3A_52 = arith.constant 0 : i32
      %dma_start3A_53 = arith.constant 0 : i32
      %dma_start3A_54 = tpu.memref_slice %arg2[%dma_start3A_52, %dma_start3A_53] : memref<696320x32xf32, #tpu.memory_space<hbm>> -> memref<696320x32xf32, #tpu.memory_space<hbm>>
      tpu.enqueue_indirect_dma source(%dma_start3A_54 : memref<696320x32xf32, #tpu.memory_space<hbm>>) target(%dma_start3A_49 : memref<128x32xf32, #tpu.memory_space<vmem>>) offsets(%dma_start3A_51 : memref<128xi32, #tpu.memory_space<vmem>>) semaphore(%arg10 : memref<!tpu.dma_semaphore, #tpu.memory_space<semaphore_mem>>)
      %dma_start3A_55 = arith.constant 640 : i32
      %dma_start3A_56 = arith.constant 0 : i32
      %dma_start3A_57 = tpu.memref_slice %arg8[%dma_start3A_55, %dma_start3A_56] : memref<1280x32xf32, #tpu.memory_space<vmem>> -> memref<128x32xf32, #tpu.memory_space<vmem>>
      %dma_start3A_58 = arith.constant 640 : i32
      %dma_start3A_59 = tpu.memref_slice %arg6[%dma_start3A_58] : memref<1280xi32, #tpu.memory_space<vmem>> -> memref<128xi32, #tpu.memory_space<vmem>>
      %dma_start3A_60 = arith.constant 0 : i32
      %dma_start3A_61 = arith.constant 0 : i32
      %dma_start3A_62 = tpu.memref_slice %arg2[%dma_start3A_60, %dma_start3A_61] : memref<696320x32xf32, #tpu.memory_space<hbm>> -> memref<696320x32xf32, #tpu.memory_space<hbm>>
      tpu.enqueue_indirect_dma source(%dma_start3A_62 : memref<696320x32xf32, #tpu.memory_space<hbm>>) target(%dma_start3A_57 : memref<128x32xf32, #tpu.memory_space<vmem>>) offsets(%dma_start3A_59 : memref<128xi32, #tpu.memory_space<vmem>>) semaphore(%arg10 : memref<!tpu.dma_semaphore, #tpu.memory_space<semaphore_mem>>)
      %dma_start3A_63 = arith.constant 768 : i32
      %dma_start3A_64 = arith.constant 0 : i32
      %dma_start3A_65 = tpu.memref_slice %arg8[%dma_start3A_63, %dma_start3A_64] : memref<1280x32xf32, #tpu.memory_space<vmem>> -> memref<128x32xf32, #tpu.memory_space<vmem>>
      %dma_start3A_66 = arith.constant 768 : i32
      %dma_start3A_67 = tpu.memref_slice %arg6[%dma_start3A_66] : memref<1280xi32, #tpu.memory_space<vmem>> -> memref<128xi32, #tpu.memory_space<vmem>>
      %dma_start3A_68 = arith.constant 0 : i32
      %dma_start3A_69 = arith.constant 0 : i32
      %dma_start3A_70 = tpu.memref_slice %arg2[%dma_start3A_68, %dma_start3A_69] : memref<696320x32xf32, #tpu.memory_space<hbm>> -> memref<696320x32xf32, #tpu.memory_space<hbm>>
      tpu.enqueue_indirect_dma source(%dma_start3A_70 : memref<696320x32xf32, #tpu.memory_space<hbm>>) target(%dma_start3A_65 : memref<128x32xf32, #tpu.memory_space<vmem>>) offsets(%dma_start3A_67 : memref<128xi32, #tpu.memory_space<vmem>>) semaphore(%arg10 : memref<!tpu.dma_semaphore, #tpu.memory_space<semaphore_mem>>)
      %dma_start3A_71 = arith.constant 896 : i32
      %dma_start3A_72 = arith.constant 0 : i32
      %dma_start3A_73 = tpu.memref_slice %arg8[%dma_start3A_71, %dma_start3A_72] : memref<1280x32xf32, #tpu.memory_space<vmem>> -> memref<128x32xf32, #tpu.memory_space<vmem>>
      %dma_start3A_74 = arith.constant 896 : i32
      %dma_start3A_75 = tpu.memref_slice %arg6[%dma_start3A_74] : memref<1280xi32, #tpu.memory_space<vmem>> -> memref<128xi32, #tpu.memory_space<vmem>>
      %dma_start3A_76 = arith.constant 0 : i32
      %dma_start3A_77 = arith.constant 0 : i32
      %dma_start3A_78 = tpu.memref_slice %arg2[%dma_start3A_76, %dma_start3A_77] : memref<696320x32xf32, #tpu.memory_space<hbm>> -> memref<696320x32xf32, #tpu.memory_space<hbm>>
      tpu.enqueue_indirect_dma source(%dma_start3A_78 : memref<696320x32xf32, #tpu.memory_space<hbm>>) target(%dma_start3A_73 : memref<128x32xf32, #tpu.memory_space<vmem>>) offsets(%dma_start3A_75 : memref<128xi32, #tpu.memory_space<vmem>>) semaphore(%arg10 : memref<!tpu.dma_semaphore, #tpu.memory_space<semaphore_mem>>)
      %dma_start3A_79 = arith.constant 1024 : i32
      %dma_start3A_80 = arith.constant 0 : i32
      %dma_start3A_81 = tpu.memref_slice %arg8[%dma_start3A_79, %dma_start3A_80] : memref<1280x32xf32, #tpu.memory_space<vmem>> -> memref<128x32xf32, #tpu.memory_space<vmem>>
      %dma_start3A_82 = arith.constant 1024 : i32
      %dma_start3A_83 = tpu.memref_slice %arg6[%dma_start3A_82] : memref<1280xi32, #tpu.memory_space<vmem>> -> memref<128xi32, #tpu.memory_space<vmem>>
      %dma_start3A_84 = arith.constant 0 : i32
      %dma_start3A_85 = arith.constant 0 : i32
      %dma_start3A_86 = tpu.memref_slice %arg2[%dma_start3A_84, %dma_start3A_85] : memref<696320x32xf32, #tpu.memory_space<hbm>> -> memref<696320x32xf32, #tpu.memory_space<hbm>>
      tpu.enqueue_indirect_dma source(%dma_start3A_86 : memref<696320x32xf32, #tpu.memory_space<hbm>>) target(%dma_start3A_81 : memref<128x32xf32, #tpu.memory_space<vmem>>) offsets(%dma_start3A_83 : memref<128xi32, #tpu.memory_space<vmem>>) semaphore(%arg10 : memref<!tpu.dma_semaphore, #tpu.memory_space<semaphore_mem>>)
      %dma_start3A_87 = arith.constant 1152 : i32
      %dma_start3A_88 = arith.constant 0 : i32
      %dma_start3A_89 = tpu.memref_slice %arg8[%dma_start3A_87, %dma_start3A_88] : memref<1280x32xf32, #tpu.memory_space<vmem>> -> memref<128x32xf32, #tpu.memory_space<vmem>>
      %dma_start3A_90 = arith.constant 1152 : i32
      %dma_start3A_91 = tpu.memref_slice %arg6[%dma_start3A_90] : memref<1280xi32, #tpu.memory_space<vmem>> -> memref<128xi32, #tpu.memory_space<vmem>>
      %dma_start3A_92 = arith.constant 0 : i32
      %dma_start3A_93 = arith.constant 0 : i32
      %dma_start3A_94 = tpu.memref_slice %arg2[%dma_start3A_92, %dma_start3A_93] : memref<696320x32xf32, #tpu.memory_space<hbm>> -> memref<696320x32xf32, #tpu.memory_space<hbm>>
      tpu.enqueue_indirect_dma source(%dma_start3A_94 : memref<696320x32xf32, #tpu.memory_space<hbm>>) target(%dma_start3A_89 : memref<128x32xf32, #tpu.memory_space<vmem>>) offsets(%dma_start3A_91 : memref<128xi32, #tpu.memory_space<vmem>>) semaphore(%arg10 : memref<!tpu.dma_semaphore, #tpu.memory_space<semaphore_mem>>)
      %dma_wait3A = arith.constant 0 : i32
      %dma_wait3A_95 = arith.constant 0 : i32
      %dma_wait3A_96 = tpu.memref_slice %arg8[%dma_wait3A, %dma_wait3A_95] : memref<1280x32xf32, #tpu.memory_space<vmem>> -> memref<128x32xf32, #tpu.memory_space<vmem>>
      %dma_wait3A_97 = arith.constant 0 : i32
      %dma_wait3A_98 = tpu.memref_slice %arg6[%dma_wait3A_97] : memref<1280xi32, #tpu.memory_space<vmem>> -> memref<128xi32, #tpu.memory_space<vmem>>
      %dma_wait3A_99 = arith.constant 0 : i32
      %dma_wait3A_100 = arith.constant 0 : i32
      %dma_wait3A_101 = tpu.memref_slice %arg2[%dma_wait3A_99, %dma_wait3A_100] : memref<696320x32xf32, #tpu.memory_space<hbm>> -> memref<696320x32xf32, #tpu.memory_space<hbm>>
      tpu.wait_indirect_dma semaphore(%arg10 : memref<!tpu.dma_semaphore, #tpu.memory_space<semaphore_mem>>) src(%dma_wait3A_101 : memref<696320x32xf32, #tpu.memory_space<hbm>>) dst(%dma_wait3A_96 : memref<128x32xf32, #tpu.memory_space<vmem>>)
      %dma_wait3A_102 = arith.constant 128 : i32
      %dma_wait3A_103 = arith.constant 0 : i32
      %dma_wait3A_104 = tpu.memref_slice %arg8[%dma_wait3A_102, %dma_wait3A_103] : memref<1280x32xf32, #tpu.memory_space<vmem>> -> memref<128x32xf32, #tpu.memory_space<vmem>>
      %dma_wait3A_105 = arith.constant 128 : i32
      %dma_wait3A_106 = tpu.memref_slice %arg6[%dma_wait3A_105] : memref<1280xi32, #tpu.memory_space<vmem>> -> memref<128xi32, #tpu.memory_space<vmem>>
      %dma_wait3A_107 = arith.constant 0 : i32
      %dma_wait3A_108 = arith.constant 0 : i32
      %dma_wait3A_109 = tpu.memref_slice %arg2[%dma_wait3A_107, %dma_wait3A_108] : memref<696320x32xf32, #tpu.memory_space<hbm>> -> memref<696320x32xf32, #tpu.memory_space<hbm>>
      tpu.wait_indirect_dma semaphore(%arg10 : memref<!tpu.dma_semaphore, #tpu.memory_space<semaphore_mem>>) src(%dma_wait3A_109 : memref<696320x32xf32, #tpu.memory_space<hbm>>) dst(%dma_wait3A_104 : memref<128x32xf32, #tpu.memory_space<vmem>>)
      %dma_wait3A_110 = arith.constant 256 : i32
      %dma_wait3A_111 = arith.constant 0 : i32
      %dma_wait3A_112 = tpu.memref_slice %arg8[%dma_wait3A_110, %dma_wait3A_111] : memref<1280x32xf32, #tpu.memory_space<vmem>> -> memref<128x32xf32, #tpu.memory_space<vmem>>
      %dma_wait3A_113 = arith.constant 256 : i32
      %dma_wait3A_114 = tpu.memref_slice %arg6[%dma_wait3A_113] : memref<1280xi32, #tpu.memory_space<vmem>> -> memref<128xi32, #tpu.memory_space<vmem>>
      %dma_wait3A_115 = arith.constant 0 : i32
      %dma_wait3A_116 = arith.constant 0 : i32
      %dma_wait3A_117 = tpu.memref_slice %arg2[%dma_wait3A_115, %dma_wait3A_116] : memref<696320x32xf32, #tpu.memory_space<hbm>> -> memref<696320x32xf32, #tpu.memory_space<hbm>>
      tpu.wait_indirect_dma semaphore(%arg10 : memref<!tpu.dma_semaphore, #tpu.memory_space<semaphore_mem>>) src(%dma_wait3A_117 : memref<696320x32xf32, #tpu.memory_space<hbm>>) dst(%dma_wait3A_112 : memref<128x32xf32, #tpu.memory_space<vmem>>)
      %dma_wait3A_118 = arith.constant 384 : i32
      %dma_wait3A_119 = arith.constant 0 : i32
      %dma_wait3A_120 = tpu.memref_slice %arg8[%dma_wait3A_118, %dma_wait3A_119] : memref<1280x32xf32, #tpu.memory_space<vmem>> -> memref<128x32xf32, #tpu.memory_space<vmem>>
      %dma_wait3A_121 = arith.constant 384 : i32
      %dma_wait3A_122 = tpu.memref_slice %arg6[%dma_wait3A_121] : memref<1280xi32, #tpu.memory_space<vmem>> -> memref<128xi32, #tpu.memory_space<vmem>>
      %dma_wait3A_123 = arith.constant 0 : i32
      %dma_wait3A_124 = arith.constant 0 : i32
      %dma_wait3A_125 = tpu.memref_slice %arg2[%dma_wait3A_123, %dma_wait3A_124] : memref<696320x32xf32, #tpu.memory_space<hbm>> -> memref<696320x32xf32, #tpu.memory_space<hbm>>
      tpu.wait_indirect_dma semaphore(%arg10 : memref<!tpu.dma_semaphore, #tpu.memory_space<semaphore_mem>>) src(%dma_wait3A_125 : memref<696320x32xf32, #tpu.memory_space<hbm>>) dst(%dma_wait3A_120 : memref<128x32xf32, #tpu.memory_space<vmem>>)
      %dma_wait3A_126 = arith.constant 512 : i32
      %dma_wait3A_127 = arith.constant 0 : i32
      %dma_wait3A_128 = tpu.memref_slice %arg8[%dma_wait3A_126, %dma_wait3A_127] : memref<1280x32xf32, #tpu.memory_space<vmem>> -> memref<128x32xf32, #tpu.memory_space<vmem>>
      %dma_wait3A_129 = arith.constant 512 : i32
      %dma_wait3A_130 = tpu.memref_slice %arg6[%dma_wait3A_129] : memref<1280xi32, #tpu.memory_space<vmem>> -> memref<128xi32, #tpu.memory_space<vmem>>
      %dma_wait3A_131 = arith.constant 0 : i32
      %dma_wait3A_132 = arith.constant 0 : i32
      %dma_wait3A_133 = tpu.memref_slice %arg2[%dma_wait3A_131, %dma_wait3A_132] : memref<696320x32xf32, #tpu.memory_space<hbm>> -> memref<696320x32xf32, #tpu.memory_space<hbm>>
      tpu.wait_indirect_dma semaphore(%arg10 : memref<!tpu.dma_semaphore, #tpu.memory_space<semaphore_mem>>) src(%dma_wait3A_133 : memref<696320x32xf32, #tpu.memory_space<hbm>>) dst(%dma_wait3A_128 : memref<128x32xf32, #tpu.memory_space<vmem>>)
      %dma_wait3A_134 = arith.constant 640 : i32
      %dma_wait3A_135 = arith.constant 0 : i32
      %dma_wait3A_136 = tpu.memref_slice %arg8[%dma_wait3A_134, %dma_wait3A_135] : memref<1280x32xf32, #tpu.memory_space<vmem>> -> memref<128x32xf32, #tpu.memory_space<vmem>>
      %dma_wait3A_137 = arith.constant 640 : i32
      %dma_wait3A_138 = tpu.memref_slice %arg6[%dma_wait3A_137] : memref<1280xi32, #tpu.memory_space<vmem>> -> memref<128xi32, #tpu.memory_space<vmem>>
      %dma_wait3A_139 = arith.constant 0 : i32
      %dma_wait3A_140 = arith.constant 0 : i32
      %dma_wait3A_141 = tpu.memref_slice %arg2[%dma_wait3A_139, %dma_wait3A_140] : memref<696320x32xf32, #tpu.memory_space<hbm>> -> memref<696320x32xf32, #tpu.memory_space<hbm>>
      tpu.wait_indirect_dma semaphore(%arg10 : memref<!tpu.dma_semaphore, #tpu.memory_space<semaphore_mem>>) src(%dma_wait3A_141 : memref<696320x32xf32, #tpu.memory_space<hbm>>) dst(%dma_wait3A_136 : memref<128x32xf32, #tpu.memory_space<vmem>>)
      %dma_wait3A_142 = arith.constant 768 : i32
      %dma_wait3A_143 = arith.constant 0 : i32
      %dma_wait3A_144 = tpu.memref_slice %arg8[%dma_wait3A_142, %dma_wait3A_143] : memref<1280x32xf32, #tpu.memory_space<vmem>> -> memref<128x32xf32, #tpu.memory_space<vmem>>
      %dma_wait3A_145 = arith.constant 768 : i32
      %dma_wait3A_146 = tpu.memref_slice %arg6[%dma_wait3A_145] : memref<1280xi32, #tpu.memory_space<vmem>> -> memref<128xi32, #tpu.memory_space<vmem>>
      %dma_wait3A_147 = arith.constant 0 : i32
      %dma_wait3A_148 = arith.constant 0 : i32
      %dma_wait3A_149 = tpu.memref_slice %arg2[%dma_wait3A_147, %dma_wait3A_148] : memref<696320x32xf32, #tpu.memory_space<hbm>> -> memref<696320x32xf32, #tpu.memory_space<hbm>>
      tpu.wait_indirect_dma semaphore(%arg10 : memref<!tpu.dma_semaphore, #tpu.memory_space<semaphore_mem>>) src(%dma_wait3A_149 : memref<696320x32xf32, #tpu.memory_space<hbm>>) dst(%dma_wait3A_144 : memref<128x32xf32, #tpu.memory_space<vmem>>)
      %dma_wait3A_150 = arith.constant 896 : i32
      %dma_wait3A_151 = arith.constant 0 : i32
      %dma_wait3A_152 = tpu.memref_slice %arg8[%dma_wait3A_150, %dma_wait3A_151] : memref<1280x32xf32, #tpu.memory_space<vmem>> -> memref<128x32xf32, #tpu.memory_space<vmem>>
      %dma_wait3A_153 = arith.constant 896 : i32
      %dma_wait3A_154 = tpu.memref_slice %arg6[%dma_wait3A_153] : memref<1280xi32, #tpu.memory_space<vmem>> -> memref<128xi32, #tpu.memory_space<vmem>>
      %dma_wait3A_155 = arith.constant 0 : i32
      %dma_wait3A_156 = arith.constant 0 : i32
      %dma_wait3A_157 = tpu.memref_slice %arg2[%dma_wait3A_155, %dma_wait3A_156] : memref<696320x32xf32, #tpu.memory_space<hbm>> -> memref<696320x32xf32, #tpu.memory_space<hbm>>
      tpu.wait_indirect_dma semaphore(%arg10 : memref<!tpu.dma_semaphore, #tpu.memory_space<semaphore_mem>>) src(%dma_wait3A_157 : memref<696320x32xf32, #tpu.memory_space<hbm>>) dst(%dma_wait3A_152 : memref<128x32xf32, #tpu.memory_space<vmem>>)
      %dma_wait3A_158 = arith.constant 1024 : i32
      %dma_wait3A_159 = arith.constant 0 : i32
      %dma_wait3A_160 = tpu.memref_slice %arg8[%dma_wait3A_158, %dma_wait3A_159] : memref<1280x32xf32, #tpu.memory_space<vmem>> -> memref<128x32xf32, #tpu.memory_space<vmem>>
      %dma_wait3A_161 = arith.constant 1024 : i32
      %dma_wait3A_162 = tpu.memref_slice %arg6[%dma_wait3A_161] : memref<1280xi32, #tpu.memory_space<vmem>> -> memref<128xi32, #tpu.memory_space<vmem>>
      %dma_wait3A_163 = arith.constant 0 : i32
      %dma_wait3A_164 = arith.constant 0 : i32
      %dma_wait3A_165 = tpu.memref_slice %arg2[%dma_wait3A_163, %dma_wait3A_164] : memref<696320x32xf32, #tpu.memory_space<hbm>> -> memref<696320x32xf32, #tpu.memory_space<hbm>>
      tpu.wait_indirect_dma semaphore(%arg10 : memref<!tpu.dma_semaphore, #tpu.memory_space<semaphore_mem>>) src(%dma_wait3A_165 : memref<696320x32xf32, #tpu.memory_space<hbm>>) dst(%dma_wait3A_160 : memref<128x32xf32, #tpu.memory_space<vmem>>)
      %dma_wait3A_166 = arith.constant 1152 : i32
      %dma_wait3A_167 = arith.constant 0 : i32
      %dma_wait3A_168 = tpu.memref_slice %arg8[%dma_wait3A_166, %dma_wait3A_167] : memref<1280x32xf32, #tpu.memory_space<vmem>> -> memref<128x32xf32, #tpu.memory_space<vmem>>
      %dma_wait3A_169 = arith.constant 1152 : i32
      %dma_wait3A_170 = tpu.memref_slice %arg6[%dma_wait3A_169] : memref<1280xi32, #tpu.memory_space<vmem>> -> memref<128xi32, #tpu.memory_space<vmem>>
      %dma_wait3A_171 = arith.constant 0 : i32
      %dma_wait3A_172 = arith.constant 0 : i32
      %dma_wait3A_173 = tpu.memref_slice %arg2[%dma_wait3A_171, %dma_wait3A_172] : memref<696320x32xf32, #tpu.memory_space<hbm>> -> memref<696320x32xf32, #tpu.memory_space<hbm>>
      tpu.wait_indirect_dma semaphore(%arg10 : memref<!tpu.dma_semaphore, #tpu.memory_space<semaphore_mem>>) src(%dma_wait3A_173 : memref<696320x32xf32, #tpu.memory_space<hbm>>) dst(%dma_wait3A_168 : memref<128x32xf32, #tpu.memory_space<vmem>>)
      %scan3A_174 = arith.constant 0 : i32
      %scan3A_175 = arith.constant 0 : i32
      %scan3A_176 = arith.constant 20 : i32
      %scan3A_177 = arith.addi %scan3A_175, %scan3A_176 : i32
      %scan3A_178 = arith.constant 1 : i32
      %scan3A_179 = scf.for %scan3A_184 = %scan3A_175 to %scan3A_177 step %scan3A_178 iter_args(%scan3A_185 = %scan3A_174) -> (i32)  : i32 {
        %mul3A_186 = arith.constant 64 : i32
        %mul3A_187 = arith.muli %scan3A_184, %mul3A_186 : i32
        %broadcast_in_dim3A = arith.constant 0.000000e+00 : f32
        %broadcast_in_dim3A_188 = vector.broadcast %broadcast_in_dim3A : f32 to vector<16xf32>
        %broadcast_in_dim3A_189 = arith.constant 0.000000e+00 : f32
        %broadcast_in_dim3A_190 = vector.broadcast %broadcast_in_dim3A_189 : f32 to vector<16xf32>
        %add3A_191 = arith.constant 0 : i32
        %add3A_192 = arith.addi %mul3A_187, %add3A_191 : i32
        %get3A = arith.index_cast %add3A_192 : i32 to index
        %get3A_193 = tpu.vector_load %arg7[%get3A] {strides = array<i32>} : memref<1280xf32, #tpu.memory_space<vmem>>, vector<16xf32>,
        %get3A_194 = vector.shape_cast %get3A_193 : vector<16xf32> to vector<16xf32>
        %add3A_195 = arith.constant 0 : i32
        %add3A_196 = arith.addi %mul3A_187, %add3A_195 : i32
        %add3A_197 = arith.constant 0 : i32
        %add3A_198 = arith.addi %add3A_196, %add3A_197 : i32
        %broadcast_in_dim3A_199 = arith.constant 0 : i32
        %broadcast_in_dim3A_200 = vector.broadcast %broadcast_in_dim3A_199 : i32 to vector<16x1xi32>
        %gather3A = vector.shape_cast %broadcast_in_dim3A_200 : vector<16x1xi32> to vector<16xi32>
        %gather3A_201 = tpu.dynamic_gather %get3A_194[%gather3A] in [0] : vector<16xf32>, vector<16xi32> -> vector<16xf32>
        %get3A_202 = arith.index_cast %add3A_198 : i32 to index
        %get3A_203 = arith.constant 0 : index
        %get3A_204 = tpu.vector_load %arg8[%get3A_202, %get3A_203] {strides = array<i32>} : memref<1280x32xf32, #tpu.memory_space<vmem>>, vector<1x16xf32>,
        %get3A_205 = vector.shape_cast %get3A_204 : vector<1x16xf32> to vector<16xf32>
        %mul3A_206 = arith.mulf %gather3A_201, %get3A_205 : vector<16xf32>
        %add3A_207 = arith.addf %broadcast_in_dim3A_188, %mul3A_206 : vector<16xf32>
        %get3A_208 = arith.index_cast %add3A_198 : i32 to index
        %get3A_209 = arith.constant 16 : index
        %get3A_210 = tpu.vector_load %arg8[%get3A_208, %get3A_209] {strides = array<i32>} : memref<1280x32xf32, #tpu.memory_space<vmem>>, vector<1x16xf32>,
        %get3A_211 = vector.shape_cast %get3A_210 : vector<1x16xf32> to vector<16xf32>
        %mul3A_212 = arith.mulf %gather3A_201, %get3A_211 : vector<16xf32>
        %add3A_213 = arith.addf %broadcast_in_dim3A_190, %mul3A_212 : vector<16xf32>
        %add3A_214 = arith.constant 0 : i32
        %add3A_215 = arith.addi %mul3A_187, %add3A_214 : i32
        %add3A_216 = arith.constant 1 : i32
        %add3A_217 = arith.addi %add3A_215, %add3A_216 : i32
        %broadcast_in_dim3A_218 = arith.constant 1 : i32
        %broadcast_in_dim3A_219 = vector.broadcast %broadcast_in_dim3A_218 : i32 to vector<16x1xi32>
        %gather3A_220 = vector.shape_cast %broadcast_in_dim3A_219 : vector<16x1xi32> to vector<16xi32>
        %gather3A_221 = tpu.dynamic_gather %get3A_194[%gather3A_220] in [0] : vector<16xf32>, vector<16xi32> -> vector<16xf32>
        %get3A_222 = arith.index_cast %add3A_217 : i32 to index
        %get3A_223 = arith.constant 0 : index
        %get3A_224 = tpu.vector_load %arg8[%get3A_222, %get3A_223] {strides = array<i32>} : memref<1280x32xf32, #tpu.memory_space<vmem>>, vector<1x16xf32>,
        %get3A_225 = vector.shape_cast %get3A_224 : vector<1x16xf32> to vector<16xf32>
        %mul3A_226 = arith.mulf %gather3A_221, %get3A_225 : vector<16xf32>
        %add3A_227 = arith.addf %add3A_207, %mul3A_226 : vector<16xf32>
        %get3A_228 = arith.index_cast %add3A_217 : i32 to index
        %get3A_229 = arith.constant 16 : index
        %get3A_230 = tpu.vector_load %arg8[%get3A_228, %get3A_229] {strides = array<i32>} : memref<1280x32xf32, #tpu.memory_space<vmem>>, vector<1x16xf32>,
        %get3A_231 = vector.shape_cast %get3A_230 : vector<1x16xf32> to vector<16xf32>
        %mul3A_232 = arith.mulf %gather3A_221, %get3A_231 : vector<16xf32>
        %add3A_233 = arith.addf %add3A_213, %mul3A_232 : vector<16xf32>
        %add3A_234 = arith.constant 0 : i32
        %add3A_235 = arith.addi %mul3A_187, %add3A_234 : i32
        %add3A_236 = arith.constant 2 : i32
        %add3A_237 = arith.addi %add3A_235, %add3A_236 : i32
        %broadcast_in_dim3A_238 = arith.constant 2 : i32
        %broadcast_in_dim3A_239 = vector.broadcast %broadcast_in_dim3A_238 : i32 to vector<16x1xi32>
        %gather3A_240 = vector.shape_cast %broadcast_in_dim3A_239 : vector<16x1xi32> to vector<16xi32>
        %gather3A_241 = tpu.dynamic_gather %get3A_194[%gather3A_240] in [0] : vector<16xf32>, vector<16xi32> -> vector<16xf32>
        %get3A_242 = arith.index_cast %add3A_237 : i32 to index
        %get3A_243 = arith.constant 0 : index
        %get3A_244 = tpu.vector_load %arg8[%get3A_242, %get3A_243] {strides = array<i32>} : memref<1280x32xf32, #tpu.memory_space<vmem>>, vector<1x16xf32>,
        %get3A_245 = vector.shape_cast %get3A_244 : vector<1x16xf32> to vector<16xf32>
        %mul3A_246 = arith.mulf %gather3A_241, %get3A_245 : vector<16xf32>
        %add3A_247 = arith.addf %add3A_227, %mul3A_246 : vector<16xf32>
        %get3A_248 = arith.index_cast %add3A_237 : i32 to index
        %get3A_249 = arith.constant 16 : index
        %get3A_250 = tpu.vector_load %arg8[%get3A_248, %get3A_249] {strides = array<i32>} : memref<1280x32xf32, #tpu.memory_space<vmem>>, vector<1x16xf32>,
        %get3A_251 = vector.shape_cast %get3A_250 : vector<1x16xf32> to vector<16xf32>
        %mul3A_252 = arith.mulf %gather3A_241, %get3A_251 : vector<16xf32>
        %add3A_253 = arith.addf %add3A_233, %mul3A_252 : vector<16xf32>
        %add3A_254 = arith.constant 0 : i32
        %add3A_255 = arith.addi %mul3A_187, %add3A_254 : i32
        %add3A_256 = arith.constant 3 : i32
        %add3A_257 = arith.addi %add3A_255, %add3A_256 : i32
        %broadcast_in_dim3A_258 = arith.constant 3 : i32
        %broadcast_in_dim3A_259 = vector.broadcast %broadcast_in_dim3A_258 : i32 to vector<16x1xi32>
        %gather3A_260 = vector.shape_cast %broadcast_in_dim3A_259 : vector<16x1xi32> to vector<16xi32>
        %gather3A_261 = tpu.dynamic_gather %get3A_194[%gather3A_260] in [0] : vector<16xf32>, vector<16xi32> -> vector<16xf32>
        %get3A_262 = arith.index_cast %add3A_257 : i32 to index
        %get3A_263 = arith.constant 0 : index
        %get3A_264 = tpu.vector_load %arg8[%get3A_262, %get3A_263] {strides = array<i32>} : memref<1280x32xf32, #tpu.memory_space<vmem>>, vector<1x16xf32>,
        %get3A_265 = vector.shape_cast %get3A_264 : vector<1x16xf32> to vector<16xf32>
        %mul3A_266 = arith.mulf %gather3A_261, %get3A_265 : vector<16xf32>
        %add3A_267 = arith.addf %add3A_247, %mul3A_266 : vector<16xf32>
        %get3A_268 = arith.index_cast %add3A_257 : i32 to index
        %get3A_269 = arith.constant 16 : index
        %get3A_270 = tpu.vector_load %arg8[%get3A_268, %get3A_269] {strides = array<i32>} : memref<1280x32xf32, #tpu.memory_space<vmem>>, vector<1x16xf32>,
        %get3A_271 = vector.shape_cast %get3A_270 : vector<1x16xf32> to vector<16xf32>
        %mul3A_272 = arith.mulf %gather3A_261, %get3A_271 : vector<16xf32>
        %add3A_273 = arith.addf %add3A_253, %mul3A_272 : vector<16xf32>
        %add3A_274 = arith.constant 0 : i32
        %add3A_275 = arith.addi %mul3A_187, %add3A_274 : i32
        %add3A_276 = arith.constant 4 : i32
        %add3A_277 = arith.addi %add3A_275, %add3A_276 : i32
        %broadcast_in_dim3A_278 = arith.constant 4 : i32
        %broadcast_in_dim3A_279 = vector.broadcast %broadcast_in_dim3A_278 : i32 to vector<16x1xi32>
        %gather3A_280 = vector.shape_cast %broadcast_in_dim3A_279 : vector<16x1xi32> to vector<16xi32>
        %gather3A_281 = tpu.dynamic_gather %get3A_194[%gather3A_280] in [0] : vector<16xf32>, vector<16xi32> -> vector<16xf32>
        %get3A_282 = arith.index_cast %add3A_277 : i32 to index
        %get3A_283 = arith.constant 0 : index
        %get3A_284 = tpu.vector_load %arg8[%get3A_282, %get3A_283] {strides = array<i32>} : memref<1280x32xf32, #tpu.memory_space<vmem>>, vector<1x16xf32>,
        %get3A_285 = vector.shape_cast %get3A_284 : vector<1x16xf32> to vector<16xf32>
        %mul3A_286 = arith.mulf %gather3A_281, %get3A_285 : vector<16xf32>
        %add3A_287 = arith.addf %add3A_267, %mul3A_286 : vector<16xf32>
        %get3A_288 = arith.index_cast %add3A_277 : i32 to index
        %get3A_289 = arith.constant 16 : index
        %get3A_290 = tpu.vector_load %arg8[%get3A_288, %get3A_289] {strides = array<i32>} : memref<1280x32xf32, #tpu.memory_space<vmem>>, vector<1x16xf32>,
        %get3A_291 = vector.shape_cast %get3A_290 : vector<1x16xf32> to vector<16xf32>
        %mul3A_292 = arith.mulf %gather3A_281, %get3A_291 : vector<16xf32>
        %add3A_293 = arith.addf %add3A_273, %mul3A_292 : vector<16xf32>
        %add3A_294 = arith.constant 0 : i32
        %add3A_295 = arith.addi %mul3A_187, %add3A_294 : i32
        %add3A_296 = arith.constant 5 : i32
        %add3A_297 = arith.addi %add3A_295, %add3A_296 : i32
        %broadcast_in_dim3A_298 = arith.constant 5 : i32
        %broadcast_in_dim3A_299 = vector.broadcast %broadcast_in_dim3A_298 : i32 to vector<16x1xi32>
        %gather3A_300 = vector.shape_cast %broadcast_in_dim3A_299 : vector<16x1xi32> to vector<16xi32>
        %gather3A_301 = tpu.dynamic_gather %get3A_194[%gather3A_300] in [0] : vector<16xf32>, vector<16xi32> -> vector<16xf32>
        %get3A_302 = arith.index_cast %add3A_297 : i32 to index
        %get3A_303 = arith.constant 0 : index
        %get3A_304 = tpu.vector_load %arg8[%get3A_302, %get3A_303] {strides = array<i32>} : memref<1280x32xf32, #tpu.memory_space<vmem>>, vector<1x16xf32>,
        %get3A_305 = vector.shape_cast %get3A_304 : vector<1x16xf32> to vector<16xf32>
        %mul3A_306 = arith.mulf %gather3A_301, %get3A_305 : vector<16xf32>
        %add3A_307 = arith.addf %add3A_287, %mul3A_306 : vector<16xf32>
        %get3A_308 = arith.index_cast %add3A_297 : i32 to index
        %get3A_309 = arith.constant 16 : index
        %get3A_310 = tpu.vector_load %arg8[%get3A_308, %get3A_309] {strides = array<i32>} : memref<1280x32xf32, #tpu.memory_space<vmem>>, vector<1x16xf32>,
        %get3A_311 = vector.shape_cast %get3A_310 : vector<1x16xf32> to vector<16xf32>
        %mul3A_312 = arith.mulf %gather3A_301, %get3A_311 : vector<16xf32>
        %add3A_313 = arith.addf %add3A_293, %mul3A_312 : vector<16xf32>
        %add3A_314 = arith.constant 0 : i32
        %add3A_315 = arith.addi %mul3A_187, %add3A_314 : i32
        %add3A_316 = arith.constant 6 : i32
        %add3A_317 = arith.addi %add3A_315, %add3A_316 : i32
        %broadcast_in_dim3A_318 = arith.constant 6 : i32
        %broadcast_in_dim3A_319 = vector.broadcast %broadcast_in_dim3A_318 : i32 to vector<16x1xi32>
        %gather3A_320 = vector.shape_cast %broadcast_in_dim3A_319 : vector<16x1xi32> to vector<16xi32>
        %gather3A_321 = tpu.dynamic_gather %get3A_194[%gather3A_320] in [0] : vector<16xf32>, vector<16xi32> -> vector<16xf32>
        %get3A_322 = arith.index_cast %add3A_317 : i32 to index
        %get3A_323 = arith.constant 0 : index
        %get3A_324 = tpu.vector_load %arg8[%get3A_322, %get3A_323] {strides = array<i32>} : memref<1280x32xf32, #tpu.memory_space<vmem>>, vector<1x16xf32>,
        %get3A_325 = vector.shape_cast %get3A_324 : vector<1x16xf32> to vector<16xf32>
        %mul3A_326 = arith.mulf %gather3A_321, %get3A_325 : vector<16xf32>
        %add3A_327 = arith.addf %add3A_307, %mul3A_326 : vector<16xf32>
        %get3A_328 = arith.index_cast %add3A_317 : i32 to index
        %get3A_329 = arith.constant 16 : index
        %get3A_330 = tpu.vector_load %arg8[%get3A_328, %get3A_329] {strides = array<i32>} : memref<1280x32xf32, #tpu.memory_space<vmem>>, vector<1x16xf32>,
        %get3A_331 = vector.shape_cast %get3A_330 : vector<1x16xf32> to vector<16xf32>
        %mul3A_332 = arith.mulf %gather3A_321, %get3A_331 : vector<16xf32>
        %add3A_333 = arith.addf %add3A_313, %mul3A_332 : vector<16xf32>
        %add3A_334 = arith.constant 0 : i32
        %add3A_335 = arith.addi %mul3A_187, %add3A_334 : i32
        %add3A_336 = arith.constant 7 : i32
        %add3A_337 = arith.addi %add3A_335, %add3A_336 : i32
        %broadcast_in_dim3A_338 = arith.constant 7 : i32
        %broadcast_in_dim3A_339 = vector.broadcast %broadcast_in_dim3A_338 : i32 to vector<16x1xi32>
        %gather3A_340 = vector.shape_cast %broadcast_in_dim3A_339 : vector<16x1xi32> to vector<16xi32>
        %gather3A_341 = tpu.dynamic_gather %get3A_194[%gather3A_340] in [0] : vector<16xf32>, vector<16xi32> -> vector<16xf32>
        %get3A_342 = arith.index_cast %add3A_337 : i32 to index
        %get3A_343 = arith.constant 0 : index
        %get3A_344 = tpu.vector_load %arg8[%get3A_342, %get3A_343] {strides = array<i32>} : memref<1280x32xf32, #tpu.memory_space<vmem>>, vector<1x16xf32>,
        %get3A_345 = vector.shape_cast %get3A_344 : vector<1x16xf32> to vector<16xf32>
        %mul3A_346 = arith.mulf %gather3A_341, %get3A_345 : vector<16xf32>
        %add3A_347 = arith.addf %add3A_327, %mul3A_346 : vector<16xf32>
        %get3A_348 = arith.index_cast %add3A_337 : i32 to index
        %get3A_349 = arith.constant 16 : index
        %get3A_350 = tpu.vector_load %arg8[%get3A_348, %get3A_349] {strides = array<i32>} : memref<1280x32xf32, #tpu.memory_space<vmem>>, vector<1x16xf32>,
        %get3A_351 = vector.shape_cast %get3A_350 : vector<1x16xf32> to vector<16xf32>
        %mul3A_352 = arith.mulf %gather3A_341, %get3A_351 : vector<16xf32>
        %add3A_353 = arith.addf %add3A_333, %mul3A_352 : vector<16xf32>
        %add3A_354 = arith.constant 0 : i32
        %add3A_355 = arith.addi %mul3A_187, %add3A_354 : i32
        %add3A_356 = arith.constant 8 : i32
        %add3A_357 = arith.addi %add3A_355, %add3A_356 : i32
        %broadcast_in_dim3A_358 = arith.constant 8 : i32
        %broadcast_in_dim3A_359 = vector.broadcast %broadcast_in_dim3A_358 : i32 to vector<16x1xi32>
        %gather3A_360 = vector.shape_cast %broadcast_in_dim3A_359 : vector<16x1xi32> to vector<16xi32>
        %gather3A_361 = tpu.dynamic_gather %get3A_194[%gather3A_360] in [0] : vector<16xf32>, vector<16xi32> -> vector<16xf32>
        %get3A_362 = arith.index_cast %add3A_357 : i32 to index
        %get3A_363 = arith.constant 0 : index
        %get3A_364 = tpu.vector_load %arg8[%get3A_362, %get3A_363] {strides = array<i32>} : memref<1280x32xf32, #tpu.memory_space<vmem>>, vector<1x16xf32>,
        %get3A_365 = vector.shape_cast %get3A_364 : vector<1x16xf32> to vector<16xf32>
        %mul3A_366 = arith.mulf %gather3A_361, %get3A_365 : vector<16xf32>
        %add3A_367 = arith.addf %add3A_347, %mul3A_366 : vector<16xf32>
        %get3A_368 = arith.index_cast %add3A_357 : i32 to index
        %get3A_369 = arith.constant 16 : index
        %get3A_370 = tpu.vector_load %arg8[%get3A_368, %get3A_369] {strides = array<i32>} : memref<1280x32xf32, #tpu.memory_space<vmem>>, vector<1x16xf32>,
        %get3A_371 = vector.shape_cast %get3A_370 : vector<1x16xf32> to vector<16xf32>
        %mul3A_372 = arith.mulf %gather3A_361, %get3A_371 : vector<16xf32>
        %add3A_373 = arith.addf %add3A_353, %mul3A_372 : vector<16xf32>
        %add3A_374 = arith.constant 0 : i32
        %add3A_375 = arith.addi %mul3A_187, %add3A_374 : i32
        %add3A_376 = arith.constant 9 : i32
        %add3A_377 = arith.addi %add3A_375, %add3A_376 : i32
        %broadcast_in_dim3A_378 = arith.constant 9 : i32
        %broadcast_in_dim3A_379 = vector.broadcast %broadcast_in_dim3A_378 : i32 to vector<16x1xi32>
        %gather3A_380 = vector.shape_cast %broadcast_in_dim3A_379 : vector<16x1xi32> to vector<16xi32>
        %gather3A_381 = tpu.dynamic_gather %get3A_194[%gather3A_380] in [0] : vector<16xf32>, vector<16xi32> -> vector<16xf32>
        %get3A_382 = arith.index_cast %add3A_377 : i32 to index
        %get3A_383 = arith.constant 0 : index
        %get3A_384 = tpu.vector_load %arg8[%get3A_382, %get3A_383] {strides = array<i32>} : memref<1280x32xf32, #tpu.memory_space<vmem>>, vector<1x16xf32>,
        %get3A_385 = vector.shape_cast %get3A_384 : vector<1x16xf32> to vector<16xf32>
        %mul3A_386 = arith.mulf %gather3A_381, %get3A_385 : vector<16xf32>
        %add3A_387 = arith.addf %add3A_367, %mul3A_386 : vector<16xf32>
        %get3A_388 = arith.index_cast %add3A_377 : i32 to index
        %get3A_389 = arith.constant 16 : index
        %get3A_390 = tpu.vector_load %arg8[%get3A_388, %get3A_389] {strides = array<i32>} : memref<1280x32xf32, #tpu.memory_space<vmem>>, vector<1x16xf32>,
        %get3A_391 = vector.shape_cast %get3A_390 : vector<1x16xf32> to vector<16xf32>
        %mul3A_392 = arith.mulf %gather3A_381, %get3A_391 : vector<16xf32>
        %add3A_393 = arith.addf %add3A_373, %mul3A_392 : vector<16xf32>
        %add3A_394 = arith.constant 0 : i32
        %add3A_395 = arith.addi %mul3A_187, %add3A_394 : i32
        %add3A_396 = arith.constant 10 : i32
        %add3A_397 = arith.addi %add3A_395, %add3A_396 : i32
        %broadcast_in_dim3A_398 = arith.constant 10 : i32
        %broadcast_in_dim3A_399 = vector.broadcast %broadcast_in_dim3A_398 : i32 to vector<16x1xi32>
        %gather3A_400 = vector.shape_cast %broadcast_in_dim3A_399 : vector<16x1xi32> to vector<16xi32>
        %gather3A_401 = tpu.dynamic_gather %get3A_194[%gather3A_400] in [0] : vector<16xf32>, vector<16xi32> -> vector<16xf32>
        %get3A_402 = arith.index_cast %add3A_397 : i32 to index
        %get3A_403 = arith.constant 0 : index
        %get3A_404 = tpu.vector_load %arg8[%get3A_402, %get3A_403] {strides = array<i32>} : memref<1280x32xf32, #tpu.memory_space<vmem>>, vector<1x16xf32>,
        %get3A_405 = vector.shape_cast %get3A_404 : vector<1x16xf32> to vector<16xf32>
        %mul3A_406 = arith.mulf %gather3A_401, %get3A_405 : vector<16xf32>
        %add3A_407 = arith.addf %add3A_387, %mul3A_406 : vector<16xf32>
        %get3A_408 = arith.index_cast %add3A_397 : i32 to index
        %get3A_409 = arith.constant 16 : index
        %get3A_410 = tpu.vector_load %arg8[%get3A_408, %get3A_409] {strides = array<i32>} : memref<1280x32xf32, #tpu.memory_space<vmem>>, vector<1x16xf32>,
        %get3A_411 = vector.shape_cast %get3A_410 : vector<1x16xf32> to vector<16xf32>
        %mul3A_412 = arith.mulf %gather3A_401, %get3A_411 : vector<16xf32>
        %add3A_413 = arith.addf %add3A_393, %mul3A_412 : vector<16xf32>
        %add3A_414 = arith.constant 0 : i32
        %add3A_415 = arith.addi %mul3A_187, %add3A_414 : i32
        %add3A_416 = arith.constant 11 : i32
        %add3A_417 = arith.addi %add3A_415, %add3A_416 : i32
        %broadcast_in_dim3A_418 = arith.constant 11 : i32
        %broadcast_in_dim3A_419 = vector.broadcast %broadcast_in_dim3A_418 : i32 to vector<16x1xi32>
        %gather3A_420 = vector.shape_cast %broadcast_in_dim3A_419 : vector<16x1xi32> to vector<16xi32>
        %gather3A_421 = tpu.dynamic_gather %get3A_194[%gather3A_420] in [0] : vector<16xf32>, vector<16xi32> -> vector<16xf32>
        %get3A_422 = arith.index_cast %add3A_417 : i32 to index
        %get3A_423 = arith.constant 0 : index
        %get3A_424 = tpu.vector_load %arg8[%get3A_422, %get3A_423] {strides = array<i32>} : memref<1280x32xf32, #tpu.memory_space<vmem>>, vector<1x16xf32>,
        %get3A_425 = vector.shape_cast %get3A_424 : vector<1x16xf32> to vector<16xf32>
        %mul3A_426 = arith.mulf %gather3A_421, %get3A_425 : vector<16xf32>
        %add3A_427 = arith.addf %add3A_407, %mul3A_426 : vector<16xf32>
        %get3A_428 = arith.index_cast %add3A_417 : i32 to index
        %get3A_429 = arith.constant 16 : index
        %get3A_430 = tpu.vector_load %arg8[%get3A_428, %get3A_429] {strides = array<i32>} : memref<1280x32xf32, #tpu.memory_space<vmem>>, vector<1x16xf32>,
        %get3A_431 = vector.shape_cast %get3A_430 : vector<1x16xf32> to vector<16xf32>
        %mul3A_432 = arith.mulf %gather3A_421, %get3A_431 : vector<16xf32>
        %add3A_433 = arith.addf %add3A_413, %mul3A_432 : vector<16xf32>
        %add3A_434 = arith.constant 0 : i32
        %add3A_435 = arith.addi %mul3A_187, %add3A_434 : i32
        %add3A_436 = arith.constant 12 : i32
        %add3A_437 = arith.addi %add3A_435, %add3A_436 : i32
        %broadcast_in_dim3A_438 = arith.constant 12 : i32
        %broadcast_in_dim3A_439 = vector.broadcast %broadcast_in_dim3A_438 : i32 to vector<16x1xi32>
        %gather3A_440 = vector.shape_cast %broadcast_in_dim3A_439 : vector<16x1xi32> to vector<16xi32>
        %gather3A_441 = tpu.dynamic_gather %get3A_194[%gather3A_440] in [0] : vector<16xf32>, vector<16xi32> -> vector<16xf32>
        %get3A_442 = arith.index_cast %add3A_437 : i32 to index
        %get3A_443 = arith.constant 0 : index
        %get3A_444 = tpu.vector_load %arg8[%get3A_442, %get3A_443] {strides = array<i32>} : memref<1280x32xf32, #tpu.memory_space<vmem>>, vector<1x16xf32>,
        %get3A_445 = vector.shape_cast %get3A_444 : vector<1x16xf32> to vector<16xf32>
        %mul3A_446 = arith.mulf %gather3A_441, %get3A_445 : vector<16xf32>
        %add3A_447 = arith.addf %add3A_427, %mul3A_446 : vector<16xf32>
        %get3A_448 = arith.index_cast %add3A_437 : i32 to index
        %get3A_449 = arith.constant 16 : index
        %get3A_450 = tpu.vector_load %arg8[%get3A_448, %get3A_449] {strides = array<i32>} : memref<1280x32xf32, #tpu.memory_space<vmem>>, vector<1x16xf32>,
        %get3A_451 = vector.shape_cast %get3A_450 : vector<1x16xf32> to vector<16xf32>
        %mul3A_452 = arith.mulf %gather3A_441, %get3A_451 : vector<16xf32>
        %add3A_453 = arith.addf %add3A_433, %mul3A_452 : vector<16xf32>
        %add3A_454 = arith.constant 0 : i32
        %add3A_455 = arith.addi %mul3A_187, %add3A_454 : i32
        %add3A_456 = arith.constant 13 : i32
        %add3A_457 = arith.addi %add3A_455, %add3A_456 : i32
        %broadcast_in_dim3A_458 = arith.constant 13 : i32
        %broadcast_in_dim3A_459 = vector.broadcast %broadcast_in_dim3A_458 : i32 to vector<16x1xi32>
        %gather3A_460 = vector.shape_cast %broadcast_in_dim3A_459 : vector<16x1xi32> to vector<16xi32>
        %gather3A_461 = tpu.dynamic_gather %get3A_194[%gather3A_460] in [0] : vector<16xf32>, vector<16xi32> -> vector<16xf32>
        %get3A_462 = arith.index_cast %add3A_457 : i32 to index
        %get3A_463 = arith.constant 0 : index
        %get3A_464 = tpu.vector_load %arg8[%get3A_462, %get3A_463] {strides = array<i32>} : memref<1280x32xf32, #tpu.memory_space<vmem>>, vector<1x16xf32>,
        %get3A_465 = vector.shape_cast %get3A_464 : vector<1x16xf32> to vector<16xf32>
        %mul3A_466 = arith.mulf %gather3A_461, %get3A_465 : vector<16xf32>
        %add3A_467 = arith.addf %add3A_447, %mul3A_466 : vector<16xf32>
        %get3A_468 = arith.index_cast %add3A_457 : i32 to index
        %get3A_469 = arith.constant 16 : index
        %get3A_470 = tpu.vector_load %arg8[%get3A_468, %get3A_469] {strides = array<i32>} : memref<1280x32xf32, #tpu.memory_space<vmem>>, vector<1x16xf32>,
        %get3A_471 = vector.shape_cast %get3A_470 : vector<1x16xf32> to vector<16xf32>
        %mul3A_472 = arith.mulf %gather3A_461, %get3A_471 : vector<16xf32>
        %add3A_473 = arith.addf %add3A_453, %mul3A_472 : vector<16xf32>
        %add3A_474 = arith.constant 0 : i32
        %add3A_475 = arith.addi %mul3A_187, %add3A_474 : i32
        %add3A_476 = arith.constant 14 : i32
        %add3A_477 = arith.addi %add3A_475, %add3A_476 : i32
        %broadcast_in_dim3A_478 = arith.constant 14 : i32
        %broadcast_in_dim3A_479 = vector.broadcast %broadcast_in_dim3A_478 : i32 to vector<16x1xi32>
        %gather3A_480 = vector.shape_cast %broadcast_in_dim3A_479 : vector<16x1xi32> to vector<16xi32>
        %gather3A_481 = tpu.dynamic_gather %get3A_194[%gather3A_480] in [0] : vector<16xf32>, vector<16xi32> -> vector<16xf32>
        %get3A_482 = arith.index_cast %add3A_477 : i32 to index
        %get3A_483 = arith.constant 0 : index
        %get3A_484 = tpu.vector_load %arg8[%get3A_482, %get3A_483] {strides = array<i32>} : memref<1280x32xf32, #tpu.memory_space<vmem>>, vector<1x16xf32>,
        %get3A_485 = vector.shape_cast %get3A_484 : vector<1x16xf32> to vector<16xf32>
        %mul3A_486 = arith.mulf %gather3A_481, %get3A_485 : vector<16xf32>
        %add3A_487 = arith.addf %add3A_467, %mul3A_486 : vector<16xf32>
        %get3A_488 = arith.index_cast %add3A_477 : i32 to index
        %get3A_489 = arith.constant 16 : index
        %get3A_490 = tpu.vector_load %arg8[%get3A_488, %get3A_489] {strides = array<i32>} : memref<1280x32xf32, #tpu.memory_space<vmem>>, vector<1x16xf32>,
        %get3A_491 = vector.shape_cast %get3A_490 : vector<1x16xf32> to vector<16xf32>
        %mul3A_492 = arith.mulf %gather3A_481, %get3A_491 : vector<16xf32>
        %add3A_493 = arith.addf %add3A_473, %mul3A_492 : vector<16xf32>
        %add3A_494 = arith.constant 0 : i32
        %add3A_495 = arith.addi %mul3A_187, %add3A_494 : i32
        %add3A_496 = arith.constant 15 : i32
        %add3A_497 = arith.addi %add3A_495, %add3A_496 : i32
        %broadcast_in_dim3A_498 = arith.constant 15 : i32
        %broadcast_in_dim3A_499 = vector.broadcast %broadcast_in_dim3A_498 : i32 to vector<16x1xi32>
        %gather3A_500 = vector.shape_cast %broadcast_in_dim3A_499 : vector<16x1xi32> to vector<16xi32>
        %gather3A_501 = tpu.dynamic_gather %get3A_194[%gather3A_500] in [0] : vector<16xf32>, vector<16xi32> -> vector<16xf32>
        %get3A_502 = arith.index_cast %add3A_497 : i32 to index
        %get3A_503 = arith.constant 0 : index
        %get3A_504 = tpu.vector_load %arg8[%get3A_502, %get3A_503] {strides = array<i32>} : memref<1280x32xf32, #tpu.memory_space<vmem>>, vector<1x16xf32>,
        %get3A_505 = vector.shape_cast %get3A_504 : vector<1x16xf32> to vector<16xf32>
        %mul3A_506 = arith.mulf %gather3A_501, %get3A_505 : vector<16xf32>
        %add3A_507 = arith.addf %add3A_487, %mul3A_506 : vector<16xf32>
        %get3A_508 = arith.index_cast %add3A_497 : i32 to index
        %get3A_509 = arith.constant 16 : index
        %get3A_510 = tpu.vector_load %arg8[%get3A_508, %get3A_509] {strides = array<i32>} : memref<1280x32xf32, #tpu.memory_space<vmem>>, vector<1x16xf32>,
        %get3A_511 = vector.shape_cast %get3A_510 : vector<1x16xf32> to vector<16xf32>
        %mul3A_512 = arith.mulf %gather3A_501, %get3A_511 : vector<16xf32>
        %add3A_513 = arith.addf %add3A_493, %mul3A_512 : vector<16xf32>
        %add3A_514 = arith.constant 16 : i32
        %add3A_515 = arith.addi %mul3A_187, %add3A_514 : i32
        %get3A_516 = arith.index_cast %add3A_515 : i32 to index
        %get3A_517 = tpu.vector_load %arg7[%get3A_516] {strides = array<i32>} : memref<1280xf32, #tpu.memory_space<vmem>>, vector<16xf32>,
        %get3A_518 = vector.shape_cast %get3A_517 : vector<16xf32> to vector<16xf32>
        %add3A_519 = arith.constant 16 : i32
        %add3A_520 = arith.addi %mul3A_187, %add3A_519 : i32
        %add3A_521 = arith.constant 0 : i32
        %add3A_522 = arith.addi %add3A_520, %add3A_521 : i32
        %broadcast_in_dim3A_523 = arith.constant 0 : i32
        %broadcast_in_dim3A_524 = vector.broadcast %broadcast_in_dim3A_523 : i32 to vector<16x1xi32>
        %gather3A_525 = vector.shape_cast %broadcast_in_dim3A_524 : vector<16x1xi32> to vector<16xi32>
        %gather3A_526 = tpu.dynamic_gather %get3A_518[%gather3A_525] in [0] : vector<16xf32>, vector<16xi32> -> vector<16xf32>
        %get3A_527 = arith.index_cast %add3A_522 : i32 to index
        %get3A_528 = arith.constant 0 : index
        %get3A_529 = tpu.vector_load %arg8[%get3A_527, %get3A_528] {strides = array<i32>} : memref<1280x32xf32, #tpu.memory_space<vmem>>, vector<1x16xf32>,
        %get3A_530 = vector.shape_cast %get3A_529 : vector<1x16xf32> to vector<16xf32>
        %mul3A_531 = arith.mulf %gather3A_526, %get3A_530 : vector<16xf32>
        %add3A_532 = arith.addf %add3A_507, %mul3A_531 : vector<16xf32>
        %get3A_533 = arith.index_cast %add3A_522 : i32 to index
        %get3A_534 = arith.constant 16 : index
        %get3A_535 = tpu.vector_load %arg8[%get3A_533, %get3A_534] {strides = array<i32>} : memref<1280x32xf32, #tpu.memory_space<vmem>>, vector<1x16xf32>,
        %get3A_536 = vector.shape_cast %get3A_535 : vector<1x16xf32> to vector<16xf32>
        %mul3A_537 = arith.mulf %gather3A_526, %get3A_536 : vector<16xf32>
        %add3A_538 = arith.addf %add3A_513, %mul3A_537 : vector<16xf32>
        %add3A_539 = arith.constant 16 : i32
        %add3A_540 = arith.addi %mul3A_187, %add3A_539 : i32
        %add3A_541 = arith.constant 1 : i32
        %add3A_542 = arith.addi %add3A_540, %add3A_541 : i32
        %broadcast_in_dim3A_543 = arith.constant 1 : i32
        %broadcast_in_dim3A_544 = vector.broadcast %broadcast_in_dim3A_543 : i32 to vector<16x1xi32>
        %gather3A_545 = vector.shape_cast %broadcast_in_dim3A_544 : vector<16x1xi32> to vector<16xi32>
        %gather3A_546 = tpu.dynamic_gather %get3A_518[%gather3A_545] in [0] : vector<16xf32>, vector<16xi32> -> vector<16xf32>
        %get3A_547 = arith.index_cast %add3A_542 : i32 to index
        %get3A_548 = arith.constant 0 : index
        %get3A_549 = tpu.vector_load %arg8[%get3A_547, %get3A_548] {strides = array<i32>} : memref<1280x32xf32, #tpu.memory_space<vmem>>, vector<1x16xf32>,
        %get3A_550 = vector.shape_cast %get3A_549 : vector<1x16xf32> to vector<16xf32>
        %mul3A_551 = arith.mulf %gather3A_546, %get3A_550 : vector<16xf32>
        %add3A_552 = arith.addf %add3A_532, %mul3A_551 : vector<16xf32>
        %get3A_553 = arith.index_cast %add3A_542 : i32 to index
        %get3A_554 = arith.constant 16 : index
        %get3A_555 = tpu.vector_load %arg8[%get3A_553, %get3A_554] {strides = array<i32>} : memref<1280x32xf32, #tpu.memory_space<vmem>>, vector<1x16xf32>,
        %get3A_556 = vector.shape_cast %get3A_555 : vector<1x16xf32> to vector<16xf32>
        %mul3A_557 = arith.mulf %gather3A_546, %get3A_556 : vector<16xf32>
        %add3A_558 = arith.addf %add3A_538, %mul3A_557 : vector<16xf32>
        %add3A_559 = arith.constant 16 : i32
        %add3A_560 = arith.addi %mul3A_187, %add3A_559 : i32
        %add3A_561 = arith.constant 2 : i32
        %add3A_562 = arith.addi %add3A_560, %add3A_561 : i32
        %broadcast_in_dim3A_563 = arith.constant 2 : i32
        %broadcast_in_dim3A_564 = vector.broadcast %broadcast_in_dim3A_563 : i32 to vector<16x1xi32>
        %gather3A_565 = vector.shape_cast %broadcast_in_dim3A_564 : vector<16x1xi32> to vector<16xi32>
        %gather3A_566 = tpu.dynamic_gather %get3A_518[%gather3A_565] in [0] : vector<16xf32>, vector<16xi32> -> vector<16xf32>
        %get3A_567 = arith.index_cast %add3A_562 : i32 to index
        %get3A_568 = arith.constant 0 : index
        %get3A_569 = tpu.vector_load %arg8[%get3A_567, %get3A_568] {strides = array<i32>} : memref<1280x32xf32, #tpu.memory_space<vmem>>, vector<1x16xf32>,
        %get3A_570 = vector.shape_cast %get3A_569 : vector<1x16xf32> to vector<16xf32>
        %mul3A_571 = arith.mulf %gather3A_566, %get3A_570 : vector<16xf32>
        %add3A_572 = arith.addf %add3A_552, %mul3A_571 : vector<16xf32>
        %get3A_573 = arith.index_cast %add3A_562 : i32 to index
        %get3A_574 = arith.constant 16 : index
        %get3A_575 = tpu.vector_load %arg8[%get3A_573, %get3A_574] {strides = array<i32>} : memref<1280x32xf32, #tpu.memory_space<vmem>>, vector<1x16xf32>,
        %get3A_576 = vector.shape_cast %get3A_575 : vector<1x16xf32> to vector<16xf32>
        %mul3A_577 = arith.mulf %gather3A_566, %get3A_576 : vector<16xf32>
        %add3A_578 = arith.addf %add3A_558, %mul3A_577 : vector<16xf32>
        %add3A_579 = arith.constant 16 : i32
        %add3A_580 = arith.addi %mul3A_187, %add3A_579 : i32
        %add3A_581 = arith.constant 3 : i32
        %add3A_582 = arith.addi %add3A_580, %add3A_581 : i32
        %broadcast_in_dim3A_583 = arith.constant 3 : i32
        %broadcast_in_dim3A_584 = vector.broadcast %broadcast_in_dim3A_583 : i32 to vector<16x1xi32>
        %gather3A_585 = vector.shape_cast %broadcast_in_dim3A_584 : vector<16x1xi32> to vector<16xi32>
        %gather3A_586 = tpu.dynamic_gather %get3A_518[%gather3A_585] in [0] : vector<16xf32>, vector<16xi32> -> vector<16xf32>
        %get3A_587 = arith.index_cast %add3A_582 : i32 to index
        %get3A_588 = arith.constant 0 : index
        %get3A_589 = tpu.vector_load %arg8[%get3A_587, %get3A_588] {strides = array<i32>} : memref<1280x32xf32, #tpu.memory_space<vmem>>, vector<1x16xf32>,
        %get3A_590 = vector.shape_cast %get3A_589 : vector<1x16xf32> to vector<16xf32>
        %mul3A_591 = arith.mulf %gather3A_586, %get3A_590 : vector<16xf32>
        %add3A_592 = arith.addf %add3A_572, %mul3A_591 : vector<16xf32>
        %get3A_593 = arith.index_cast %add3A_582 : i32 to index
        %get3A_594 = arith.constant 16 : index
        %get3A_595 = tpu.vector_load %arg8[%get3A_593, %get3A_594] {strides = array<i32>} : memref<1280x32xf32, #tpu.memory_space<vmem>>, vector<1x16xf32>,
        %get3A_596 = vector.shape_cast %get3A_595 : vector<1x16xf32> to vector<16xf32>
        %mul3A_597 = arith.mulf %gather3A_586, %get3A_596 : vector<16xf32>
        %add3A_598 = arith.addf %add3A_578, %mul3A_597 : vector<16xf32>
        %add3A_599 = arith.constant 16 : i32
        %add3A_600 = arith.addi %mul3A_187, %add3A_599 : i32
        %add3A_601 = arith.constant 4 : i32
        %add3A_602 = arith.addi %add3A_600, %add3A_601 : i32
        %broadcast_in_dim3A_603 = arith.constant 4 : i32
        %broadcast_in_dim3A_604 = vector.broadcast %broadcast_in_dim3A_603 : i32 to vector<16x1xi32>
        %gather3A_605 = vector.shape_cast %broadcast_in_dim3A_604 : vector<16x1xi32> to vector<16xi32>
        %gather3A_606 = tpu.dynamic_gather %get3A_518[%gather3A_605] in [0] : vector<16xf32>, vector<16xi32> -> vector<16xf32>
        %get3A_607 = arith.index_cast %add3A_602 : i32 to index
        %get3A_608 = arith.constant 0 : index
        %get3A_609 = tpu.vector_load %arg8[%get3A_607, %get3A_608] {strides = array<i32>} : memref<1280x32xf32, #tpu.memory_space<vmem>>, vector<1x16xf32>,
        %get3A_610 = vector.shape_cast %get3A_609 : vector<1x16xf32> to vector<16xf32>
        %mul3A_611 = arith.mulf %gather3A_606, %get3A_610 : vector<16xf32>
        %add3A_612 = arith.addf %add3A_592, %mul3A_611 : vector<16xf32>
        %get3A_613 = arith.index_cast %add3A_602 : i32 to index
        %get3A_614 = arith.constant 16 : index
        %get3A_615 = tpu.vector_load %arg8[%get3A_613, %get3A_614] {strides = array<i32>} : memref<1280x32xf32, #tpu.memory_space<vmem>>, vector<1x16xf32>,
        %get3A_616 = vector.shape_cast %get3A_615 : vector<1x16xf32> to vector<16xf32>
        %mul3A_617 = arith.mulf %gather3A_606, %get3A_616 : vector<16xf32>
        %add3A_618 = arith.addf %add3A_598, %mul3A_617 : vector<16xf32>
        %add3A_619 = arith.constant 16 : i32
        %add3A_620 = arith.addi %mul3A_187, %add3A_619 : i32
        %add3A_621 = arith.constant 5 : i32
        %add3A_622 = arith.addi %add3A_620, %add3A_621 : i32
        %broadcast_in_dim3A_623 = arith.constant 5 : i32
        %broadcast_in_dim3A_624 = vector.broadcast %broadcast_in_dim3A_623 : i32 to vector<16x1xi32>
        %gather3A_625 = vector.shape_cast %broadcast_in_dim3A_624 : vector<16x1xi32> to vector<16xi32>
        %gather3A_626 = tpu.dynamic_gather %get3A_518[%gather3A_625] in [0] : vector<16xf32>, vector<16xi32> -> vector<16xf32>
        %get3A_627 = arith.index_cast %add3A_622 : i32 to index
        %get3A_628 = arith.constant 0 : index
        %get3A_629 = tpu.vector_load %arg8[%get3A_627, %get3A_628] {strides = array<i32>} : memref<1280x32xf32, #tpu.memory_space<vmem>>, vector<1x16xf32>,
        %get3A_630 = vector.shape_cast %get3A_629 : vector<1x16xf32> to vector<16xf32>
        %mul3A_631 = arith.mulf %gather3A_626, %get3A_630 : vector<16xf32>
        %add3A_632 = arith.addf %add3A_612, %mul3A_631 : vector<16xf32>
        %get3A_633 = arith.index_cast %add3A_622 : i32 to index
        %get3A_634 = arith.constant 16 : index
        %get3A_635 = tpu.vector_load %arg8[%get3A_633, %get3A_634] {strides = array<i32>} : memref<1280x32xf32, #tpu.memory_space<vmem>>, vector<1x16xf32>,
        %get3A_636 = vector.shape_cast %get3A_635 : vector<1x16xf32> to vector<16xf32>
        %mul3A_637 = arith.mulf %gather3A_626, %get3A_636 : vector<16xf32>
        %add3A_638 = arith.addf %add3A_618, %mul3A_637 : vector<16xf32>
        %add3A_639 = arith.constant 16 : i32
        %add3A_640 = arith.addi %mul3A_187, %add3A_639 : i32
        %add3A_641 = arith.constant 6 : i32
        %add3A_642 = arith.addi %add3A_640, %add3A_641 : i32
        %broadcast_in_dim3A_643 = arith.constant 6 : i32
        %broadcast_in_dim3A_644 = vector.broadcast %broadcast_in_dim3A_643 : i32 to vector<16x1xi32>
        %gather3A_645 = vector.shape_cast %broadcast_in_dim3A_644 : vector<16x1xi32> to vector<16xi32>
        %gather3A_646 = tpu.dynamic_gather %get3A_518[%gather3A_645] in [0] : vector<16xf32>, vector<16xi32> -> vector<16xf32>
        %get3A_647 = arith.index_cast %add3A_642 : i32 to index
        %get3A_648 = arith.constant 0 : index
        %get3A_649 = tpu.vector_load %arg8[%get3A_647, %get3A_648] {strides = array<i32>} : memref<1280x32xf32, #tpu.memory_space<vmem>>, vector<1x16xf32>,
        %get3A_650 = vector.shape_cast %get3A_649 : vector<1x16xf32> to vector<16xf32>
        %mul3A_651 = arith.mulf %gather3A_646, %get3A_650 : vector<16xf32>
        %add3A_652 = arith.addf %add3A_632, %mul3A_651 : vector<16xf32>
        %get3A_653 = arith.index_cast %add3A_642 : i32 to index
        %get3A_654 = arith.constant 16 : index
        %get3A_655 = tpu.vector_load %arg8[%get3A_653, %get3A_654] {strides = array<i32>} : memref<1280x32xf32, #tpu.memory_space<vmem>>, vector<1x16xf32>,
        %get3A_656 = vector.shape_cast %get3A_655 : vector<1x16xf32> to vector<16xf32>
        %mul3A_657 = arith.mulf %gather3A_646, %get3A_656 : vector<16xf32>
        %add3A_658 = arith.addf %add3A_638, %mul3A_657 : vector<16xf32>
        %add3A_659 = arith.constant 16 : i32
        %add3A_660 = arith.addi %mul3A_187, %add3A_659 : i32
        %add3A_661 = arith.constant 7 : i32
        %add3A_662 = arith.addi %add3A_660, %add3A_661 : i32
        %broadcast_in_dim3A_663 = arith.constant 7 : i32
        %broadcast_in_dim3A_664 = vector.broadcast %broadcast_in_dim3A_663 : i32 to vector<16x1xi32>
        %gather3A_665 = vector.shape_cast %broadcast_in_dim3A_664 : vector<16x1xi32> to vector<16xi32>
        %gather3A_666 = tpu.dynamic_gather %get3A_518[%gather3A_665] in [0] : vector<16xf32>, vector<16xi32> -> vector<16xf32>
        %get3A_667 = arith.index_cast %add3A_662 : i32 to index
        %get3A_668 = arith.constant 0 : index
        %get3A_669 = tpu.vector_load %arg8[%get3A_667, %get3A_668] {strides = array<i32>} : memref<1280x32xf32, #tpu.memory_space<vmem>>, vector<1x16xf32>,
        %get3A_670 = vector.shape_cast %get3A_669 : vector<1x16xf32> to vector<16xf32>
        %mul3A_671 = arith.mulf %gather3A_666, %get3A_670 : vector<16xf32>
        %add3A_672 = arith.addf %add3A_652, %mul3A_671 : vector<16xf32>
        %get3A_673 = arith.index_cast %add3A_662 : i32 to index
        %get3A_674 = arith.constant 16 : index
        %get3A_675 = tpu.vector_load %arg8[%get3A_673, %get3A_674] {strides = array<i32>} : memref<1280x32xf32, #tpu.memory_space<vmem>>, vector<1x16xf32>,
        %get3A_676 = vector.shape_cast %get3A_675 : vector<1x16xf32> to vector<16xf32>
        %mul3A_677 = arith.mulf %gather3A_666, %get3A_676 : vector<16xf32>
        %add3A_678 = arith.addf %add3A_658, %mul3A_677 : vector<16xf32>
        %add3A_679 = arith.constant 16 : i32
        %add3A_680 = arith.addi %mul3A_187, %add3A_679 : i32
        %add3A_681 = arith.constant 8 : i32
        %add3A_682 = arith.addi %add3A_680, %add3A_681 : i32
        %broadcast_in_dim3A_683 = arith.constant 8 : i32
        %broadcast_in_dim3A_684 = vector.broadcast %broadcast_in_dim3A_683 : i32 to vector<16x1xi32>
        %gather3A_685 = vector.shape_cast %broadcast_in_dim3A_684 : vector<16x1xi32> to vector<16xi32>
        %gather3A_686 = tpu.dynamic_gather %get3A_518[%gather3A_685] in [0] : vector<16xf32>, vector<16xi32> -> vector<16xf32>
        %get3A_687 = arith.index_cast %add3A_682 : i32 to index
        %get3A_688 = arith.constant 0 : index
        %get3A_689 = tpu.vector_load %arg8[%get3A_687, %get3A_688] {strides = array<i32>} : memref<1280x32xf32, #tpu.memory_space<vmem>>, vector<1x16xf32>,
        %get3A_690 = vector.shape_cast %get3A_689 : vector<1x16xf32> to vector<16xf32>
        %mul3A_691 = arith.mulf %gather3A_686, %get3A_690 : vector<16xf32>
        %add3A_692 = arith.addf %add3A_672, %mul3A_691 : vector<16xf32>
        %get3A_693 = arith.index_cast %add3A_682 : i32 to index
        %get3A_694 = arith.constant 16 : index
        %get3A_695 = tpu.vector_load %arg8[%get3A_693, %get3A_694] {strides = array<i32>} : memref<1280x32xf32, #tpu.memory_space<vmem>>, vector<1x16xf32>,
        %get3A_696 = vector.shape_cast %get3A_695 : vector<1x16xf32> to vector<16xf32>
        %mul3A_697 = arith.mulf %gather3A_686, %get3A_696 : vector<16xf32>
        %add3A_698 = arith.addf %add3A_678, %mul3A_697 : vector<16xf32>
        %add3A_699 = arith.constant 16 : i32
        %add3A_700 = arith.addi %mul3A_187, %add3A_699 : i32
        %add3A_701 = arith.constant 9 : i32
        %add3A_702 = arith.addi %add3A_700, %add3A_701 : i32
        %broadcast_in_dim3A_703 = arith.constant 9 : i32
        %broadcast_in_dim3A_704 = vector.broadcast %broadcast_in_dim3A_703 : i32 to vector<16x1xi32>
        %gather3A_705 = vector.shape_cast %broadcast_in_dim3A_704 : vector<16x1xi32> to vector<16xi32>
        %gather3A_706 = tpu.dynamic_gather %get3A_518[%gather3A_705] in [0] : vector<16xf32>, vector<16xi32> -> vector<16xf32>
        %get3A_707 = arith.index_cast %add3A_702 : i32 to index
        %get3A_708 = arith.constant 0 : index
        %get3A_709 = tpu.vector_load %arg8[%get3A_707, %get3A_708] {strides = array<i32>} : memref<1280x32xf32, #tpu.memory_space<vmem>>, vector<1x16xf32>,
        %get3A_710 = vector.shape_cast %get3A_709 : vector<1x16xf32> to vector<16xf32>
        %mul3A_711 = arith.mulf %gather3A_706, %get3A_710 : vector<16xf32>
        %add3A_712 = arith.addf %add3A_692, %mul3A_711 : vector<16xf32>
        %get3A_713 = arith.index_cast %add3A_702 : i32 to index
        %get3A_714 = arith.constant 16 : index
        %get3A_715 = tpu.vector_load %arg8[%get3A_713, %get3A_714] {strides = array<i32>} : memref<1280x32xf32, #tpu.memory_space<vmem>>, vector<1x16xf32>,
        %get3A_716 = vector.shape_cast %get3A_715 : vector<1x16xf32> to vector<16xf32>
        %mul3A_717 = arith.mulf %gather3A_706, %get3A_716 : vector<16xf32>
        %add3A_718 = arith.addf %add3A_698, %mul3A_717 : vector<16xf32>
        %add3A_719 = arith.constant 16 : i32
        %add3A_720 = arith.addi %mul3A_187, %add3A_719 : i32
        %add3A_721 = arith.constant 10 : i32
        %add3A_722 = arith.addi %add3A_720, %add3A_721 : i32
        %broadcast_in_dim3A_723 = arith.constant 10 : i32
        %broadcast_in_dim3A_724 = vector.broadcast %broadcast_in_dim3A_723 : i32 to vector<16x1xi32>
        %gather3A_725 = vector.shape_cast %broadcast_in_dim3A_724 : vector<16x1xi32> to vector<16xi32>
        %gather3A_726 = tpu.dynamic_gather %get3A_518[%gather3A_725] in [0] : vector<16xf32>, vector<16xi32> -> vector<16xf32>
        %get3A_727 = arith.index_cast %add3A_722 : i32 to index
        %get3A_728 = arith.constant 0 : index
        %get3A_729 = tpu.vector_load %arg8[%get3A_727, %get3A_728] {strides = array<i32>} : memref<1280x32xf32, #tpu.memory_space<vmem>>, vector<1x16xf32>,
        %get3A_730 = vector.shape_cast %get3A_729 : vector<1x16xf32> to vector<16xf32>
        %mul3A_731 = arith.mulf %gather3A_726, %get3A_730 : vector<16xf32>
        %add3A_732 = arith.addf %add3A_712, %mul3A_731 : vector<16xf32>
        %get3A_733 = arith.index_cast %add3A_722 : i32 to index
        %get3A_734 = arith.constant 16 : index
        %get3A_735 = tpu.vector_load %arg8[%get3A_733, %get3A_734] {strides = array<i32>} : memref<1280x32xf32, #tpu.memory_space<vmem>>, vector<1x16xf32>,
        %get3A_736 = vector.shape_cast %get3A_735 : vector<1x16xf32> to vector<16xf32>
        %mul3A_737 = arith.mulf %gather3A_726, %get3A_736 : vector<16xf32>
        %add3A_738 = arith.addf %add3A_718, %mul3A_737 : vector<16xf32>
        %add3A_739 = arith.constant 16 : i32
        %add3A_740 = arith.addi %mul3A_187, %add3A_739 : i32
        %add3A_741 = arith.constant 11 : i32
        %add3A_742 = arith.addi %add3A_740, %add3A_741 : i32
        %broadcast_in_dim3A_743 = arith.constant 11 : i32
        %broadcast_in_dim3A_744 = vector.broadcast %broadcast_in_dim3A_743 : i32 to vector<16x1xi32>
        %gather3A_745 = vector.shape_cast %broadcast_in_dim3A_744 : vector<16x1xi32> to vector<16xi32>
        %gather3A_746 = tpu.dynamic_gather %get3A_518[%gather3A_745] in [0] : vector<16xf32>, vector<16xi32> -> vector<16xf32>
        %get3A_747 = arith.index_cast %add3A_742 : i32 to index
        %get3A_748 = arith.constant 0 : index
        %get3A_749 = tpu.vector_load %arg8[%get3A_747, %get3A_748] {strides = array<i32>} : memref<1280x32xf32, #tpu.memory_space<vmem>>, vector<1x16xf32>,
        %get3A_750 = vector.shape_cast %get3A_749 : vector<1x16xf32> to vector<16xf32>
        %mul3A_751 = arith.mulf %gather3A_746, %get3A_750 : vector<16xf32>
        %add3A_752 = arith.addf %add3A_732, %mul3A_751 : vector<16xf32>
        %get3A_753 = arith.index_cast %add3A_742 : i32 to index
        %get3A_754 = arith.constant 16 : index
        %get3A_755 = tpu.vector_load %arg8[%get3A_753, %get3A_754] {strides = array<i32>} : memref<1280x32xf32, #tpu.memory_space<vmem>>, vector<1x16xf32>,
        %get3A_756 = vector.shape_cast %get3A_755 : vector<1x16xf32> to vector<16xf32>
        %mul3A_757 = arith.mulf %gather3A_746, %get3A_756 : vector<16xf32>
        %add3A_758 = arith.addf %add3A_738, %mul3A_757 : vector<16xf32>
        %add3A_759 = arith.constant 16 : i32
        %add3A_760 = arith.addi %mul3A_187, %add3A_759 : i32
        %add3A_761 = arith.constant 12 : i32
        %add3A_762 = arith.addi %add3A_760, %add3A_761 : i32
        %broadcast_in_dim3A_763 = arith.constant 12 : i32
        %broadcast_in_dim3A_764 = vector.broadcast %broadcast_in_dim3A_763 : i32 to vector<16x1xi32>
        %gather3A_765 = vector.shape_cast %broadcast_in_dim3A_764 : vector<16x1xi32> to vector<16xi32>
        %gather3A_766 = tpu.dynamic_gather %get3A_518[%gather3A_765] in [0] : vector<16xf32>, vector<16xi32> -> vector<16xf32>
        %get3A_767 = arith.index_cast %add3A_762 : i32 to index
        %get3A_768 = arith.constant 0 : index
        %get3A_769 = tpu.vector_load %arg8[%get3A_767, %get3A_768] {strides = array<i32>} : memref<1280x32xf32, #tpu.memory_space<vmem>>, vector<1x16xf32>,
        %get3A_770 = vector.shape_cast %get3A_769 : vector<1x16xf32> to vector<16xf32>
        %mul3A_771 = arith.mulf %gather3A_766, %get3A_770 : vector<16xf32>
        %add3A_772 = arith.addf %add3A_752, %mul3A_771 : vector<16xf32>
        %get3A_773 = arith.index_cast %add3A_762 : i32 to index
        %get3A_774 = arith.constant 16 : index
        %get3A_775 = tpu.vector_load %arg8[%get3A_773, %get3A_774] {strides = array<i32>} : memref<1280x32xf32, #tpu.memory_space<vmem>>, vector<1x16xf32>,
        %get3A_776 = vector.shape_cast %get3A_775 : vector<1x16xf32> to vector<16xf32>
        %mul3A_777 = arith.mulf %gather3A_766, %get3A_776 : vector<16xf32>
        %add3A_778 = arith.addf %add3A_758, %mul3A_777 : vector<16xf32>
        %add3A_779 = arith.constant 16 : i32
        %add3A_780 = arith.addi %mul3A_187, %add3A_779 : i32
        %add3A_781 = arith.constant 13 : i32
        %add3A_782 = arith.addi %add3A_780, %add3A_781 : i32
        %broadcast_in_dim3A_783 = arith.constant 13 : i32
        %broadcast_in_dim3A_784 = vector.broadcast %broadcast_in_dim3A_783 : i32 to vector<16x1xi32>
        %gather3A_785 = vector.shape_cast %broadcast_in_dim3A_784 : vector<16x1xi32> to vector<16xi32>
        %gather3A_786 = tpu.dynamic_gather %get3A_518[%gather3A_785] in [0] : vector<16xf32>, vector<16xi32> -> vector<16xf32>
        %get3A_787 = arith.index_cast %add3A_782 : i32 to index
        %get3A_788 = arith.constant 0 : index
        %get3A_789 = tpu.vector_load %arg8[%get3A_787, %get3A_788] {strides = array<i32>} : memref<1280x32xf32, #tpu.memory_space<vmem>>, vector<1x16xf32>,
        %get3A_790 = vector.shape_cast %get3A_789 : vector<1x16xf32> to vector<16xf32>
        %mul3A_791 = arith.mulf %gather3A_786, %get3A_790 : vector<16xf32>
        %add3A_792 = arith.addf %add3A_772, %mul3A_791 : vector<16xf32>
        %get3A_793 = arith.index_cast %add3A_782 : i32 to index
        %get3A_794 = arith.constant 16 : index
        %get3A_795 = tpu.vector_load %arg8[%get3A_793, %get3A_794] {strides = array<i32>} : memref<1280x32xf32, #tpu.memory_space<vmem>>, vector<1x16xf32>,
        %get3A_796 = vector.shape_cast %get3A_795 : vector<1x16xf32> to vector<16xf32>
        %mul3A_797 = arith.mulf %gather3A_786, %get3A_796 : vector<16xf32>
        %add3A_798 = arith.addf %add3A_778, %mul3A_797 : vector<16xf32>
        %add3A_799 = arith.constant 16 : i32
        %add3A_800 = arith.addi %mul3A_187, %add3A_799 : i32
        %add3A_801 = arith.constant 14 : i32
        %add3A_802 = arith.addi %add3A_800, %add3A_801 : i32
        %broadcast_in_dim3A_803 = arith.constant 14 : i32
        %broadcast_in_dim3A_804 = vector.broadcast %broadcast_in_dim3A_803 : i32 to vector<16x1xi32>
        %gather3A_805 = vector.shape_cast %broadcast_in_dim3A_804 : vector<16x1xi32> to vector<16xi32>
        %gather3A_806 = tpu.dynamic_gather %get3A_518[%gather3A_805] in [0] : vector<16xf32>, vector<16xi32> -> vector<16xf32>
        %get3A_807 = arith.index_cast %add3A_802 : i32 to index
        %get3A_808 = arith.constant 0 : index
        %get3A_809 = tpu.vector_load %arg8[%get3A_807, %get3A_808] {strides = array<i32>} : memref<1280x32xf32, #tpu.memory_space<vmem>>, vector<1x16xf32>,
        %get3A_810 = vector.shape_cast %get3A_809 : vector<1x16xf32> to vector<16xf32>
        %mul3A_811 = arith.mulf %gather3A_806, %get3A_810 : vector<16xf32>
        %add3A_812 = arith.addf %add3A_792, %mul3A_811 : vector<16xf32>
        %get3A_813 = arith.index_cast %add3A_802 : i32 to index
        %get3A_814 = arith.constant 16 : index
        %get3A_815 = tpu.vector_load %arg8[%get3A_813, %get3A_814] {strides = array<i32>} : memref<1280x32xf32, #tpu.memory_space<vmem>>, vector<1x16xf32>,
        %get3A_816 = vector.shape_cast %get3A_815 : vector<1x16xf32> to vector<16xf32>
        %mul3A_817 = arith.mulf %gather3A_806, %get3A_816 : vector<16xf32>
        %add3A_818 = arith.addf %add3A_798, %mul3A_817 : vector<16xf32>
        %add3A_819 = arith.constant 16 : i32
        %add3A_820 = arith.addi %mul3A_187, %add3A_819 : i32
        %add3A_821 = arith.constant 15 : i32
        %add3A_822 = arith.addi %add3A_820, %add3A_821 : i32
        %broadcast_in_dim3A_823 = arith.constant 15 : i32
        %broadcast_in_dim3A_824 = vector.broadcast %broadcast_in_dim3A_823 : i32 to vector<16x1xi32>
        %gather3A_825 = vector.shape_cast %broadcast_in_dim3A_824 : vector<16x1xi32> to vector<16xi32>
        %gather3A_826 = tpu.dynamic_gather %get3A_518[%gather3A_825] in [0] : vector<16xf32>, vector<16xi32> -> vector<16xf32>
        %get3A_827 = arith.index_cast %add3A_822 : i32 to index
        %get3A_828 = arith.constant 0 : index
        %get3A_829 = tpu.vector_load %arg8[%get3A_827, %get3A_828] {strides = array<i32>} : memref<1280x32xf32, #tpu.memory_space<vmem>>, vector<1x16xf32>,
        %get3A_830 = vector.shape_cast %get3A_829 : vector<1x16xf32> to vector<16xf32>
        %mul3A_831 = arith.mulf %gather3A_826, %get3A_830 : vector<16xf32>
        %add3A_832 = arith.addf %add3A_812, %mul3A_831 : vector<16xf32>
        %get3A_833 = arith.index_cast %add3A_822 : i32 to index
        %get3A_834 = arith.constant 16 : index
        %get3A_835 = tpu.vector_load %arg8[%get3A_833, %get3A_834] {strides = array<i32>} : memref<1280x32xf32, #tpu.memory_space<vmem>>, vector<1x16xf32>,
        %get3A_836 = vector.shape_cast %get3A_835 : vector<1x16xf32> to vector<16xf32>
        %mul3A_837 = arith.mulf %gather3A_826, %get3A_836 : vector<16xf32>
        %add3A_838 = arith.addf %add3A_818, %mul3A_837 : vector<16xf32>
        %add3A_839 = arith.constant 32 : i32
        %add3A_840 = arith.addi %mul3A_187, %add3A_839 : i32
        %get3A_841 = arith.index_cast %add3A_840 : i32 to index
        %get3A_842 = tpu.vector_load %arg7[%get3A_841] {strides = array<i32>} : memref<1280xf32, #tpu.memory_space<vmem>>, vector<16xf32>,
        %get3A_843 = vector.shape_cast %get3A_842 : vector<16xf32> to vector<16xf32>
        %add3A_844 = arith.constant 32 : i32
        %add3A_845 = arith.addi %mul3A_187, %add3A_844 : i32
        %add3A_846 = arith.constant 0 : i32
        %add3A_847 = arith.addi %add3A_845, %add3A_846 : i32
        %broadcast_in_dim3A_848 = arith.constant 0 : i32
        %broadcast_in_dim3A_849 = vector.broadcast %broadcast_in_dim3A_848 : i32 to vector<16x1xi32>
        %gather3A_850 = vector.shape_cast %broadcast_in_dim3A_849 : vector<16x1xi32> to vector<16xi32>
        %gather3A_851 = tpu.dynamic_gather %get3A_843[%gather3A_850] in [0] : vector<16xf32>, vector<16xi32> -> vector<16xf32>
        %get3A_852 = arith.index_cast %add3A_847 : i32 to index
        %get3A_853 = arith.constant 0 : index
        %get3A_854 = tpu.vector_load %arg8[%get3A_852, %get3A_853] {strides = array<i32>} : memref<1280x32xf32, #tpu.memory_space<vmem>>, vector<1x16xf32>,
        %get3A_855 = vector.shape_cast %get3A_854 : vector<1x16xf32> to vector<16xf32>
        %mul3A_856 = arith.mulf %gather3A_851, %get3A_855 : vector<16xf32>
        %add3A_857 = arith.addf %add3A_832, %mul3A_856 : vector<16xf32>
        %get3A_858 = arith.index_cast %add3A_847 : i32 to index
        %get3A_859 = arith.constant 16 : index
        %get3A_860 = tpu.vector_load %arg8[%get3A_858, %get3A_859] {strides = array<i32>} : memref<1280x32xf32, #tpu.memory_space<vmem>>, vector<1x16xf32>,
        %get3A_861 = vector.shape_cast %get3A_860 : vector<1x16xf32> to vector<16xf32>
        %mul3A_862 = arith.mulf %gather3A_851, %get3A_861 : vector<16xf32>
        %add3A_863 = arith.addf %add3A_838, %mul3A_862 : vector<16xf32>
        %add3A_864 = arith.constant 32 : i32
        %add3A_865 = arith.addi %mul3A_187, %add3A_864 : i32
        %add3A_866 = arith.constant 1 : i32
        %add3A_867 = arith.addi %add3A_865, %add3A_866 : i32
        %broadcast_in_dim3A_868 = arith.constant 1 : i32
        %broadcast_in_dim3A_869 = vector.broadcast %broadcast_in_dim3A_868 : i32 to vector<16x1xi32>
        %gather3A_870 = vector.shape_cast %broadcast_in_dim3A_869 : vector<16x1xi32> to vector<16xi32>
        %gather3A_871 = tpu.dynamic_gather %get3A_843[%gather3A_870] in [0] : vector<16xf32>, vector<16xi32> -> vector<16xf32>
        %get3A_872 = arith.index_cast %add3A_867 : i32 to index
        %get3A_873 = arith.constant 0 : index
        %get3A_874 = tpu.vector_load %arg8[%get3A_872, %get3A_873] {strides = array<i32>} : memref<1280x32xf32, #tpu.memory_space<vmem>>, vector<1x16xf32>,
        %get3A_875 = vector.shape_cast %get3A_874 : vector<1x16xf32> to vector<16xf32>
        %mul3A_876 = arith.mulf %gather3A_871, %get3A_875 : vector<16xf32>
        %add3A_877 = arith.addf %add3A_857, %mul3A_876 : vector<16xf32>
        %get3A_878 = arith.index_cast %add3A_867 : i32 to index
        %get3A_879 = arith.constant 16 : index
        %get3A_880 = tpu.vector_load %arg8[%get3A_878, %get3A_879] {strides = array<i32>} : memref<1280x32xf32, #tpu.memory_space<vmem>>, vector<1x16xf32>,
        %get3A_881 = vector.shape_cast %get3A_880 : vector<1x16xf32> to vector<16xf32>
        %mul3A_882 = arith.mulf %gather3A_871, %get3A_881 : vector<16xf32>
        %add3A_883 = arith.addf %add3A_863, %mul3A_882 : vector<16xf32>
        %add3A_884 = arith.constant 32 : i32
        %add3A_885 = arith.addi %mul3A_187, %add3A_884 : i32
        %add3A_886 = arith.constant 2 : i32
        %add3A_887 = arith.addi %add3A_885, %add3A_886 : i32
        %broadcast_in_dim3A_888 = arith.constant 2 : i32
        %broadcast_in_dim3A_889 = vector.broadcast %broadcast_in_dim3A_888 : i32 to vector<16x1xi32>
        %gather3A_890 = vector.shape_cast %broadcast_in_dim3A_889 : vector<16x1xi32> to vector<16xi32>
        %gather3A_891 = tpu.dynamic_gather %get3A_843[%gather3A_890] in [0] : vector<16xf32>, vector<16xi32> -> vector<16xf32>
        %get3A_892 = arith.index_cast %add3A_887 : i32 to index
        %get3A_893 = arith.constant 0 : index
        %get3A_894 = tpu.vector_load %arg8[%get3A_892, %get3A_893] {strides = array<i32>} : memref<1280x32xf32, #tpu.memory_space<vmem>>, vector<1x16xf32>,
        %get3A_895 = vector.shape_cast %get3A_894 : vector<1x16xf32> to vector<16xf32>
        %mul3A_896 = arith.mulf %gather3A_891, %get3A_895 : vector<16xf32>
        %add3A_897 = arith.addf %add3A_877, %mul3A_896 : vector<16xf32>
        %get3A_898 = arith.index_cast %add3A_887 : i32 to index
        %get3A_899 = arith.constant 16 : index
        %get3A_900 = tpu.vector_load %arg8[%get3A_898, %get3A_899] {strides = array<i32>} : memref<1280x32xf32, #tpu.memory_space<vmem>>, vector<1x16xf32>,
        %get3A_901 = vector.shape_cast %get3A_900 : vector<1x16xf32> to vector<16xf32>
        %mul3A_902 = arith.mulf %gather3A_891, %get3A_901 : vector<16xf32>
        %add3A_903 = arith.addf %add3A_883, %mul3A_902 : vector<16xf32>
        %add3A_904 = arith.constant 32 : i32
        %add3A_905 = arith.addi %mul3A_187, %add3A_904 : i32
        %add3A_906 = arith.constant 3 : i32
        %add3A_907 = arith.addi %add3A_905, %add3A_906 : i32
        %broadcast_in_dim3A_908 = arith.constant 3 : i32
        %broadcast_in_dim3A_909 = vector.broadcast %broadcast_in_dim3A_908 : i32 to vector<16x1xi32>
        %gather3A_910 = vector.shape_cast %broadcast_in_dim3A_909 : vector<16x1xi32> to vector<16xi32>
        %gather3A_911 = tpu.dynamic_gather %get3A_843[%gather3A_910] in [0] : vector<16xf32>, vector<16xi32> -> vector<16xf32>
        %get3A_912 = arith.index_cast %add3A_907 : i32 to index
        %get3A_913 = arith.constant 0 : index
        %get3A_914 = tpu.vector_load %arg8[%get3A_912, %get3A_913] {strides = array<i32>} : memref<1280x32xf32, #tpu.memory_space<vmem>>, vector<1x16xf32>,
        %get3A_915 = vector.shape_cast %get3A_914 : vector<1x16xf32> to vector<16xf32>
        %mul3A_916 = arith.mulf %gather3A_911, %get3A_915 : vector<16xf32>
        %add3A_917 = arith.addf %add3A_897, %mul3A_916 : vector<16xf32>
        %get3A_918 = arith.index_cast %add3A_907 : i32 to index
        %get3A_919 = arith.constant 16 : index
        %get3A_920 = tpu.vector_load %arg8[%get3A_918, %get3A_919] {strides = array<i32>} : memref<1280x32xf32, #tpu.memory_space<vmem>>, vector<1x16xf32>,
        %get3A_921 = vector.shape_cast %get3A_920 : vector<1x16xf32> to vector<16xf32>
        %mul3A_922 = arith.mulf %gather3A_911, %get3A_921 : vector<16xf32>
        %add3A_923 = arith.addf %add3A_903, %mul3A_922 : vector<16xf32>
        %add3A_924 = arith.constant 32 : i32
        %add3A_925 = arith.addi %mul3A_187, %add3A_924 : i32
        %add3A_926 = arith.constant 4 : i32
        %add3A_927 = arith.addi %add3A_925, %add3A_926 : i32
        %broadcast_in_dim3A_928 = arith.constant 4 : i32
        %broadcast_in_dim3A_929 = vector.broadcast %broadcast_in_dim3A_928 : i32 to vector<16x1xi32>
        %gather3A_930 = vector.shape_cast %broadcast_in_dim3A_929 : vector<16x1xi32> to vector<16xi32>
        %gather3A_931 = tpu.dynamic_gather %get3A_843[%gather3A_930] in [0] : vector<16xf32>, vector<16xi32> -> vector<16xf32>
        %get3A_932 = arith.index_cast %add3A_927 : i32 to index
        %get3A_933 = arith.constant 0 : index
        %get3A_934 = tpu.vector_load %arg8[%get3A_932, %get3A_933] {strides = array<i32>} : memref<1280x32xf32, #tpu.memory_space<vmem>>, vector<1x16xf32>,
        %get3A_935 = vector.shape_cast %get3A_934 : vector<1x16xf32> to vector<16xf32>
        %mul3A_936 = arith.mulf %gather3A_931, %get3A_935 : vector<16xf32>
        %add3A_937 = arith.addf %add3A_917, %mul3A_936 : vector<16xf32>
        %get3A_938 = arith.index_cast %add3A_927 : i32 to index
        %get3A_939 = arith.constant 16 : index
        %get3A_940 = tpu.vector_load %arg8[%get3A_938, %get3A_939] {strides = array<i32>} : memref<1280x32xf32, #tpu.memory_space<vmem>>, vector<1x16xf32>,
        %get3A_941 = vector.shape_cast %get3A_940 : vector<1x16xf32> to vector<16xf32>
        %mul3A_942 = arith.mulf %gather3A_931, %get3A_941 : vector<16xf32>
        %add3A_943 = arith.addf %add3A_923, %mul3A_942 : vector<16xf32>
        %add3A_944 = arith.constant 32 : i32
        %add3A_945 = arith.addi %mul3A_187, %add3A_944 : i32
        %add3A_946 = arith.constant 5 : i32
        %add3A_947 = arith.addi %add3A_945, %add3A_946 : i32
        %broadcast_in_dim3A_948 = arith.constant 5 : i32
        %broadcast_in_dim3A_949 = vector.broadcast %broadcast_in_dim3A_948 : i32 to vector<16x1xi32>
        %gather3A_950 = vector.shape_cast %broadcast_in_dim3A_949 : vector<16x1xi32> to vector<16xi32>
        %gather3A_951 = tpu.dynamic_gather %get3A_843[%gather3A_950] in [0] : vector<16xf32>, vector<16xi32> -> vector<16xf32>
        %get3A_952 = arith.index_cast %add3A_947 : i32 to index
        %get3A_953 = arith.constant 0 : index
        %get3A_954 = tpu.vector_load %arg8[%get3A_952, %get3A_953] {strides = array<i32>} : memref<1280x32xf32, #tpu.memory_space<vmem>>, vector<1x16xf32>,
        %get3A_955 = vector.shape_cast %get3A_954 : vector<1x16xf32> to vector<16xf32>
        %mul3A_956 = arith.mulf %gather3A_951, %get3A_955 : vector<16xf32>
        %add3A_957 = arith.addf %add3A_937, %mul3A_956 : vector<16xf32>
        %get3A_958 = arith.index_cast %add3A_947 : i32 to index
        %get3A_959 = arith.constant 16 : index
        %get3A_960 = tpu.vector_load %arg8[%get3A_958, %get3A_959] {strides = array<i32>} : memref<1280x32xf32, #tpu.memory_space<vmem>>, vector<1x16xf32>,
        %get3A_961 = vector.shape_cast %get3A_960 : vector<1x16xf32> to vector<16xf32>
        %mul3A_962 = arith.mulf %gather3A_951, %get3A_961 : vector<16xf32>
        %add3A_963 = arith.addf %add3A_943, %mul3A_962 : vector<16xf32>
        %add3A_964 = arith.constant 32 : i32
        %add3A_965 = arith.addi %mul3A_187, %add3A_964 : i32
        %add3A_966 = arith.constant 6 : i32
        %add3A_967 = arith.addi %add3A_965, %add3A_966 : i32
        %broadcast_in_dim3A_968 = arith.constant 6 : i32
        %broadcast_in_dim3A_969 = vector.broadcast %broadcast_in_dim3A_968 : i32 to vector<16x1xi32>
        %gather3A_970 = vector.shape_cast %broadcast_in_dim3A_969 : vector<16x1xi32> to vector<16xi32>
        %gather3A_971 = tpu.dynamic_gather %get3A_843[%gather3A_970] in [0] : vector<16xf32>, vector<16xi32> -> vector<16xf32>
        %get3A_972 = arith.index_cast %add3A_967 : i32 to index
        %get3A_973 = arith.constant 0 : index
        %get3A_974 = tpu.vector_load %arg8[%get3A_972, %get3A_973] {strides = array<i32>} : memref<1280x32xf32, #tpu.memory_space<vmem>>, vector<1x16xf32>,
        %get3A_975 = vector.shape_cast %get3A_974 : vector<1x16xf32> to vector<16xf32>
        %mul3A_976 = arith.mulf %gather3A_971, %get3A_975 : vector<16xf32>
        %add3A_977 = arith.addf %add3A_957, %mul3A_976 : vector<16xf32>
        %get3A_978 = arith.index_cast %add3A_967 : i32 to index
        %get3A_979 = arith.constant 16 : index
        %get3A_980 = tpu.vector_load %arg8[%get3A_978, %get3A_979] {strides = array<i32>} : memref<1280x32xf32, #tpu.memory_space<vmem>>, vector<1x16xf32>,
        %get3A_981 = vector.shape_cast %get3A_980 : vector<1x16xf32> to vector<16xf32>
        %mul3A_982 = arith.mulf %gather3A_971, %get3A_981 : vector<16xf32>
        %add3A_983 = arith.addf %add3A_963, %mul3A_982 : vector<16xf32>
        %add3A_984 = arith.constant 32 : i32
        %add3A_985 = arith.addi %mul3A_187, %add3A_984 : i32
        %add3A_986 = arith.constant 7 : i32
        %add3A_987 = arith.addi %add3A_985, %add3A_986 : i32
        %broadcast_in_dim3A_988 = arith.constant 7 : i32
        %broadcast_in_dim3A_989 = vector.broadcast %broadcast_in_dim3A_988 : i32 to vector<16x1xi32>
        %gather3A_990 = vector.shape_cast %broadcast_in_dim3A_989 : vector<16x1xi32> to vector<16xi32>
        %gather3A_991 = tpu.dynamic_gather %get3A_843[%gather3A_990] in [0] : vector<16xf32>, vector<16xi32> -> vector<16xf32>
        %get3A_992 = arith.index_cast %add3A_987 : i32 to index
        %get3A_993 = arith.constant 0 : index
        %get3A_994 = tpu.vector_load %arg8[%get3A_992, %get3A_993] {strides = array<i32>} : memref<1280x32xf32, #tpu.memory_space<vmem>>, vector<1x16xf32>,
        %get3A_995 = vector.shape_cast %get3A_994 : vector<1x16xf32> to vector<16xf32>
        %mul3A_996 = arith.mulf %gather3A_991, %get3A_995 : vector<16xf32>
        %add3A_997 = arith.addf %add3A_977, %mul3A_996 : vector<16xf32>
        %get3A_998 = arith.index_cast %add3A_987 : i32 to index
        %get3A_999 = arith.constant 16 : index
        %get3A_1000 = tpu.vector_load %arg8[%get3A_998, %get3A_999] {strides = array<i32>} : memref<1280x32xf32, #tpu.memory_space<vmem>>, vector<1x16xf32>,
        %get3A_1001 = vector.shape_cast %get3A_1000 : vector<1x16xf32> to vector<16xf32>
        %mul3A_1002 = arith.mulf %gather3A_991, %get3A_1001 : vector<16xf32>
        %add3A_1003 = arith.addf %add3A_983, %mul3A_1002 : vector<16xf32>
        %add3A_1004 = arith.constant 32 : i32
        %add3A_1005 = arith.addi %mul3A_187, %add3A_1004 : i32
        %add3A_1006 = arith.constant 8 : i32
        %add3A_1007 = arith.addi %add3A_1005, %add3A_1006 : i32
        %broadcast_in_dim3A_1008 = arith.constant 8 : i32
        %broadcast_in_dim3A_1009 = vector.broadcast %broadcast_in_dim3A_1008 : i32 to vector<16x1xi32>
        %gather3A_1010 = vector.shape_cast %broadcast_in_dim3A_1009 : vector<16x1xi32> to vector<16xi32>
        %gather3A_1011 = tpu.dynamic_gather %get3A_843[%gather3A_1010] in [0] : vector<16xf32>, vector<16xi32> -> vector<16xf32>
        %get3A_1012 = arith.index_cast %add3A_1007 : i32 to index
        %get3A_1013 = arith.constant 0 : index
        %get3A_1014 = tpu.vector_load %arg8[%get3A_1012, %get3A_1013] {strides = array<i32>} : memref<1280x32xf32, #tpu.memory_space<vmem>>, vector<1x16xf32>,
        %get3A_1015 = vector.shape_cast %get3A_1014 : vector<1x16xf32> to vector<16xf32>
        %mul3A_1016 = arith.mulf %gather3A_1011, %get3A_1015 : vector<16xf32>
        %add3A_1017 = arith.addf %add3A_997, %mul3A_1016 : vector<16xf32>
        %get3A_1018 = arith.index_cast %add3A_1007 : i32 to index
        %get3A_1019 = arith.constant 16 : index
        %get3A_1020 = tpu.vector_load %arg8[%get3A_1018, %get3A_1019] {strides = array<i32>} : memref<1280x32xf32, #tpu.memory_space<vmem>>, vector<1x16xf32>,
        %get3A_1021 = vector.shape_cast %get3A_1020 : vector<1x16xf32> to vector<16xf32>
        %mul3A_1022 = arith.mulf %gather3A_1011, %get3A_1021 : vector<16xf32>
        %add3A_1023 = arith.addf %add3A_1003, %mul3A_1022 : vector<16xf32>
        %add3A_1024 = arith.constant 32 : i32
        %add3A_1025 = arith.addi %mul3A_187, %add3A_1024 : i32
        %add3A_1026 = arith.constant 9 : i32
        %add3A_1027 = arith.addi %add3A_1025, %add3A_1026 : i32
        %broadcast_in_dim3A_1028 = arith.constant 9 : i32
        %broadcast_in_dim3A_1029 = vector.broadcast %broadcast_in_dim3A_1028 : i32 to vector<16x1xi32>
        %gather3A_1030 = vector.shape_cast %broadcast_in_dim3A_1029 : vector<16x1xi32> to vector<16xi32>
        %gather3A_1031 = tpu.dynamic_gather %get3A_843[%gather3A_1030] in [0] : vector<16xf32>, vector<16xi32> -> vector<16xf32>
        %get3A_1032 = arith.index_cast %add3A_1027 : i32 to index
        %get3A_1033 = arith.constant 0 : index
        %get3A_1034 = tpu.vector_load %arg8[%get3A_1032, %get3A_1033] {strides = array<i32>} : memref<1280x32xf32, #tpu.memory_space<vmem>>, vector<1x16xf32>,
        %get3A_1035 = vector.shape_cast %get3A_1034 : vector<1x16xf32> to vector<16xf32>
        %mul3A_1036 = arith.mulf %gather3A_1031, %get3A_1035 : vector<16xf32>
        %add3A_1037 = arith.addf %add3A_1017, %mul3A_1036 : vector<16xf32>
        %get3A_1038 = arith.index_cast %add3A_1027 : i32 to index
        %get3A_1039 = arith.constant 16 : index
        %get3A_1040 = tpu.vector_load %arg8[%get3A_1038, %get3A_1039] {strides = array<i32>} : memref<1280x32xf32, #tpu.memory_space<vmem>>, vector<1x16xf32>,
        %get3A_1041 = vector.shape_cast %get3A_1040 : vector<1x16xf32> to vector<16xf32>
        %mul3A_1042 = arith.mulf %gather3A_1031, %get3A_1041 : vector<16xf32>
        %add3A_1043 = arith.addf %add3A_1023, %mul3A_1042 : vector<16xf32>
        %add3A_1044 = arith.constant 32 : i32
        %add3A_1045 = arith.addi %mul3A_187, %add3A_1044 : i32
        %add3A_1046 = arith.constant 10 : i32
        %add3A_1047 = arith.addi %add3A_1045, %add3A_1046 : i32
        %broadcast_in_dim3A_1048 = arith.constant 10 : i32
        %broadcast_in_dim3A_1049 = vector.broadcast %broadcast_in_dim3A_1048 : i32 to vector<16x1xi32>
        %gather3A_1050 = vector.shape_cast %broadcast_in_dim3A_1049 : vector<16x1xi32> to vector<16xi32>
        %gather3A_1051 = tpu.dynamic_gather %get3A_843[%gather3A_1050] in [0] : vector<16xf32>, vector<16xi32> -> vector<16xf32>
        %get3A_1052 = arith.index_cast %add3A_1047 : i32 to index
        %get3A_1053 = arith.constant 0 : index
        %get3A_1054 = tpu.vector_load %arg8[%get3A_1052, %get3A_1053] {strides = array<i32>} : memref<1280x32xf32, #tpu.memory_space<vmem>>, vector<1x16xf32>,
        %get3A_1055 = vector.shape_cast %get3A_1054 : vector<1x16xf32> to vector<16xf32>
        %mul3A_1056 = arith.mulf %gather3A_1051, %get3A_1055 : vector<16xf32>
        %add3A_1057 = arith.addf %add3A_1037, %mul3A_1056 : vector<16xf32>
        %get3A_1058 = arith.index_cast %add3A_1047 : i32 to index
        %get3A_1059 = arith.constant 16 : index
        %get3A_1060 = tpu.vector_load %arg8[%get3A_1058, %get3A_1059] {strides = array<i32>} : memref<1280x32xf32, #tpu.memory_space<vmem>>, vector<1x16xf32>,
        %get3A_1061 = vector.shape_cast %get3A_1060 : vector<1x16xf32> to vector<16xf32>
        %mul3A_1062 = arith.mulf %gather3A_1051, %get3A_1061 : vector<16xf32>
        %add3A_1063 = arith.addf %add3A_1043, %mul3A_1062 : vector<16xf32>
        %add3A_1064 = arith.constant 32 : i32
        %add3A_1065 = arith.addi %mul3A_187, %add3A_1064 : i32
        %add3A_1066 = arith.constant 11 : i32
        %add3A_1067 = arith.addi %add3A_1065, %add3A_1066 : i32
        %broadcast_in_dim3A_1068 = arith.constant 11 : i32
        %broadcast_in_dim3A_1069 = vector.broadcast %broadcast_in_dim3A_1068 : i32 to vector<16x1xi32>
        %gather3A_1070 = vector.shape_cast %broadcast_in_dim3A_1069 : vector<16x1xi32> to vector<16xi32>
        %gather3A_1071 = tpu.dynamic_gather %get3A_843[%gather3A_1070] in [0] : vector<16xf32>, vector<16xi32> -> vector<16xf32>
        %get3A_1072 = arith.index_cast %add3A_1067 : i32 to index
        %get3A_1073 = arith.constant 0 : index
        %get3A_1074 = tpu.vector_load %arg8[%get3A_1072, %get3A_1073] {strides = array<i32>} : memref<1280x32xf32, #tpu.memory_space<vmem>>, vector<1x16xf32>,
        %get3A_1075 = vector.shape_cast %get3A_1074 : vector<1x16xf32> to vector<16xf32>
        %mul3A_1076 = arith.mulf %gather3A_1071, %get3A_1075 : vector<16xf32>
        %add3A_1077 = arith.addf %add3A_1057, %mul3A_1076 : vector<16xf32>
        %get3A_1078 = arith.index_cast %add3A_1067 : i32 to index
        %get3A_1079 = arith.constant 16 : index
        %get3A_1080 = tpu.vector_load %arg8[%get3A_1078, %get3A_1079] {strides = array<i32>} : memref<1280x32xf32, #tpu.memory_space<vmem>>, vector<1x16xf32>,
        %get3A_1081 = vector.shape_cast %get3A_1080 : vector<1x16xf32> to vector<16xf32>
        %mul3A_1082 = arith.mulf %gather3A_1071, %get3A_1081 : vector<16xf32>
        %add3A_1083 = arith.addf %add3A_1063, %mul3A_1082 : vector<16xf32>
        %add3A_1084 = arith.constant 32 : i32
        %add3A_1085 = arith.addi %mul3A_187, %add3A_1084 : i32
        %add3A_1086 = arith.constant 12 : i32
        %add3A_1087 = arith.addi %add3A_1085, %add3A_1086 : i32
        %broadcast_in_dim3A_1088 = arith.constant 12 : i32
        %broadcast_in_dim3A_1089 = vector.broadcast %broadcast_in_dim3A_1088 : i32 to vector<16x1xi32>
        %gather3A_1090 = vector.shape_cast %broadcast_in_dim3A_1089 : vector<16x1xi32> to vector<16xi32>
        %gather3A_1091 = tpu.dynamic_gather %get3A_843[%gather3A_1090] in [0] : vector<16xf32>, vector<16xi32> -> vector<16xf32>
        %get3A_1092 = arith.index_cast %add3A_1087 : i32 to index
        %get3A_1093 = arith.constant 0 : index
        %get3A_1094 = tpu.vector_load %arg8[%get3A_1092, %get3A_1093] {strides = array<i32>} : memref<1280x32xf32, #tpu.memory_space<vmem>>, vector<1x16xf32>,
        %get3A_1095 = vector.shape_cast %get3A_1094 : vector<1x16xf32> to vector<16xf32>
        %mul3A_1096 = arith.mulf %gather3A_1091, %get3A_1095 : vector<16xf32>
        %add3A_1097 = arith.addf %add3A_1077, %mul3A_1096 : vector<16xf32>
        %get3A_1098 = arith.index_cast %add3A_1087 : i32 to index
        %get3A_1099 = arith.constant 16 : index
        %get3A_1100 = tpu.vector_load %arg8[%get3A_1098, %get3A_1099] {strides = array<i32>} : memref<1280x32xf32, #tpu.memory_space<vmem>>, vector<1x16xf32>,
        %get3A_1101 = vector.shape_cast %get3A_1100 : vector<1x16xf32> to vector<16xf32>
        %mul3A_1102 = arith.mulf %gather3A_1091, %get3A_1101 : vector<16xf32>
        %add3A_1103 = arith.addf %add3A_1083, %mul3A_1102 : vector<16xf32>
        %add3A_1104 = arith.constant 32 : i32
        %add3A_1105 = arith.addi %mul3A_187, %add3A_1104 : i32
        %add3A_1106 = arith.constant 13 : i32
        %add3A_1107 = arith.addi %add3A_1105, %add3A_1106 : i32
        %broadcast_in_dim3A_1108 = arith.constant 13 : i32
        %broadcast_in_dim3A_1109 = vector.broadcast %broadcast_in_dim3A_1108 : i32 to vector<16x1xi32>
        %gather3A_1110 = vector.shape_cast %broadcast_in_dim3A_1109 : vector<16x1xi32> to vector<16xi32>
        %gather3A_1111 = tpu.dynamic_gather %get3A_843[%gather3A_1110] in [0] : vector<16xf32>, vector<16xi32> -> vector<16xf32>
        %get3A_1112 = arith.index_cast %add3A_1107 : i32 to index
        %get3A_1113 = arith.constant 0 : index
        %get3A_1114 = tpu.vector_load %arg8[%get3A_1112, %get3A_1113] {strides = array<i32>} : memref<1280x32xf32, #tpu.memory_space<vmem>>, vector<1x16xf32>,
        %get3A_1115 = vector.shape_cast %get3A_1114 : vector<1x16xf32> to vector<16xf32>
        %mul3A_1116 = arith.mulf %gather3A_1111, %get3A_1115 : vector<16xf32>
        %add3A_1117 = arith.addf %add3A_1097, %mul3A_1116 : vector<16xf32>
        %get3A_1118 = arith.index_cast %add3A_1107 : i32 to index
        %get3A_1119 = arith.constant 16 : index
        %get3A_1120 = tpu.vector_load %arg8[%get3A_1118, %get3A_1119] {strides = array<i32>} : memref<1280x32xf32, #tpu.memory_space<vmem>>, vector<1x16xf32>,
        %get3A_1121 = vector.shape_cast %get3A_1120 : vector<1x16xf32> to vector<16xf32>
        %mul3A_1122 = arith.mulf %gather3A_1111, %get3A_1121 : vector<16xf32>
        %add3A_1123 = arith.addf %add3A_1103, %mul3A_1122 : vector<16xf32>
        %add3A_1124 = arith.constant 32 : i32
        %add3A_1125 = arith.addi %mul3A_187, %add3A_1124 : i32
        %add3A_1126 = arith.constant 14 : i32
        %add3A_1127 = arith.addi %add3A_1125, %add3A_1126 : i32
        %broadcast_in_dim3A_1128 = arith.constant 14 : i32
        %broadcast_in_dim3A_1129 = vector.broadcast %broadcast_in_dim3A_1128 : i32 to vector<16x1xi32>
        %gather3A_1130 = vector.shape_cast %broadcast_in_dim3A_1129 : vector<16x1xi32> to vector<16xi32>
        %gather3A_1131 = tpu.dynamic_gather %get3A_843[%gather3A_1130] in [0] : vector<16xf32>, vector<16xi32> -> vector<16xf32>
        %get3A_1132 = arith.index_cast %add3A_1127 : i32 to index
        %get3A_1133 = arith.constant 0 : index
        %get3A_1134 = tpu.vector_load %arg8[%get3A_1132, %get3A_1133] {strides = array<i32>} : memref<1280x32xf32, #tpu.memory_space<vmem>>, vector<1x16xf32>,
        %get3A_1135 = vector.shape_cast %get3A_1134 : vector<1x16xf32> to vector<16xf32>
        %mul3A_1136 = arith.mulf %gather3A_1131, %get3A_1135 : vector<16xf32>
        %add3A_1137 = arith.addf %add3A_1117, %mul3A_1136 : vector<16xf32>
        %get3A_1138 = arith.index_cast %add3A_1127 : i32 to index
        %get3A_1139 = arith.constant 16 : index
        %get3A_1140 = tpu.vector_load %arg8[%get3A_1138, %get3A_1139] {strides = array<i32>} : memref<1280x32xf32, #tpu.memory_space<vmem>>, vector<1x16xf32>,
        %get3A_1141 = vector.shape_cast %get3A_1140 : vector<1x16xf32> to vector<16xf32>
        %mul3A_1142 = arith.mulf %gather3A_1131, %get3A_1141 : vector<16xf32>
        %add3A_1143 = arith.addf %add3A_1123, %mul3A_1142 : vector<16xf32>
        %add3A_1144 = arith.constant 32 : i32
        %add3A_1145 = arith.addi %mul3A_187, %add3A_1144 : i32
        %add3A_1146 = arith.constant 15 : i32
        %add3A_1147 = arith.addi %add3A_1145, %add3A_1146 : i32
        %broadcast_in_dim3A_1148 = arith.constant 15 : i32
        %broadcast_in_dim3A_1149 = vector.broadcast %broadcast_in_dim3A_1148 : i32 to vector<16x1xi32>
        %gather3A_1150 = vector.shape_cast %broadcast_in_dim3A_1149 : vector<16x1xi32> to vector<16xi32>
        %gather3A_1151 = tpu.dynamic_gather %get3A_843[%gather3A_1150] in [0] : vector<16xf32>, vector<16xi32> -> vector<16xf32>
        %get3A_1152 = arith.index_cast %add3A_1147 : i32 to index
        %get3A_1153 = arith.constant 0 : index
        %get3A_1154 = tpu.vector_load %arg8[%get3A_1152, %get3A_1153] {strides = array<i32>} : memref<1280x32xf32, #tpu.memory_space<vmem>>, vector<1x16xf32>,
        %get3A_1155 = vector.shape_cast %get3A_1154 : vector<1x16xf32> to vector<16xf32>
        %mul3A_1156 = arith.mulf %gather3A_1151, %get3A_1155 : vector<16xf32>
        %add3A_1157 = arith.addf %add3A_1137, %mul3A_1156 : vector<16xf32>
        %get3A_1158 = arith.index_cast %add3A_1147 : i32 to index
        %get3A_1159 = arith.constant 16 : index
        %get3A_1160 = tpu.vector_load %arg8[%get3A_1158, %get3A_1159] {strides = array<i32>} : memref<1280x32xf32, #tpu.memory_space<vmem>>, vector<1x16xf32>,
        %get3A_1161 = vector.shape_cast %get3A_1160 : vector<1x16xf32> to vector<16xf32>
        %mul3A_1162 = arith.mulf %gather3A_1151, %get3A_1161 : vector<16xf32>
        %add3A_1163 = arith.addf %add3A_1143, %mul3A_1162 : vector<16xf32>
        %add3A_1164 = arith.constant 48 : i32
        %add3A_1165 = arith.addi %mul3A_187, %add3A_1164 : i32
        %get3A_1166 = arith.index_cast %add3A_1165 : i32 to index
        %get3A_1167 = tpu.vector_load %arg7[%get3A_1166] {strides = array<i32>} : memref<1280xf32, #tpu.memory_space<vmem>>, vector<16xf32>,
        %get3A_1168 = vector.shape_cast %get3A_1167 : vector<16xf32> to vector<16xf32>
        %add3A_1169 = arith.constant 48 : i32
        %add3A_1170 = arith.addi %mul3A_187, %add3A_1169 : i32
        %add3A_1171 = arith.constant 0 : i32
        %add3A_1172 = arith.addi %add3A_1170, %add3A_1171 : i32
        %broadcast_in_dim3A_1173 = arith.constant 0 : i32
        %broadcast_in_dim3A_1174 = vector.broadcast %broadcast_in_dim3A_1173 : i32 to vector<16x1xi32>
        %gather3A_1175 = vector.shape_cast %broadcast_in_dim3A_1174 : vector<16x1xi32> to vector<16xi32>
        %gather3A_1176 = tpu.dynamic_gather %get3A_1168[%gather3A_1175] in [0] : vector<16xf32>, vector<16xi32> -> vector<16xf32>
        %get3A_1177 = arith.index_cast %add3A_1172 : i32 to index
        %get3A_1178 = arith.constant 0 : index
        %get3A_1179 = tpu.vector_load %arg8[%get3A_1177, %get3A_1178] {strides = array<i32>} : memref<1280x32xf32, #tpu.memory_space<vmem>>, vector<1x16xf32>,
        %get3A_1180 = vector.shape_cast %get3A_1179 : vector<1x16xf32> to vector<16xf32>
        %mul3A_1181 = arith.mulf %gather3A_1176, %get3A_1180 : vector<16xf32>
        %add3A_1182 = arith.addf %add3A_1157, %mul3A_1181 : vector<16xf32>
        %get3A_1183 = arith.index_cast %add3A_1172 : i32 to index
        %get3A_1184 = arith.constant 16 : index
        %get3A_1185 = tpu.vector_load %arg8[%get3A_1183, %get3A_1184] {strides = array<i32>} : memref<1280x32xf32, #tpu.memory_space<vmem>>, vector<1x16xf32>,
        %get3A_1186 = vector.shape_cast %get3A_1185 : vector<1x16xf32> to vector<16xf32>
        %mul3A_1187 = arith.mulf %gather3A_1176, %get3A_1186 : vector<16xf32>
        %add3A_1188 = arith.addf %add3A_1163, %mul3A_1187 : vector<16xf32>
        %add3A_1189 = arith.constant 48 : i32
        %add3A_1190 = arith.addi %mul3A_187, %add3A_1189 : i32
        %add3A_1191 = arith.constant 1 : i32
        %add3A_1192 = arith.addi %add3A_1190, %add3A_1191 : i32
        %broadcast_in_dim3A_1193 = arith.constant 1 : i32
        %broadcast_in_dim3A_1194 = vector.broadcast %broadcast_in_dim3A_1193 : i32 to vector<16x1xi32>
        %gather3A_1195 = vector.shape_cast %broadcast_in_dim3A_1194 : vector<16x1xi32> to vector<16xi32>
        %gather3A_1196 = tpu.dynamic_gather %get3A_1168[%gather3A_1195] in [0] : vector<16xf32>, vector<16xi32> -> vector<16xf32>
        %get3A_1197 = arith.index_cast %add3A_1192 : i32 to index
        %get3A_1198 = arith.constant 0 : index
        %get3A_1199 = tpu.vector_load %arg8[%get3A_1197, %get3A_1198] {strides = array<i32>} : memref<1280x32xf32, #tpu.memory_space<vmem>>, vector<1x16xf32>,
        %get3A_1200 = vector.shape_cast %get3A_1199 : vector<1x16xf32> to vector<16xf32>
        %mul3A_1201 = arith.mulf %gather3A_1196, %get3A_1200 : vector<16xf32>
        %add3A_1202 = arith.addf %add3A_1182, %mul3A_1201 : vector<16xf32>
        %get3A_1203 = arith.index_cast %add3A_1192 : i32 to index
        %get3A_1204 = arith.constant 16 : index
        %get3A_1205 = tpu.vector_load %arg8[%get3A_1203, %get3A_1204] {strides = array<i32>} : memref<1280x32xf32, #tpu.memory_space<vmem>>, vector<1x16xf32>,
        %get3A_1206 = vector.shape_cast %get3A_1205 : vector<1x16xf32> to vector<16xf32>
        %mul3A_1207 = arith.mulf %gather3A_1196, %get3A_1206 : vector<16xf32>
        %add3A_1208 = arith.addf %add3A_1188, %mul3A_1207 : vector<16xf32>
        %add3A_1209 = arith.constant 48 : i32
        %add3A_1210 = arith.addi %mul3A_187, %add3A_1209 : i32
        %add3A_1211 = arith.constant 2 : i32
        %add3A_1212 = arith.addi %add3A_1210, %add3A_1211 : i32
        %broadcast_in_dim3A_1213 = arith.constant 2 : i32
        %broadcast_in_dim3A_1214 = vector.broadcast %broadcast_in_dim3A_1213 : i32 to vector<16x1xi32>
        %gather3A_1215 = vector.shape_cast %broadcast_in_dim3A_1214 : vector<16x1xi32> to vector<16xi32>
        %gather3A_1216 = tpu.dynamic_gather %get3A_1168[%gather3A_1215] in [0] : vector<16xf32>, vector<16xi32> -> vector<16xf32>
        %get3A_1217 = arith.index_cast %add3A_1212 : i32 to index
        %get3A_1218 = arith.constant 0 : index
        %get3A_1219 = tpu.vector_load %arg8[%get3A_1217, %get3A_1218] {strides = array<i32>} : memref<1280x32xf32, #tpu.memory_space<vmem>>, vector<1x16xf32>,
        %get3A_1220 = vector.shape_cast %get3A_1219 : vector<1x16xf32> to vector<16xf32>
        %mul3A_1221 = arith.mulf %gather3A_1216, %get3A_1220 : vector<16xf32>
        %add3A_1222 = arith.addf %add3A_1202, %mul3A_1221 : vector<16xf32>
        %get3A_1223 = arith.index_cast %add3A_1212 : i32 to index
        %get3A_1224 = arith.constant 16 : index
        %get3A_1225 = tpu.vector_load %arg8[%get3A_1223, %get3A_1224] {strides = array<i32>} : memref<1280x32xf32, #tpu.memory_space<vmem>>, vector<1x16xf32>,
        %get3A_1226 = vector.shape_cast %get3A_1225 : vector<1x16xf32> to vector<16xf32>
        %mul3A_1227 = arith.mulf %gather3A_1216, %get3A_1226 : vector<16xf32>
        %add3A_1228 = arith.addf %add3A_1208, %mul3A_1227 : vector<16xf32>
        %add3A_1229 = arith.constant 48 : i32
        %add3A_1230 = arith.addi %mul3A_187, %add3A_1229 : i32
        %add3A_1231 = arith.constant 3 : i32
        %add3A_1232 = arith.addi %add3A_1230, %add3A_1231 : i32
        %broadcast_in_dim3A_1233 = arith.constant 3 : i32
        %broadcast_in_dim3A_1234 = vector.broadcast %broadcast_in_dim3A_1233 : i32 to vector<16x1xi32>
        %gather3A_1235 = vector.shape_cast %broadcast_in_dim3A_1234 : vector<16x1xi32> to vector<16xi32>
        %gather3A_1236 = tpu.dynamic_gather %get3A_1168[%gather3A_1235] in [0] : vector<16xf32>, vector<16xi32> -> vector<16xf32>
        %get3A_1237 = arith.index_cast %add3A_1232 : i32 to index
        %get3A_1238 = arith.constant 0 : index
        %get3A_1239 = tpu.vector_load %arg8[%get3A_1237, %get3A_1238] {strides = array<i32>} : memref<1280x32xf32, #tpu.memory_space<vmem>>, vector<1x16xf32>,
        %get3A_1240 = vector.shape_cast %get3A_1239 : vector<1x16xf32> to vector<16xf32>
        %mul3A_1241 = arith.mulf %gather3A_1236, %get3A_1240 : vector<16xf32>
        %add3A_1242 = arith.addf %add3A_1222, %mul3A_1241 : vector<16xf32>
        %get3A_1243 = arith.index_cast %add3A_1232 : i32 to index
        %get3A_1244 = arith.constant 16 : index
        %get3A_1245 = tpu.vector_load %arg8[%get3A_1243, %get3A_1244] {strides = array<i32>} : memref<1280x32xf32, #tpu.memory_space<vmem>>, vector<1x16xf32>,
        %get3A_1246 = vector.shape_cast %get3A_1245 : vector<1x16xf32> to vector<16xf32>
        %mul3A_1247 = arith.mulf %gather3A_1236, %get3A_1246 : vector<16xf32>
        %add3A_1248 = arith.addf %add3A_1228, %mul3A_1247 : vector<16xf32>
        %add3A_1249 = arith.constant 48 : i32
        %add3A_1250 = arith.addi %mul3A_187, %add3A_1249 : i32
        %add3A_1251 = arith.constant 4 : i32
        %add3A_1252 = arith.addi %add3A_1250, %add3A_1251 : i32
        %broadcast_in_dim3A_1253 = arith.constant 4 : i32
        %broadcast_in_dim3A_1254 = vector.broadcast %broadcast_in_dim3A_1253 : i32 to vector<16x1xi32>
        %gather3A_1255 = vector.shape_cast %broadcast_in_dim3A_1254 : vector<16x1xi32> to vector<16xi32>
        %gather3A_1256 = tpu.dynamic_gather %get3A_1168[%gather3A_1255] in [0] : vector<16xf32>, vector<16xi32> -> vector<16xf32>
        %get3A_1257 = arith.index_cast %add3A_1252 : i32 to index
        %get3A_1258 = arith.constant 0 : index
        %get3A_1259 = tpu.vector_load %arg8[%get3A_1257, %get3A_1258] {strides = array<i32>} : memref<1280x32xf32, #tpu.memory_space<vmem>>, vector<1x16xf32>,
        %get3A_1260 = vector.shape_cast %get3A_1259 : vector<1x16xf32> to vector<16xf32>
        %mul3A_1261 = arith.mulf %gather3A_1256, %get3A_1260 : vector<16xf32>
        %add3A_1262 = arith.addf %add3A_1242, %mul3A_1261 : vector<16xf32>
        %get3A_1263 = arith.index_cast %add3A_1252 : i32 to index
        %get3A_1264 = arith.constant 16 : index
        %get3A_1265 = tpu.vector_load %arg8[%get3A_1263, %get3A_1264] {strides = array<i32>} : memref<1280x32xf32, #tpu.memory_space<vmem>>, vector<1x16xf32>,
        %get3A_1266 = vector.shape_cast %get3A_1265 : vector<1x16xf32> to vector<16xf32>
        %mul3A_1267 = arith.mulf %gather3A_1256, %get3A_1266 : vector<16xf32>
        %add3A_1268 = arith.addf %add3A_1248, %mul3A_1267 : vector<16xf32>
        %add3A_1269 = arith.constant 48 : i32
        %add3A_1270 = arith.addi %mul3A_187, %add3A_1269 : i32
        %add3A_1271 = arith.constant 5 : i32
        %add3A_1272 = arith.addi %add3A_1270, %add3A_1271 : i32
        %broadcast_in_dim3A_1273 = arith.constant 5 : i32
        %broadcast_in_dim3A_1274 = vector.broadcast %broadcast_in_dim3A_1273 : i32 to vector<16x1xi32>
        %gather3A_1275 = vector.shape_cast %broadcast_in_dim3A_1274 : vector<16x1xi32> to vector<16xi32>
        %gather3A_1276 = tpu.dynamic_gather %get3A_1168[%gather3A_1275] in [0] : vector<16xf32>, vector<16xi32> -> vector<16xf32>
        %get3A_1277 = arith.index_cast %add3A_1272 : i32 to index
        %get3A_1278 = arith.constant 0 : index
        %get3A_1279 = tpu.vector_load %arg8[%get3A_1277, %get3A_1278] {strides = array<i32>} : memref<1280x32xf32, #tpu.memory_space<vmem>>, vector<1x16xf32>,
        %get3A_1280 = vector.shape_cast %get3A_1279 : vector<1x16xf32> to vector<16xf32>
        %mul3A_1281 = arith.mulf %gather3A_1276, %get3A_1280 : vector<16xf32>
        %add3A_1282 = arith.addf %add3A_1262, %mul3A_1281 : vector<16xf32>
        %get3A_1283 = arith.index_cast %add3A_1272 : i32 to index
        %get3A_1284 = arith.constant 16 : index
        %get3A_1285 = tpu.vector_load %arg8[%get3A_1283, %get3A_1284] {strides = array<i32>} : memref<1280x32xf32, #tpu.memory_space<vmem>>, vector<1x16xf32>,
        %get3A_1286 = vector.shape_cast %get3A_1285 : vector<1x16xf32> to vector<16xf32>
        %mul3A_1287 = arith.mulf %gather3A_1276, %get3A_1286 : vector<16xf32>
        %add3A_1288 = arith.addf %add3A_1268, %mul3A_1287 : vector<16xf32>
        %add3A_1289 = arith.constant 48 : i32
        %add3A_1290 = arith.addi %mul3A_187, %add3A_1289 : i32
        %add3A_1291 = arith.constant 6 : i32
        %add3A_1292 = arith.addi %add3A_1290, %add3A_1291 : i32
        %broadcast_in_dim3A_1293 = arith.constant 6 : i32
        %broadcast_in_dim3A_1294 = vector.broadcast %broadcast_in_dim3A_1293 : i32 to vector<16x1xi32>
        %gather3A_1295 = vector.shape_cast %broadcast_in_dim3A_1294 : vector<16x1xi32> to vector<16xi32>
        %gather3A_1296 = tpu.dynamic_gather %get3A_1168[%gather3A_1295] in [0] : vector<16xf32>, vector<16xi32> -> vector<16xf32>
        %get3A_1297 = arith.index_cast %add3A_1292 : i32 to index
        %get3A_1298 = arith.constant 0 : index
        %get3A_1299 = tpu.vector_load %arg8[%get3A_1297, %get3A_1298] {strides = array<i32>} : memref<1280x32xf32, #tpu.memory_space<vmem>>, vector<1x16xf32>,
        %get3A_1300 = vector.shape_cast %get3A_1299 : vector<1x16xf32> to vector<16xf32>
        %mul3A_1301 = arith.mulf %gather3A_1296, %get3A_1300 : vector<16xf32>
        %add3A_1302 = arith.addf %add3A_1282, %mul3A_1301 : vector<16xf32>
        %get3A_1303 = arith.index_cast %add3A_1292 : i32 to index
        %get3A_1304 = arith.constant 16 : index
        %get3A_1305 = tpu.vector_load %arg8[%get3A_1303, %get3A_1304] {strides = array<i32>} : memref<1280x32xf32, #tpu.memory_space<vmem>>, vector<1x16xf32>,
        %get3A_1306 = vector.shape_cast %get3A_1305 : vector<1x16xf32> to vector<16xf32>
        %mul3A_1307 = arith.mulf %gather3A_1296, %get3A_1306 : vector<16xf32>
        %add3A_1308 = arith.addf %add3A_1288, %mul3A_1307 : vector<16xf32>
        %add3A_1309 = arith.constant 48 : i32
        %add3A_1310 = arith.addi %mul3A_187, %add3A_1309 : i32
        %add3A_1311 = arith.constant 7 : i32
        %add3A_1312 = arith.addi %add3A_1310, %add3A_1311 : i32
        %broadcast_in_dim3A_1313 = arith.constant 7 : i32
        %broadcast_in_dim3A_1314 = vector.broadcast %broadcast_in_dim3A_1313 : i32 to vector<16x1xi32>
        %gather3A_1315 = vector.shape_cast %broadcast_in_dim3A_1314 : vector<16x1xi32> to vector<16xi32>
        %gather3A_1316 = tpu.dynamic_gather %get3A_1168[%gather3A_1315] in [0] : vector<16xf32>, vector<16xi32> -> vector<16xf32>
        %get3A_1317 = arith.index_cast %add3A_1312 : i32 to index
        %get3A_1318 = arith.constant 0 : index
        %get3A_1319 = tpu.vector_load %arg8[%get3A_1317, %get3A_1318] {strides = array<i32>} : memref<1280x32xf32, #tpu.memory_space<vmem>>, vector<1x16xf32>,
        %get3A_1320 = vector.shape_cast %get3A_1319 : vector<1x16xf32> to vector<16xf32>
        %mul3A_1321 = arith.mulf %gather3A_1316, %get3A_1320 : vector<16xf32>
        %add3A_1322 = arith.addf %add3A_1302, %mul3A_1321 : vector<16xf32>
        %get3A_1323 = arith.index_cast %add3A_1312 : i32 to index
        %get3A_1324 = arith.constant 16 : index
        %get3A_1325 = tpu.vector_load %arg8[%get3A_1323, %get3A_1324] {strides = array<i32>} : memref<1280x32xf32, #tpu.memory_space<vmem>>, vector<1x16xf32>,
        %get3A_1326 = vector.shape_cast %get3A_1325 : vector<1x16xf32> to vector<16xf32>
        %mul3A_1327 = arith.mulf %gather3A_1316, %get3A_1326 : vector<16xf32>
        %add3A_1328 = arith.addf %add3A_1308, %mul3A_1327 : vector<16xf32>
        %add3A_1329 = arith.constant 48 : i32
        %add3A_1330 = arith.addi %mul3A_187, %add3A_1329 : i32
        %add3A_1331 = arith.constant 8 : i32
        %add3A_1332 = arith.addi %add3A_1330, %add3A_1331 : i32
        %broadcast_in_dim3A_1333 = arith.constant 8 : i32
        %broadcast_in_dim3A_1334 = vector.broadcast %broadcast_in_dim3A_1333 : i32 to vector<16x1xi32>
        %gather3A_1335 = vector.shape_cast %broadcast_in_dim3A_1334 : vector<16x1xi32> to vector<16xi32>
        %gather3A_1336 = tpu.dynamic_gather %get3A_1168[%gather3A_1335] in [0] : vector<16xf32>, vector<16xi32> -> vector<16xf32>
        %get3A_1337 = arith.index_cast %add3A_1332 : i32 to index
        %get3A_1338 = arith.constant 0 : index
        %get3A_1339 = tpu.vector_load %arg8[%get3A_1337, %get3A_1338] {strides = array<i32>} : memref<1280x32xf32, #tpu.memory_space<vmem>>, vector<1x16xf32>,
        %get3A_1340 = vector.shape_cast %get3A_1339 : vector<1x16xf32> to vector<16xf32>
        %mul3A_1341 = arith.mulf %gather3A_1336, %get3A_1340 : vector<16xf32>
        %add3A_1342 = arith.addf %add3A_1322, %mul3A_1341 : vector<16xf32>
        %get3A_1343 = arith.index_cast %add3A_1332 : i32 to index
        %get3A_1344 = arith.constant 16 : index
        %get3A_1345 = tpu.vector_load %arg8[%get3A_1343, %get3A_1344] {strides = array<i32>} : memref<1280x32xf32, #tpu.memory_space<vmem>>, vector<1x16xf32>,
        %get3A_1346 = vector.shape_cast %get3A_1345 : vector<1x16xf32> to vector<16xf32>
        %mul3A_1347 = arith.mulf %gather3A_1336, %get3A_1346 : vector<16xf32>
        %add3A_1348 = arith.addf %add3A_1328, %mul3A_1347 : vector<16xf32>
        %add3A_1349 = arith.constant 48 : i32
        %add3A_1350 = arith.addi %mul3A_187, %add3A_1349 : i32
        %add3A_1351 = arith.constant 9 : i32
        %add3A_1352 = arith.addi %add3A_1350, %add3A_1351 : i32
        %broadcast_in_dim3A_1353 = arith.constant 9 : i32
        %broadcast_in_dim3A_1354 = vector.broadcast %broadcast_in_dim3A_1353 : i32 to vector<16x1xi32>
        %gather3A_1355 = vector.shape_cast %broadcast_in_dim3A_1354 : vector<16x1xi32> to vector<16xi32>
        %gather3A_1356 = tpu.dynamic_gather %get3A_1168[%gather3A_1355] in [0] : vector<16xf32>, vector<16xi32> -> vector<16xf32>
        %get3A_1357 = arith.index_cast %add3A_1352 : i32 to index
        %get3A_1358 = arith.constant 0 : index
        %get3A_1359 = tpu.vector_load %arg8[%get3A_1357, %get3A_1358] {strides = array<i32>} : memref<1280x32xf32, #tpu.memory_space<vmem>>, vector<1x16xf32>,
        %get3A_1360 = vector.shape_cast %get3A_1359 : vector<1x16xf32> to vector<16xf32>
        %mul3A_1361 = arith.mulf %gather3A_1356, %get3A_1360 : vector<16xf32>
        %add3A_1362 = arith.addf %add3A_1342, %mul3A_1361 : vector<16xf32>
        %get3A_1363 = arith.index_cast %add3A_1352 : i32 to index
        %get3A_1364 = arith.constant 16 : index
        %get3A_1365 = tpu.vector_load %arg8[%get3A_1363, %get3A_1364] {strides = array<i32>} : memref<1280x32xf32, #tpu.memory_space<vmem>>, vector<1x16xf32>,
        %get3A_1366 = vector.shape_cast %get3A_1365 : vector<1x16xf32> to vector<16xf32>
        %mul3A_1367 = arith.mulf %gather3A_1356, %get3A_1366 : vector<16xf32>
        %add3A_1368 = arith.addf %add3A_1348, %mul3A_1367 : vector<16xf32>
        %add3A_1369 = arith.constant 48 : i32
        %add3A_1370 = arith.addi %mul3A_187, %add3A_1369 : i32
        %add3A_1371 = arith.constant 10 : i32
        %add3A_1372 = arith.addi %add3A_1370, %add3A_1371 : i32
        %broadcast_in_dim3A_1373 = arith.constant 10 : i32
        %broadcast_in_dim3A_1374 = vector.broadcast %broadcast_in_dim3A_1373 : i32 to vector<16x1xi32>
        %gather3A_1375 = vector.shape_cast %broadcast_in_dim3A_1374 : vector<16x1xi32> to vector<16xi32>
        %gather3A_1376 = tpu.dynamic_gather %get3A_1168[%gather3A_1375] in [0] : vector<16xf32>, vector<16xi32> -> vector<16xf32>
        %get3A_1377 = arith.index_cast %add3A_1372 : i32 to index
        %get3A_1378 = arith.constant 0 : index
        %get3A_1379 = tpu.vector_load %arg8[%get3A_1377, %get3A_1378] {strides = array<i32>} : memref<1280x32xf32, #tpu.memory_space<vmem>>, vector<1x16xf32>,
        %get3A_1380 = vector.shape_cast %get3A_1379 : vector<1x16xf32> to vector<16xf32>
        %mul3A_1381 = arith.mulf %gather3A_1376, %get3A_1380 : vector<16xf32>
        %add3A_1382 = arith.addf %add3A_1362, %mul3A_1381 : vector<16xf32>
        %get3A_1383 = arith.index_cast %add3A_1372 : i32 to index
        %get3A_1384 = arith.constant 16 : index
        %get3A_1385 = tpu.vector_load %arg8[%get3A_1383, %get3A_1384] {strides = array<i32>} : memref<1280x32xf32, #tpu.memory_space<vmem>>, vector<1x16xf32>,
        %get3A_1386 = vector.shape_cast %get3A_1385 : vector<1x16xf32> to vector<16xf32>
        %mul3A_1387 = arith.mulf %gather3A_1376, %get3A_1386 : vector<16xf32>
        %add3A_1388 = arith.addf %add3A_1368, %mul3A_1387 : vector<16xf32>
        %add3A_1389 = arith.constant 48 : i32
        %add3A_1390 = arith.addi %mul3A_187, %add3A_1389 : i32
        %add3A_1391 = arith.constant 11 : i32
        %add3A_1392 = arith.addi %add3A_1390, %add3A_1391 : i32
        %broadcast_in_dim3A_1393 = arith.constant 11 : i32
        %broadcast_in_dim3A_1394 = vector.broadcast %broadcast_in_dim3A_1393 : i32 to vector<16x1xi32>
        %gather3A_1395 = vector.shape_cast %broadcast_in_dim3A_1394 : vector<16x1xi32> to vector<16xi32>
        %gather3A_1396 = tpu.dynamic_gather %get3A_1168[%gather3A_1395] in [0] : vector<16xf32>, vector<16xi32> -> vector<16xf32>
        %get3A_1397 = arith.index_cast %add3A_1392 : i32 to index
        %get3A_1398 = arith.constant 0 : index
        %get3A_1399 = tpu.vector_load %arg8[%get3A_1397, %get3A_1398] {strides = array<i32>} : memref<1280x32xf32, #tpu.memory_space<vmem>>, vector<1x16xf32>,
        %get3A_1400 = vector.shape_cast %get3A_1399 : vector<1x16xf32> to vector<16xf32>
        %mul3A_1401 = arith.mulf %gather3A_1396, %get3A_1400 : vector<16xf32>
        %add3A_1402 = arith.addf %add3A_1382, %mul3A_1401 : vector<16xf32>
        %get3A_1403 = arith.index_cast %add3A_1392 : i32 to index
        %get3A_1404 = arith.constant 16 : index
        %get3A_1405 = tpu.vector_load %arg8[%get3A_1403, %get3A_1404] {strides = array<i32>} : memref<1280x32xf32, #tpu.memory_space<vmem>>, vector<1x16xf32>,
        %get3A_1406 = vector.shape_cast %get3A_1405 : vector<1x16xf32> to vector<16xf32>
        %mul3A_1407 = arith.mulf %gather3A_1396, %get3A_1406 : vector<16xf32>
        %add3A_1408 = arith.addf %add3A_1388, %mul3A_1407 : vector<16xf32>
        %add3A_1409 = arith.constant 48 : i32
        %add3A_1410 = arith.addi %mul3A_187, %add3A_1409 : i32
        %add3A_1411 = arith.constant 12 : i32
        %add3A_1412 = arith.addi %add3A_1410, %add3A_1411 : i32
        %broadcast_in_dim3A_1413 = arith.constant 12 : i32
        %broadcast_in_dim3A_1414 = vector.broadcast %broadcast_in_dim3A_1413 : i32 to vector<16x1xi32>
        %gather3A_1415 = vector.shape_cast %broadcast_in_dim3A_1414 : vector<16x1xi32> to vector<16xi32>
        %gather3A_1416 = tpu.dynamic_gather %get3A_1168[%gather3A_1415] in [0] : vector<16xf32>, vector<16xi32> -> vector<16xf32>
        %get3A_1417 = arith.index_cast %add3A_1412 : i32 to index
        %get3A_1418 = arith.constant 0 : index
        %get3A_1419 = tpu.vector_load %arg8[%get3A_1417, %get3A_1418] {strides = array<i32>} : memref<1280x32xf32, #tpu.memory_space<vmem>>, vector<1x16xf32>,
        %get3A_1420 = vector.shape_cast %get3A_1419 : vector<1x16xf32> to vector<16xf32>
        %mul3A_1421 = arith.mulf %gather3A_1416, %get3A_1420 : vector<16xf32>
        %add3A_1422 = arith.addf %add3A_1402, %mul3A_1421 : vector<16xf32>
        %get3A_1423 = arith.index_cast %add3A_1412 : i32 to index
        %get3A_1424 = arith.constant 16 : index
        %get3A_1425 = tpu.vector_load %arg8[%get3A_1423, %get3A_1424] {strides = array<i32>} : memref<1280x32xf32, #tpu.memory_space<vmem>>, vector<1x16xf32>,
        %get3A_1426 = vector.shape_cast %get3A_1425 : vector<1x16xf32> to vector<16xf32>
        %mul3A_1427 = arith.mulf %gather3A_1416, %get3A_1426 : vector<16xf32>
        %add3A_1428 = arith.addf %add3A_1408, %mul3A_1427 : vector<16xf32>
        %add3A_1429 = arith.constant 48 : i32
        %add3A_1430 = arith.addi %mul3A_187, %add3A_1429 : i32
        %add3A_1431 = arith.constant 13 : i32
        %add3A_1432 = arith.addi %add3A_1430, %add3A_1431 : i32
        %broadcast_in_dim3A_1433 = arith.constant 13 : i32
        %broadcast_in_dim3A_1434 = vector.broadcast %broadcast_in_dim3A_1433 : i32 to vector<16x1xi32>
        %gather3A_1435 = vector.shape_cast %broadcast_in_dim3A_1434 : vector<16x1xi32> to vector<16xi32>
        %gather3A_1436 = tpu.dynamic_gather %get3A_1168[%gather3A_1435] in [0] : vector<16xf32>, vector<16xi32> -> vector<16xf32>
        %get3A_1437 = arith.index_cast %add3A_1432 : i32 to index
        %get3A_1438 = arith.constant 0 : index
        %get3A_1439 = tpu.vector_load %arg8[%get3A_1437, %get3A_1438] {strides = array<i32>} : memref<1280x32xf32, #tpu.memory_space<vmem>>, vector<1x16xf32>,
        %get3A_1440 = vector.shape_cast %get3A_1439 : vector<1x16xf32> to vector<16xf32>
        %mul3A_1441 = arith.mulf %gather3A_1436, %get3A_1440 : vector<16xf32>
        %add3A_1442 = arith.addf %add3A_1422, %mul3A_1441 : vector<16xf32>
        %get3A_1443 = arith.index_cast %add3A_1432 : i32 to index
        %get3A_1444 = arith.constant 16 : index
        %get3A_1445 = tpu.vector_load %arg8[%get3A_1443, %get3A_1444] {strides = array<i32>} : memref<1280x32xf32, #tpu.memory_space<vmem>>, vector<1x16xf32>,
        %get3A_1446 = vector.shape_cast %get3A_1445 : vector<1x16xf32> to vector<16xf32>
        %mul3A_1447 = arith.mulf %gather3A_1436, %get3A_1446 : vector<16xf32>
        %add3A_1448 = arith.addf %add3A_1428, %mul3A_1447 : vector<16xf32>
        %add3A_1449 = arith.constant 48 : i32
        %add3A_1450 = arith.addi %mul3A_187, %add3A_1449 : i32
        %add3A_1451 = arith.constant 14 : i32
        %add3A_1452 = arith.addi %add3A_1450, %add3A_1451 : i32
        %broadcast_in_dim3A_1453 = arith.constant 14 : i32
        %broadcast_in_dim3A_1454 = vector.broadcast %broadcast_in_dim3A_1453 : i32 to vector<16x1xi32>
        %gather3A_1455 = vector.shape_cast %broadcast_in_dim3A_1454 : vector<16x1xi32> to vector<16xi32>
        %gather3A_1456 = tpu.dynamic_gather %get3A_1168[%gather3A_1455] in [0] : vector<16xf32>, vector<16xi32> -> vector<16xf32>
        %get3A_1457 = arith.index_cast %add3A_1452 : i32 to index
        %get3A_1458 = arith.constant 0 : index
        %get3A_1459 = tpu.vector_load %arg8[%get3A_1457, %get3A_1458] {strides = array<i32>} : memref<1280x32xf32, #tpu.memory_space<vmem>>, vector<1x16xf32>,
        %get3A_1460 = vector.shape_cast %get3A_1459 : vector<1x16xf32> to vector<16xf32>
        %mul3A_1461 = arith.mulf %gather3A_1456, %get3A_1460 : vector<16xf32>
        %add3A_1462 = arith.addf %add3A_1442, %mul3A_1461 : vector<16xf32>
        %get3A_1463 = arith.index_cast %add3A_1452 : i32 to index
        %get3A_1464 = arith.constant 16 : index
        %get3A_1465 = tpu.vector_load %arg8[%get3A_1463, %get3A_1464] {strides = array<i32>} : memref<1280x32xf32, #tpu.memory_space<vmem>>, vector<1x16xf32>,
        %get3A_1466 = vector.shape_cast %get3A_1465 : vector<1x16xf32> to vector<16xf32>
        %mul3A_1467 = arith.mulf %gather3A_1456, %get3A_1466 : vector<16xf32>
        %add3A_1468 = arith.addf %add3A_1448, %mul3A_1467 : vector<16xf32>
        %add3A_1469 = arith.constant 48 : i32
        %add3A_1470 = arith.addi %mul3A_187, %add3A_1469 : i32
        %add3A_1471 = arith.constant 15 : i32
        %add3A_1472 = arith.addi %add3A_1470, %add3A_1471 : i32
        %broadcast_in_dim3A_1473 = arith.constant 15 : i32
        %broadcast_in_dim3A_1474 = vector.broadcast %broadcast_in_dim3A_1473 : i32 to vector<16x1xi32>
        %gather3A_1475 = vector.shape_cast %broadcast_in_dim3A_1474 : vector<16x1xi32> to vector<16xi32>
        %gather3A_1476 = tpu.dynamic_gather %get3A_1168[%gather3A_1475] in [0] : vector<16xf32>, vector<16xi32> -> vector<16xf32>
        %get3A_1477 = arith.index_cast %add3A_1472 : i32 to index
        %get3A_1478 = arith.constant 0 : index
        %get3A_1479 = tpu.vector_load %arg8[%get3A_1477, %get3A_1478] {strides = array<i32>} : memref<1280x32xf32, #tpu.memory_space<vmem>>, vector<1x16xf32>,
        %get3A_1480 = vector.shape_cast %get3A_1479 : vector<1x16xf32> to vector<16xf32>
        %mul3A_1481 = arith.mulf %gather3A_1476, %get3A_1480 : vector<16xf32>
        %add3A_1482 = arith.addf %add3A_1462, %mul3A_1481 : vector<16xf32>
        %get3A_1483 = arith.index_cast %add3A_1472 : i32 to index
        %get3A_1484 = arith.constant 16 : index
        %get3A_1485 = tpu.vector_load %arg8[%get3A_1483, %get3A_1484] {strides = array<i32>} : memref<1280x32xf32, #tpu.memory_space<vmem>>, vector<1x16xf32>,
        %get3A_1486 = vector.shape_cast %get3A_1485 : vector<1x16xf32> to vector<16xf32>
        %mul3A_1487 = arith.mulf %gather3A_1476, %get3A_1486 : vector<16xf32>
        %add3A_1488 = arith.addf %add3A_1468, %mul3A_1487 : vector<16xf32>
        %mul3A_1489 = arith.constant 32 : i32
        %mul3A_1490 = arith.muli %scan3A_184, %mul3A_1489 : i32
        %swap3A = arith.index_cast %mul3A_1490 : i32 to index
        %swap3A_1491 = tpu.vector_load %arg9[%swap3A] {strides = array<i32>} : memref<640xf32, #tpu.memory_space<vmem>>, vector<16xf32>,
        %swap3A_1492 = vector.shape_cast %swap3A_1491 : vector<16xf32> to vector<16xf32>
        %swap3A_1493 = vector.shape_cast %add3A_1482 : vector<16xf32> to vector<16xf32>
        tpu.vector_store %arg9[%swap3A], %swap3A_1493 {strides = array<i32>} : memref<640xf32, #tpu.memory_space<vmem>>, vector<16xf32>,
        %mul3A_1494 = arith.constant 32 : i32
        %mul3A_1495 = arith.muli %scan3A_184, %mul3A_1494 : i32
        %add3A_1496 = arith.constant 16 : i32
        %add3A_1497 = arith.addi %mul3A_1495, %add3A_1496 : i32
        %swap3A_1498 = arith.index_cast %add3A_1497 : i32 to index
        %swap3A_1499 = tpu.vector_load %arg9[%swap3A_1498] {strides = array<i32>} : memref<640xf32, #tpu.memory_space<vmem>>, vector<16xf32>,
        %swap3A_1500 = vector.shape_cast %swap3A_1499 : vector<16xf32> to vector<16xf32>
        %swap3A_1501 = vector.shape_cast %add3A_1488 : vector<16xf32> to vector<16xf32>
        tpu.vector_store %arg9[%swap3A_1498], %swap3A_1501 {strides = array<i32>} : memref<640xf32, #tpu.memory_space<vmem>>, vector<16xf32>,
        %scan3A_1502 = arith.constant 0 : i32
        scf.yield %scan3A_1502 : i32
      }
      %scan3A_180 = arith.constant 20 : i32
      %mul3A_181 = arith.constant 32 : i32
      %mul3A_182 = arith.muli %add3A_13, %mul3A_181 : i32
      "tpu.region"() ({
        %run_scoped3A = tpu.sem_alloc : memref<!tpu.dma_semaphore, #tpu.memory_space<semaphore_mem>>
        %dma_start3A_184 = tpu.memref_slice %arg5[%mul3A_182] : memref<921600xf32, #tpu.memory_space<hbm>> -> memref<640xf32, #tpu.memory_space<hbm>>
        %dma_start3A_185 = tpu.memref_slice %arg5[%mul3A_182] : memref<921600xf32, #tpu.memory_space<hbm>> -> memref<640xf32, #tpu.memory_space<hbm>>
        tpu.enqueue_dma source(%arg9 : memref<640xf32, #tpu.memory_space<vmem>>) target(%dma_start3A_185 : memref<640xf32, #tpu.memory_space<hbm>>) target_semaphore(%run_scoped3A : memref<!tpu.dma_semaphore, #tpu.memory_space<semaphore_mem>>)
        %dma_wait3A_186 = tpu.memref_slice %arg5[%mul3A_182] : memref<921600xf32, #tpu.memory_space<hbm>> -> memref<640xf32, #tpu.memory_space<hbm>>
        %dma_wait3A_187 = tpu.memref_slice %arg5[%mul3A_182] : memref<921600xf32, #tpu.memory_space<hbm>> -> memref<640xf32, #tpu.memory_space<hbm>>
        tpu.wait_dma2 semaphore(%run_scoped3A : memref<!tpu.dma_semaphore, #tpu.memory_space<semaphore_mem>>) src(%arg9 : memref<640xf32, #tpu.memory_space<vmem>>) dst(%dma_wait3A_187 : memref<640xf32, #tpu.memory_space<hbm>>)
        tpu.yield
      }) : () -> ()
      %scan3A_183 = arith.constant 0 : i32
      scf.yield %scan3A_183 : i32
    }
    %scan3A_8 = arith.constant 45 : i32
    return
  }
}

module attributes {stable_mosaic.version = 14 : i64} {
  func.func @_proj_body(%arg0: i32, %arg1: memref<1024x256xf32, #tpu.memory_space<vmem>>, %arg2: memref<256x256xf32, #tpu.memory_space<vmem>>, %arg3: memref<1x256xf32, #tpu.memory_space<vmem>>, %arg4: memref<1024x256xf32, #tpu.memory_space<vmem>>) attributes {dimension_semantics = [#tpu.dimension_semantics<arbitrary>], iteration_bounds = array<i64: 85>, scalar_prefetch = 0 : i64, scratch_operands = 0 : i64, tpu.core_type = #tpu.core_type<tc>, window_params = [{transform_indices = @transform_0, window_bounds = array<i64: 1024, 256>}, {pipeline_mode = #tpu.pipeline_mode<synchronous>, transform_indices = @transform_1, window_bounds = array<i64: 256, 256>}, {pipeline_mode = #tpu.pipeline_mode<synchronous>, transform_indices = @transform_2, window_bounds = array<i64: 1, 256>}, {transform_indices = @transform_3, window_bounds = array<i64: 1024, 256>}]} {
    %get3A = arith.constant 0 : index
    %get3A_0 = arith.constant 0 : index
    %get3A_1 = vector.load %arg1[%get3A, %get3A_0] : memref<1024x256xf32, #tpu.memory_space<vmem>>, vector<1024x256xf32>
    %get3A_2 = arith.constant 0 : index
    %get3A_3 = arith.constant 0 : index
    %get3A_4 = vector.load %arg2[%get3A_2, %get3A_3] : memref<256x256xf32, #tpu.memory_space<vmem>>, vector<256x256xf32>
    %dot_general3A = arith.constant dense<0.000000e+00> : vector<1024x256xf32>
    %dot_general3A_5 = tpu.matmul %get3A_1, %get3A_4, %dot_general3A {dimension_numbers = #tpu.dot_dimension_numbers<[1], [0], [0], [1], [0, 0, 1, 1], [], []>, transpose_lhs_hint = false} : vector<1024x256xf32>, vector<256x256xf32>, vector<1024x256xf32> -> vector<1024x256xf32>
    %get3A_6 = arith.constant 0 : index
    %get3A_7 = arith.constant 0 : index
    %get3A_8 = vector.load %arg3[%get3A_6, %get3A_7] : memref<1x256xf32, #tpu.memory_space<vmem>>, vector<1x256xf32>
    %add3A = vector.broadcast %get3A_8 : vector<1x256xf32> to vector<1024x256xf32>
    %add3A_9 = arith.addf %dot_general3A_5, %add3A : vector<1024x256xf32>
    %swap3A = arith.constant 0 : index
    %swap3A_10 = arith.constant 0 : index
    %swap3A_11 = vector.load %arg4[%swap3A, %swap3A_10] : memref<1024x256xf32, #tpu.memory_space<vmem>>, vector<1024x256xf32>
    tpu.vector_store %arg4[%swap3A, %swap3A_10], %add3A_9 {strides = array<i32>} : memref<1024x256xf32, #tpu.memory_space<vmem>>, vector<1024x256xf32>,
    return
  }
  func.func @transform_0(%arg0: i32) -> (i32, i32) {
    %c0_i32 = arith.constant 0 : i32
    %c0_i32_0 = arith.constant 0 : i32
    return %arg0, %c0_i32 : i32, i32
  }
  func.func @transform_1(%arg0: i32) -> (i32, i32) {
    %c0_i32 = arith.constant 0 : i32
    %c0_i32_0 = arith.constant 0 : i32
    %c0_i32_1 = arith.constant 0 : i32
    return %c0_i32, %c0_i32_0 : i32, i32
  }
  func.func @transform_2(%arg0: i32) -> (i32, i32) {
    %c0_i32 = arith.constant 0 : i32
    %c0_i32_0 = arith.constant 0 : i32
    %c0_i32_1 = arith.constant 0 : i32
    return %c0_i32, %c0_i32_0 : i32, i32
  }
  func.func @transform_3(%arg0: i32) -> (i32, i32) {
    %c0_i32 = arith.constant 0 : i32
    %c0_i32_0 = arith.constant 0 : i32
    return %arg0, %c0_i32 : i32, i32
  }
}

module attributes {stable_mosaic.version = 14 : i64} {
  func.func @_prep_body(%arg0: i32, %arg1: memref<720x256xf32, #tpu.memory_space<vmem>>, %arg2: memref<720x4xf32, #tpu.memory_space<vmem>>, %arg3: memref<720x1xf32, #tpu.memory_space<vmem>>, %arg4: memref<256x256xf32, #tpu.memory_space<vmem>>, %arg5: memref<1x256xf32, #tpu.memory_space<vmem>>, %arg6: memref<256x128xf32, #tpu.memory_space<vmem>>, %arg7: memref<1x128xf32, #tpu.memory_space<vmem>>, %arg8: memref<128x128xf32, #tpu.memory_space<vmem>>, %arg9: memref<256x512xf32, #tpu.memory_space<vmem>>, %arg10: memref<256x512xf32, #tpu.memory_space<vmem>>, %arg11: memref<128x512xf32, #tpu.memory_space<vmem>>, %arg12: memref<2x256xf32, #tpu.memory_space<vmem>>, %arg13: memref<6x512xf32, #tpu.memory_space<vmem>>, %arg14: memref<720x512xi32, #tpu.memory_space<vmem>>, %arg15: memref<720x512xf32, #tpu.memory_space<vmem>>) attributes {dimension_semantics = [#tpu.dimension_semantics<arbitrary>], iteration_bounds = array<i64: 5>, scalar_prefetch = 0 : i64, scratch_operands = 0 : i64, tpu.core_type = #tpu.core_type<tc>, window_params = [{transform_indices = @transform_0, window_bounds = array<i64: 720, 256>}, {transform_indices = @transform_1, window_bounds = array<i64: 720, 4>}, {transform_indices = @transform_2, window_bounds = array<i64: 720, 1>}, {pipeline_mode = #tpu.pipeline_mode<synchronous>, transform_indices = @transform_3, window_bounds = array<i64: 256, 256>}, {pipeline_mode = #tpu.pipeline_mode<synchronous>, transform_indices = @transform_4, window_bounds = array<i64: 1, 256>}, {pipeline_mode = #tpu.pipeline_mode<synchronous>, transform_indices = @transform_5, window_bounds = array<i64: 256, 128>}, {pipeline_mode = #tpu.pipeline_mode<synchronous>, transform_indices = @transform_6, window_bounds = array<i64: 1, 128>}, {pipeline_mode = #tpu.pipeline_mode<synchronous>, transform_indices = @transform_7, window_bounds = array<i64: 128, 128>}, {pipeline_mode = #tpu.pipeline_mode<synchronous>, transform_indices = @transform_8, window_bounds = array<i64: 256, 512>}, {pipeline_mode = #tpu.pipeline_mode<synchronous>, transform_indices = @transform_9, window_bounds = array<i64: 256, 512>}, {pipeline_mode = #tpu.pipeline_mode<synchronous>, transform_indices = @transform_10, window_bounds = array<i64: 128, 512>}, {pipeline_mode = #tpu.pipeline_mode<synchronous>, transform_indices = @transform_11, window_bounds = array<i64: 2, 256>}, {pipeline_mode = #tpu.pipeline_mode<synchronous>, transform_indices = @transform_12, window_bounds = array<i64: 6, 512>}, {transform_indices = @transform_13, window_bounds = array<i64: 720, 512>}, {transform_indices = @transform_14, window_bounds = array<i64: 720, 512>}]} {
    %get3A = arith.constant 0 : index
    %get3A_0 = arith.constant 0 : index
    %get3A_1 = vector.load %arg1[%get3A, %get3A_0] : memref<720x256xf32, #tpu.memory_space<vmem>>, vector<720x256xf32>
    %get3A_2 = arith.constant 0 : index
    %get3A_3 = arith.constant 0 : index
    %get3A_4 = vector.load %arg2[%get3A_2, %get3A_3] : memref<720x4xf32, #tpu.memory_space<vmem>>, vector<720x4xf32>
    %get3A_5 = arith.constant 0 : index
    %get3A_6 = arith.constant 0 : index
    %get3A_7 = vector.load %arg4[%get3A_5, %get3A_6] : memref<256x256xf32, #tpu.memory_space<vmem>>, vector<256x256xf32>
    %dot_general3A = arith.constant dense<0.000000e+00> : vector<720x256xf32>
    %dot_general3A_8 = tpu.matmul %get3A_1, %get3A_7, %dot_general3A {dimension_numbers = #tpu.dot_dimension_numbers<[1], [0], [0], [1], [0, 0, 1, 1], [], []>, transpose_lhs_hint = false} : vector<720x256xf32>, vector<256x256xf32>, vector<720x256xf32> -> vector<720x256xf32>
    %get3A_9 = arith.constant 0 : index
    %get3A_10 = arith.constant 0 : index
    %get3A_11 = vector.load %arg5[%get3A_9, %get3A_10] : memref<1x256xf32, #tpu.memory_space<vmem>>, vector<1x256xf32>
    %add3A = vector.broadcast %get3A_11 : vector<1x256xf32> to vector<720x256xf32>
    %add3A_12 = arith.addf %dot_general3A_8, %add3A : vector<720x256xf32>
    %get3A_13 = arith.constant 0 : index
    %get3A_14 = arith.constant 0 : index
    %get3A_15 = vector.load %arg6[%get3A_13, %get3A_14] : memref<256x128xf32, #tpu.memory_space<vmem>>, vector<256x128xf32>
    %dot_general3A_16 = arith.constant dense<0.000000e+00> : vector<720x128xf32>
    %dot_general3A_17 = tpu.matmul %get3A_1, %get3A_15, %dot_general3A_16 {dimension_numbers = #tpu.dot_dimension_numbers<[1], [0], [0], [1], [0, 0, 1, 1], [], []>, transpose_lhs_hint = false} : vector<720x256xf32>, vector<256x128xf32>, vector<720x128xf32> -> vector<720x128xf32>
    %get3A_18 = arith.constant 0 : index
    %get3A_19 = arith.constant 0 : index
    %get3A_20 = vector.load %arg7[%get3A_18, %get3A_19] : memref<1x128xf32, #tpu.memory_space<vmem>>, vector<1x128xf32>
    %add3A_21 = vector.broadcast %get3A_20 : vector<1x128xf32> to vector<720x128xf32>
    %add3A_22 = arith.addf %dot_general3A_17, %add3A_21 : vector<720x128xf32>
    %exp3A = math.exp %add3A_22 : vector<720x128xf32>
    %get3A_23 = arith.constant 0 : index
    %get3A_24 = arith.constant 0 : index
    %get3A_25 = vector.load %arg8[%get3A_23, %get3A_24] : memref<128x128xf32, #tpu.memory_space<vmem>>, vector<128x128xf32>
    %dot_general3A_26 = arith.constant dense<0.000000e+00> : vector<720x128xf32>
    %dot_general3A_27 = tpu.matmul %exp3A, %get3A_25, %dot_general3A_26 {dimension_numbers = #tpu.dot_dimension_numbers<[1], [0], [0], [1], [0, 0, 1, 1], [], []>, transpose_lhs_hint = false} : vector<720x128xf32>, vector<128x128xf32>, vector<720x128xf32> -> vector<720x128xf32>
    %div3A = arith.divf %exp3A, %dot_general3A_27 : vector<720x128xf32>
    %get3A_28 = arith.constant 0 : index
    %get3A_29 = arith.constant 0 : index
    %get3A_30 = vector.load %arg12[%get3A_28, %get3A_29] : memref<2x256xf32, #tpu.memory_space<vmem>>, vector<1x256xf32>
    %get3A_31 = arith.constant 1 : index
    %get3A_32 = arith.constant 0 : index
    %get3A_33 = vector.load %arg12[%get3A_31, %get3A_32] : memref<2x256xf32, #tpu.memory_space<vmem>>, vector<1x256xf32>
    %eq3A = arith.constant 1.000000e+00 : f32
    %eq3A_34 = vector.broadcast %eq3A : f32 to vector<1x256xf32>
    %eq3A_35 = arith.cmpf oeq, %get3A_33, %eq3A_34 : vector<1x256xf32>
    %slice3A = vector.extract_strided_slice %get3A_4 {offsets = [0, 1], sizes = [720, 1], strides = [1, 1]} : vector<720x4xf32> to vector<720x1xf32>
    %slice3A_36 = vector.extract_strided_slice %get3A_4 {offsets = [0, 0], sizes = [720, 1], strides = [1, 1]} : vector<720x4xf32> to vector<720x1xf32>
    %broadcast_in_dim3A = vector.shape_cast %eq3A_35 : vector<1x256xi1> to vector<1x256xi1>
    %broadcast_in_dim3A_37 = vector.broadcast %broadcast_in_dim3A : vector<1x256xi1> to vector<720x256xi1>
    %broadcast_in_dim3A_38 = vector.shape_cast %slice3A : vector<720x1xf32> to vector<720x1xf32>
    %broadcast_in_dim3A_39 = vector.broadcast %broadcast_in_dim3A_38 : vector<720x1xf32> to vector<720x256xf32>
    %broadcast_in_dim3A_40 = vector.shape_cast %slice3A_36 : vector<720x1xf32> to vector<720x1xf32>
    %broadcast_in_dim3A_41 = vector.broadcast %broadcast_in_dim3A_40 : vector<720x1xf32> to vector<720x256xf32>
    %select_n3A = arith.select %broadcast_in_dim3A_37, %broadcast_in_dim3A_39, %broadcast_in_dim3A_41 : vector<720x256xi1>, vector<720x256xf32>
    %eq3A_42 = arith.constant 1.000000e+00 : f32
    %eq3A_43 = vector.broadcast %eq3A_42 : f32 to vector<1x256xf32>
    %eq3A_44 = arith.cmpf oeq, %get3A_33, %eq3A_43 : vector<1x256xf32>
    %slice3A_45 = vector.extract_strided_slice %get3A_4 {offsets = [0, 3], sizes = [720, 1], strides = [1, 1]} : vector<720x4xf32> to vector<720x1xf32>
    %slice3A_46 = vector.extract_strided_slice %get3A_4 {offsets = [0, 2], sizes = [720, 1], strides = [1, 1]} : vector<720x4xf32> to vector<720x1xf32>
    %broadcast_in_dim3A_47 = vector.shape_cast %eq3A_44 : vector<1x256xi1> to vector<1x256xi1>
    %broadcast_in_dim3A_48 = vector.broadcast %broadcast_in_dim3A_47 : vector<1x256xi1> to vector<720x256xi1>
    %broadcast_in_dim3A_49 = vector.shape_cast %slice3A_45 : vector<720x1xf32> to vector<720x1xf32>
    %broadcast_in_dim3A_50 = vector.broadcast %broadcast_in_dim3A_49 : vector<720x1xf32> to vector<720x256xf32>
    %broadcast_in_dim3A_51 = vector.shape_cast %slice3A_46 : vector<720x1xf32> to vector<720x1xf32>
    %broadcast_in_dim3A_52 = vector.broadcast %broadcast_in_dim3A_51 : vector<720x1xf32> to vector<720x256xf32>
    %select_n3A_53 = arith.select %broadcast_in_dim3A_48, %broadcast_in_dim3A_50, %broadcast_in_dim3A_52 : vector<720x256xi1>, vector<720x256xf32>
    %mul3A = arith.constant 2.500000e-01 : f32
    %mul3A_54 = vector.broadcast %mul3A : f32 to vector<720x256xf32>
    %mul3A_55 = arith.mulf %add3A_12, %mul3A_54 : vector<720x256xf32>
    %mul3A_56 = arith.mulf %mul3A_55, %select_n3A_53 : vector<720x256xf32>
    %mul3A_57 = arith.constant 5.000000e-01 : f32
    %mul3A_58 = vector.broadcast %mul3A_57 : f32 to vector<720x256xf32>
    %mul3A_59 = arith.mulf %mul3A_56, %mul3A_58 : vector<720x256xf32>
    %add3A_60 = arith.addf %select_n3A, %mul3A_59 : vector<720x256xf32>
    %mul3A_61 = arith.constant 2.000000e+00 : f32
    %mul3A_62 = vector.broadcast %mul3A_61 : f32 to vector<720x256xf32>
    %mul3A_63 = arith.mulf %mul3A_62, %add3A_60 : vector<720x256xf32>
    %sub3A = arith.constant 1.000000e+00 : f32
    %sub3A_64 = vector.broadcast %sub3A : f32 to vector<720x256xf32>
    %sub3A_65 = arith.subf %mul3A_63, %sub3A_64 : vector<720x256xf32>
    %add3A_66 = arith.constant 1.000000e+00 : f32
    %add3A_67 = vector.broadcast %add3A_66 : f32 to vector<720x256xf32>
    %add3A_68 = arith.addf %sub3A_65, %add3A_67 : vector<720x256xf32>
    %mul3A_69 = arith.constant 5.000000e-01 : f32
    %mul3A_70 = vector.broadcast %mul3A_69 : f32 to vector<1x256xf32>
    %mul3A_71 = arith.mulf %get3A_30, %mul3A_70 : vector<1x256xf32>
    %mul3A_72 = vector.broadcast %mul3A_71 : vector<1x256xf32> to vector<720x256xf32>
    %mul3A_73 = arith.mulf %add3A_68, %mul3A_72 : vector<720x256xf32>
    %sub3A_74 = arith.constant 5.000000e-01 : f32
    %sub3A_75 = vector.broadcast %sub3A_74 : f32 to vector<720x256xf32>
    %sub3A_76 = arith.subf %mul3A_73, %sub3A_75 : vector<720x256xf32>
    %floor3A = math.floor %sub3A_76 : vector<720x256xf32>
    %sub3A_77 = arith.subf %sub3A_76, %floor3A : vector<720x256xf32>
    %get3A_78 = arith.constant 0 : index
    %get3A_79 = arith.constant 0 : index
    %get3A_80 = vector.load %arg9[%get3A_78, %get3A_79] : memref<256x512xf32, #tpu.memory_space<vmem>>, vector<256x512xf32>
    %get3A_81 = arith.constant 0 : index
    %get3A_82 = arith.constant 0 : index
    %get3A_83 = vector.load %arg10[%get3A_81, %get3A_82] : memref<256x512xf32, #tpu.memory_space<vmem>>, vector<256x512xf32>
    %dot_general3A_84 = arith.constant dense<0.000000e+00> : vector<720x512xf32>
    %dot_general3A_85 = tpu.matmul %floor3A, %get3A_80, %dot_general3A_84 {dimension_numbers = #tpu.dot_dimension_numbers<[1], [0], [0], [1], [0, 0, 1, 1], [], []>, transpose_lhs_hint = false} : vector<720x256xf32>, vector<256x512xf32>, vector<720x512xf32> -> vector<720x512xf32>
    %dot_general3A_86 = arith.constant dense<0.000000e+00> : vector<720x512xf32>
    %dot_general3A_87 = tpu.matmul %floor3A, %get3A_83, %dot_general3A_86 {dimension_numbers = #tpu.dot_dimension_numbers<[1], [0], [0], [1], [0, 0, 1, 1], [], []>, transpose_lhs_hint = false} : vector<720x256xf32>, vector<256x512xf32>, vector<720x512xf32> -> vector<720x512xf32>
    %dot_general3A_88 = arith.constant dense<0.000000e+00> : vector<720x512xf32>
    %dot_general3A_89 = tpu.matmul %sub3A_77, %get3A_80, %dot_general3A_88 {dimension_numbers = #tpu.dot_dimension_numbers<[1], [0], [0], [1], [0, 0, 1, 1], [], []>, transpose_lhs_hint = false} : vector<720x256xf32>, vector<256x512xf32>, vector<720x512xf32> -> vector<720x512xf32>
    %dot_general3A_90 = arith.constant dense<0.000000e+00> : vector<720x512xf32>
    %dot_general3A_91 = tpu.matmul %sub3A_77, %get3A_83, %dot_general3A_90 {dimension_numbers = #tpu.dot_dimension_numbers<[1], [0], [0], [1], [0, 0, 1, 1], [], []>, transpose_lhs_hint = false} : vector<720x256xf32>, vector<256x512xf32>, vector<720x512xf32> -> vector<720x512xf32>
    %get3A_92 = arith.constant 0 : index
    %get3A_93 = arith.constant 0 : index
    %get3A_94 = vector.load %arg13[%get3A_92, %get3A_93] : memref<6x512xf32, #tpu.memory_space<vmem>>, vector<1x512xf32>
    %get3A_95 = arith.constant 1 : index
    %get3A_96 = arith.constant 0 : index
    %get3A_97 = vector.load %arg13[%get3A_95, %get3A_96] : memref<6x512xf32, #tpu.memory_space<vmem>>, vector<1x512xf32>
    %get3A_98 = arith.constant 2 : index
    %get3A_99 = arith.constant 0 : index
    %get3A_100 = vector.load %arg13[%get3A_98, %get3A_99] : memref<6x512xf32, #tpu.memory_space<vmem>>, vector<1x512xf32>
    %get3A_101 = arith.constant 3 : index
    %get3A_102 = arith.constant 0 : index
    %get3A_103 = vector.load %arg13[%get3A_101, %get3A_102] : memref<6x512xf32, #tpu.memory_space<vmem>>, vector<1x512xf32>
    %get3A_104 = arith.constant 4 : index
    %get3A_105 = arith.constant 0 : index
    %get3A_106 = vector.load %arg13[%get3A_104, %get3A_105] : memref<6x512xf32, #tpu.memory_space<vmem>>, vector<1x512xf32>
    %get3A_107 = arith.constant 5 : index
    %get3A_108 = arith.constant 0 : index
    %get3A_109 = vector.load %arg13[%get3A_107, %get3A_108] : memref<6x512xf32, #tpu.memory_space<vmem>>, vector<1x512xf32>
    %add3A_110 = vector.broadcast %get3A_94 : vector<1x512xf32> to vector<720x512xf32>
    %add3A_111 = arith.addf %dot_general3A_85, %add3A_110 : vector<720x512xf32>
    %add3A_112 = vector.broadcast %get3A_97 : vector<1x512xf32> to vector<720x512xf32>
    %add3A_113 = arith.addf %dot_general3A_87, %add3A_112 : vector<720x512xf32>
    %ge3A = arith.constant 0.000000e+00 : f32
    %ge3A_114 = vector.broadcast %ge3A : f32 to vector<720x512xf32>
    %ge3A_115 = arith.cmpf oge, %add3A_111, %ge3A_114 : vector<720x512xf32>
    %sub3A_116 = arith.constant 1.000000e+00 : f32
    %sub3A_117 = vector.broadcast %sub3A_116 : f32 to vector<1x512xf32>
    %sub3A_118 = arith.subf %get3A_100, %sub3A_117 : vector<1x512xf32>
    %le3A = vector.broadcast %sub3A_118 : vector<1x512xf32> to vector<720x512xf32>
    %le3A_119 = arith.cmpf ole, %add3A_111, %le3A : vector<720x512xf32>
    %and3A = arith.andi %ge3A_115, %le3A_119 : vector<720x512xi1>
    %ge3A_120 = arith.constant 0.000000e+00 : f32
    %ge3A_121 = vector.broadcast %ge3A_120 : f32 to vector<720x512xf32>
    %ge3A_122 = arith.cmpf oge, %add3A_113, %ge3A_121 : vector<720x512xf32>
    %and3A_123 = arith.andi %and3A, %ge3A_122 : vector<720x512xi1>
    %sub3A_124 = arith.constant 1.000000e+00 : f32
    %sub3A_125 = vector.broadcast %sub3A_124 : f32 to vector<1x512xf32>
    %sub3A_126 = arith.subf %get3A_103, %sub3A_125 : vector<1x512xf32>
    %le3A_127 = vector.broadcast %sub3A_126 : vector<1x512xf32> to vector<720x512xf32>
    %le3A_128 = arith.cmpf ole, %add3A_113, %le3A_127 : vector<720x512xf32>
    %and3A_129 = arith.andi %and3A_123, %le3A_128 : vector<720x512xi1>
    %sub3A_130 = arith.constant 1.000000e+00 : f32
    %sub3A_131 = vector.broadcast %sub3A_130 : f32 to vector<1x512xf32>
    %sub3A_132 = arith.subf %get3A_100, %sub3A_131 : vector<1x512xf32>
    %jit3A = arith.constant 0.000000e+00 : f32
    %max3A = vector.broadcast %jit3A : f32 to vector<720x512xf32>
    %max3A_133 = arith.maximumf %max3A, %add3A_111 : vector<720x512xf32>
    %min3A = vector.broadcast %sub3A_132 : vector<1x512xf32> to vector<720x512xf32>
    %min3A_134 = arith.minimumf %min3A, %max3A_133 : vector<720x512xf32>
    %sub3A_135 = arith.constant 1.000000e+00 : f32
    %sub3A_136 = vector.broadcast %sub3A_135 : f32 to vector<1x512xf32>
    %sub3A_137 = arith.subf %get3A_103, %sub3A_136 : vector<1x512xf32>
    %jit3A_138 = arith.constant 0.000000e+00 : f32
    %max3A_139 = vector.broadcast %jit3A_138 : f32 to vector<720x512xf32>
    %max3A_140 = arith.maximumf %max3A_139, %add3A_113 : vector<720x512xf32>
    %min3A_141 = vector.broadcast %sub3A_137 : vector<1x512xf32> to vector<720x512xf32>
    %min3A_142 = arith.minimumf %min3A_141, %max3A_140 : vector<720x512xf32>
    %eq3A_143 = arith.constant 1.000000e+00 : f32
    %eq3A_144 = vector.broadcast %eq3A_143 : f32 to vector<1x512xf32>
    %eq3A_145 = arith.cmpf oeq, %get3A_94, %eq3A_144 : vector<1x512xf32>
    %sub3A_146 = arith.constant 1.000000e+00 : f32
    %sub3A_147 = vector.broadcast %sub3A_146 : f32 to vector<720x512xf32>
    %sub3A_148 = arith.subf %sub3A_147, %dot_general3A_89 : vector<720x512xf32>
    %broadcast_in_dim3A_149 = vector.shape_cast %eq3A_145 : vector<1x512xi1> to vector<1x512xi1>
    %broadcast_in_dim3A_150 = vector.broadcast %broadcast_in_dim3A_149 : vector<1x512xi1> to vector<720x512xi1>
    %select_n3A_151 = arith.select %broadcast_in_dim3A_150, %dot_general3A_89, %sub3A_148 : vector<720x512xi1>, vector<720x512xf32>
    %eq3A_152 = arith.constant 1.000000e+00 : f32
    %eq3A_153 = vector.broadcast %eq3A_152 : f32 to vector<1x512xf32>
    %eq3A_154 = arith.cmpf oeq, %get3A_97, %eq3A_153 : vector<1x512xf32>
    %sub3A_155 = arith.constant 1.000000e+00 : f32
    %sub3A_156 = vector.broadcast %sub3A_155 : f32 to vector<720x512xf32>
    %sub3A_157 = arith.subf %sub3A_156, %dot_general3A_91 : vector<720x512xf32>
    %broadcast_in_dim3A_158 = vector.shape_cast %eq3A_154 : vector<1x512xi1> to vector<1x512xi1>
    %broadcast_in_dim3A_159 = vector.broadcast %broadcast_in_dim3A_158 : vector<1x512xi1> to vector<720x512xi1>
    %select_n3A_160 = arith.select %broadcast_in_dim3A_159, %dot_general3A_91, %sub3A_157 : vector<720x512xi1>, vector<720x512xf32>
    %get3A_161 = arith.constant 0 : index
    %get3A_162 = arith.constant 0 : index
    %get3A_163 = vector.load %arg11[%get3A_161, %get3A_162] : memref<128x512xf32, #tpu.memory_space<vmem>>, vector<128x512xf32>
    %dot_general3A_164 = arith.constant dense<0.000000e+00> : vector<720x512xf32>
    %dot_general3A_165 = tpu.matmul %div3A, %get3A_163, %dot_general3A_164 {dimension_numbers = #tpu.dot_dimension_numbers<[1], [0], [0], [1], [0, 0, 1, 1], [], []>, transpose_lhs_hint = false} : vector<720x128xf32>, vector<128x512xf32>, vector<720x512xf32> -> vector<720x512xf32>
    %mul3A_166 = arith.mulf %select_n3A_151, %select_n3A_160 : vector<720x512xf32>
    %mul3A_167 = arith.mulf %mul3A_166, %dot_general3A_165 : vector<720x512xf32>
    %jit3A_168 = arith.constant 1.000000e+00 : f32
    %jit3A_169 = arith.constant 0.000000e+00 : f32
    %broadcast_in_dim3A_170 = vector.broadcast %jit3A_168 : f32 to vector<720x512xf32>
    %broadcast_in_dim3A_171 = vector.broadcast %jit3A_169 : f32 to vector<720x512xf32>
    %select_n3A_172 = arith.select %and3A_129, %broadcast_in_dim3A_170, %broadcast_in_dim3A_171 : vector<720x512xi1>, vector<720x512xf32>
    %mul3A_173 = arith.mulf %mul3A_167, %select_n3A_172 : vector<720x512xf32>
    %swap3A = arith.constant 0 : index
    %swap3A_174 = arith.constant 0 : index
    %swap3A_175 = vector.load %arg15[%swap3A, %swap3A_174] : memref<720x512xf32, #tpu.memory_space<vmem>>, vector<720x512xf32>
    tpu.vector_store %arg15[%swap3A, %swap3A_174], %mul3A_173 {strides = array<i32>} : memref<720x512xf32, #tpu.memory_space<vmem>>, vector<720x512xf32>,
    %mul3A_176 = vector.broadcast %get3A_100 : vector<1x512xf32> to vector<720x512xf32>
    %mul3A_177 = arith.mulf %min3A_142, %mul3A_176 : vector<720x512xf32>
    %add3A_178 = vector.broadcast %get3A_106 : vector<1x512xf32> to vector<720x512xf32>
    %add3A_179 = arith.addf %add3A_178, %mul3A_177 : vector<720x512xf32>
    %add3A_180 = arith.addf %add3A_179, %min3A_134 : vector<720x512xf32>
    %mul3A_181 = arith.constant 8.000000e+00 : f32
    %mul3A_182 = vector.broadcast %mul3A_181 : f32 to vector<720x512xf32>
    %mul3A_183 = arith.mulf %add3A_180, %mul3A_182 : vector<720x512xf32>
    %add3A_184 = vector.broadcast %get3A_109 : vector<1x512xf32> to vector<720x512xf32>
    %add3A_185 = arith.addf %mul3A_183, %add3A_184 : vector<720x512xf32>
    %get3A_186 = arith.constant 0 : index
    %get3A_187 = arith.constant 0 : index
    %get3A_188 = vector.load %arg3[%get3A_186, %get3A_187] : memref<720x1xf32, #tpu.memory_space<vmem>>, vector<720x1xf32>
    %add3A_189 = vector.broadcast %get3A_188 : vector<720x1xf32> to vector<720x512xf32>
    %add3A_190 = arith.addf %add3A_185, %add3A_189 : vector<720x512xf32>
    %convert_element_type3A = arith.fptosi %add3A_190 : vector<720x512xf32> to vector<720x512xi32>
    %swap3A_191 = arith.constant 0 : index
    %swap3A_192 = arith.constant 0 : index
    %swap3A_193 = vector.load %arg14[%swap3A_191, %swap3A_192] : memref<720x512xi32, #tpu.memory_space<vmem>>, vector<720x512xi32>
    tpu.vector_store %arg14[%swap3A_191, %swap3A_192], %convert_element_type3A {strides = array<i32>} : memref<720x512xi32, #tpu.memory_space<vmem>>, vector<720x512xi32>,
    return
  }
  func.func @transform_0(%arg0: i32) -> (i32, i32) {
    %c0_i32 = arith.constant 0 : i32
    %c0_i32_0 = arith.constant 0 : i32
    return %arg0, %c0_i32 : i32, i32
  }
  func.func @transform_1(%arg0: i32) -> (i32, i32) {
    %c0_i32 = arith.constant 0 : i32
    %c0_i32_0 = arith.constant 0 : i32
    return %arg0, %c0_i32 : i32, i32
  }
  func.func @transform_2(%arg0: i32) -> (i32, i32) {
    %c0_i32 = arith.constant 0 : i32
    %c0_i32_0 = arith.constant 0 : i32
    return %arg0, %c0_i32 : i32, i32
  }
  func.func @transform_3(%arg0: i32) -> (i32, i32) {
    %c0_i32 = arith.constant 0 : i32
    %c0_i32_0 = arith.constant 0 : i32
    %c0_i32_1 = arith.constant 0 : i32
    return %c0_i32, %c0_i32_0 : i32, i32
  }
  func.func @transform_4(%arg0: i32) -> (i32, i32) {
    %c0_i32 = arith.constant 0 : i32
    %c0_i32_0 = arith.constant 0 : i32
    %c0_i32_1 = arith.constant 0 : i32
    return %c0_i32, %c0_i32_0 : i32, i32
  }
  func.func @transform_5(%arg0: i32) -> (i32, i32) {
    %c0_i32 = arith.constant 0 : i32
    %c0_i32_0 = arith.constant 0 : i32
    %c0_i32_1 = arith.constant 0 : i32
    return %c0_i32, %c0_i32_0 : i32, i32
  }
  func.func @transform_6(%arg0: i32) -> (i32, i32) {
    %c0_i32 = arith.constant 0 : i32
    %c0_i32_0 = arith.constant 0 : i32
    %c0_i32_1 = arith.constant 0 : i32
    return %c0_i32, %c0_i32_0 : i32, i32
  }
  func.func @transform_7(%arg0: i32) -> (i32, i32) {
    %c0_i32 = arith.constant 0 : i32
    %c0_i32_0 = arith.constant 0 : i32
    %c0_i32_1 = arith.constant 0 : i32
    return %c0_i32, %c0_i32_0 : i32, i32
  }
  func.func @transform_8(%arg0: i32) -> (i32, i32) {
    %c0_i32 = arith.constant 0 : i32
    %c0_i32_0 = arith.constant 0 : i32
    %c0_i32_1 = arith.constant 0 : i32
    return %c0_i32, %c0_i32_0 : i32, i32
  }
  func.func @transform_9(%arg0: i32) -> (i32, i32) {
    %c0_i32 = arith.constant 0 : i32
    %c0_i32_0 = arith.constant 0 : i32
    %c0_i32_1 = arith.constant 0 : i32
    return %c0_i32, %c0_i32_0 : i32, i32
  }
  func.func @transform_10(%arg0: i32) -> (i32, i32) {
    %c0_i32 = arith.constant 0 : i32
    %c0_i32_0 = arith.constant 0 : i32
    %c0_i32_1 = arith.constant 0 : i32
    return %c0_i32, %c0_i32_0 : i32, i32
  }
  func.func @transform_11(%arg0: i32) -> (i32, i32) {
    %c0_i32 = arith.constant 0 : i32
    %c0_i32_0 = arith.constant 0 : i32
    %c0_i32_1 = arith.constant 0 : i32
    return %c0_i32, %c0_i32_0 : i32, i32
  }
  func.func @transform_12(%arg0: i32) -> (i32, i32) {
    %c0_i32 = arith.constant 0 : i32
    %c0_i32_0 = arith.constant 0 : i32
    %c0_i32_1 = arith.constant 0 : i32
    return %c0_i32, %c0_i32_0 : i32, i32
  }
  func.func @transform_13(%arg0: i32) -> (i32, i32) {
    %c0_i32 = arith.constant 0 : i32
    %c0_i32_0 = arith.constant 0 : i32
    return %arg0, %c0_i32 : i32, i32
  }
  func.func @transform_14(%arg0: i32) -> (i32, i32) {
    %c0_i32 = arith.constant 0 : i32
    %c0_i32_0 = arith.constant 0 : i32
    return %arg0, %c0_i32 : i32, i32
  }
}

module attributes {stable_mosaic.version = 14 : i64} {
  func.func @_proj_body(%arg0: i32, %arg1: memref<720x256xf32, #tpu.memory_space<vmem>>, %arg2: memref<256x256xf32, #tpu.memory_space<vmem>>, %arg3: memref<1x256xf32, #tpu.memory_space<vmem>>, %arg4: memref<720x256xf32, #tpu.memory_space<vmem>>) attributes {dimension_semantics = [#tpu.dimension_semantics<arbitrary>], iteration_bounds = array<i64: 5>, scalar_prefetch = 0 : i64, scratch_operands = 0 : i64, tpu.core_type = #tpu.core_type<tc>, window_params = [{transform_indices = @transform_0, window_bounds = array<i64: 720, 256>}, {pipeline_mode = #tpu.pipeline_mode<synchronous>, transform_indices = @transform_1, window_bounds = array<i64: 256, 256>}, {pipeline_mode = #tpu.pipeline_mode<synchronous>, transform_indices = @transform_2, window_bounds = array<i64: 1, 256>}, {transform_indices = @transform_3, window_bounds = array<i64: 720, 256>}]} {
    %get3A = arith.constant 0 : index
    %get3A_0 = arith.constant 0 : index
    %get3A_1 = vector.load %arg1[%get3A, %get3A_0] : memref<720x256xf32, #tpu.memory_space<vmem>>, vector<720x256xf32>
    %get3A_2 = arith.constant 0 : index
    %get3A_3 = arith.constant 0 : index
    %get3A_4 = vector.load %arg2[%get3A_2, %get3A_3] : memref<256x256xf32, #tpu.memory_space<vmem>>, vector<256x256xf32>
    %dot_general3A = arith.constant dense<0.000000e+00> : vector<720x256xf32>
    %dot_general3A_5 = tpu.matmul %get3A_1, %get3A_4, %dot_general3A {dimension_numbers = #tpu.dot_dimension_numbers<[1], [0], [0], [1], [0, 0, 1, 1], [], []>, transpose_lhs_hint = false} : vector<720x256xf32>, vector<256x256xf32>, vector<720x256xf32> -> vector<720x256xf32>
    %get3A_6 = arith.constant 0 : index
    %get3A_7 = arith.constant 0 : index
    %get3A_8 = vector.load %arg3[%get3A_6, %get3A_7] : memref<1x256xf32, #tpu.memory_space<vmem>>, vector<1x256xf32>
    %add3A = vector.broadcast %get3A_8 : vector<1x256xf32> to vector<720x256xf32>
    %add3A_9 = arith.addf %dot_general3A_5, %add3A : vector<720x256xf32>
    %swap3A = arith.constant 0 : index
    %swap3A_10 = arith.constant 0 : index
    %swap3A_11 = vector.load %arg4[%swap3A, %swap3A_10] : memref<720x256xf32, #tpu.memory_space<vmem>>, vector<720x256xf32>
    tpu.vector_store %arg4[%swap3A, %swap3A_10], %add3A_9 {strides = array<i32>} : memref<720x256xf32, #tpu.memory_space<vmem>>, vector<720x256xf32>,
    return
  }
  func.func @transform_0(%arg0: i32) -> (i32, i32) {
    %c0_i32 = arith.constant 0 : i32
    %c0_i32_0 = arith.constant 0 : i32
    return %arg0, %c0_i32 : i32, i32
  }
  func.func @transform_1(%arg0: i32) -> (i32, i32) {
    %c0_i32 = arith.constant 0 : i32
    %c0_i32_0 = arith.constant 0 : i32
    %c0_i32_1 = arith.constant 0 : i32
    return %c0_i32, %c0_i32_0 : i32, i32
  }
  func.func @transform_2(%arg0: i32) -> (i32, i32) {
    %c0_i32 = arith.constant 0 : i32
    %c0_i32_0 = arith.constant 0 : i32
    %c0_i32_1 = arith.constant 0 : i32
    return %c0_i32, %c0_i32_0 : i32, i32
  }
  func.func @transform_3(%arg0: i32) -> (i32, i32) {
    %c0_i32 = arith.constant 0 : i32
    %c0_i32_0 = arith.constant 0 : i32
    return %arg0, %c0_i32 : i32, i32
  }
}

</mosaic_0001>

<sc_bundles>
// kernel: kernel.6.cloned.1.call-start
scs
__scs_entry_jumppad:
0x0: {  	(pc) =	sbr.rel $0x88, $3  }
0x1: {  	(tag) =	ssettag $0x0;
	lr =	simm.s32 $0x1  }
0x2: {  	[smem:$0x3F96] =	sst lr;
	_ =	strace $0xD0000000  }
0x3: {  	_ = 	snop  }
0x4: {  	_ = 	snop  }
0x5: {  	_ = 	snop  }
0x6: {  	_ = 	snop  }
0x7: {  	_ = 	snop  }
__scs_overlays_trampoline_lowered:
0x8: {  	[smem:$0x3FA5] =	sst s0  }
0x9: {  	[smem:$0x3FA6] =	sst s1  }
0xa: {  	[smem:$0x3FA7] =	sst s2  }
0xb: {  	[smem:$0x3FA8] =	sst s3  }
0xc: {  	[smem:$0x3FA9] =	sst s4  }
0xd: {  	[smem:$0x3FAA] =	sst s5  }
0xe: {  	[smem:$0x3FAB] =	sst s6  }
0xf: {  	[smem:$0x3FAC] =	sst s7  }
0x10: {  	[smem:$0x3FAD] =	sst s8  }
0x11: {  	[smem:$0x3FAE] =	sst s9;
	s0 =	simm.s32 @!p0 $0x0  }
0x12: {  	s1 =	sld [smem:$0x3F94];
	s0 =	simm.s32 @p0 $0x1  }
0x13: {  	[smem:$0x3FAF] =	sst s0;
	s0 =	simm.s32 @!p1 $0x0  }
0x14: {  	s2 =	sld [smem:$0x3F93];
	s0 =	simm.s32 @p1 $0x1  }
0x15: {  	[smem:$0x3FB0] =	sst s0;
	s0 =	simm.s32 @!p2 $0x0  }
0x16: {  	s3 =	sld [smem:$0x3FDB];
	s0 =	simm.s32 @p2 $0x1  }
0x17: {  	s4 =	simm.s32 $0x1BF5;
	[smem:$0x3FB2] =	sst s0  }
0x18: {  	s0 =	sld [smem:$0x3F95];
	_ =	swait.ge [sflag:s4], $0x0  }
0x19: {  	s7 =	sld [smem:$0x3F96]  }
0x1a: {  	s8 =	sadd.s32 $0xFFFFE003, lr  }
0x1b: {  	s9 =	sadd.s32 $0xFFFFFEF7, lr;
	s5 =	simm.s32 $0xFFFFFFFF;
	p2 =	slt.u32 s8, $0xFFFFF086  }
0x1c: {  	p1 =	slt.u32 s9, $0xF7A;
	s5 =	simm.s32 @!p2 $0x0  }
0x1d: {  	s5 =	simm.s32 @p1 $0x1;
	p0 =	seq.s32 s7, s2  }
0x1e: {  	s7 =	smul.u32 @!p0 $0xF7A, s2;
	p2 =	seq.s32 @!p0 s5, $0x0  }
0x1f: {  	s9 =	smul.u32 $0xF7A, s1;
	s8 =	simm.s32 @!p0 $0x1BF5;
	p2 =	por !p2, p0  }
0x20: {  	[sflag:s8] =	ssyncset.s32 @!p0 $0xFFFFF086;
	s6 =	sadd.s32 @!p0 s3, s7;
	s7 =	simm.s32 @!p0 $0x108  }
0x21: {  	s3 =	sadd.s32 s3, s9;
	s6 =	sadd.s32 @!p0 $0x88, s6;
	s7 =	simm.s32 @p2 $0x1082  }
0x22: {  	[simem:s7], [sflag:s8] =	dma.local @!p0 [hbm:s6], $0xF7A  }
0x23: {  	s9 =	sor.u32 $0xD0000000, s2;
	s6 =	simm.s32 $0x108;
	_ =	swait.ge @!p0 [sflag:s8], $0x0  }
0x24: {  	s3 =	sadd.s32 $0x88, s3;
	s6 =	simm.s32 @!p1 $0x1082;
	[sflag:s4] =	ssyncset.s32 $0xFFFFF086  }
0x25: {  	[simem:s6], [sflag:s4] =	dma.local [hbm:s3], $0xF7A  }
0x26: {  	[smem:$0x3F96] =	sst s1;
	(tag) =	ssettag s2;
	_ =	strace s9  }
0x27: {  	s1 =	sld [smem:$0x3FA6]  }
0x28: {  	s2 =	sld [smem:$0x3FA7]  }
0x29: {  	s4 =	sld [smem:$0x3FA9]  }
0x2a: {  	p0 =	seq.s32 s5, $0x0;
	s5 =	sld [smem:$0x3FAA]  }
0x2b: {  	s6 =	sld [smem:$0x3FAB]  }
0x2c: {  	s7 =	sld [smem:$0x3FAC]  }
0x2d: {  	s3 =	simm.s32 $0x108;
	s8 =	sld [smem:$0x3FAD]  }
0x2e: {  	s3 =	simm.s32 @!p0 $0x1082;
	s9 =	sld [smem:$0x3FAE]  }
0x2f: {  	lr =	sadd.s32 s0, s3;
	s0 =	sld [smem:$0x3FA5]  }
0x30: {  	s3 =	sld [smem:$0x3FA8]  }
0x31: {  	[smem:$0x3FB1] =	sst s10  }
0x32: {  	s10 =	sld [smem:$0x3FAF];
	_ =	sdelay $0x3  }
0x33: {  	p0 =	seq.s32 s10, $0x1;
	s10 =	sld [smem:$0x3FB1];
	_ =	sdelay $0x3  }
0x34: {  	[smem:$0x3FB1] =	sst s10  }
0x35: {  	s10 =	sld [smem:$0x3FB0];
	_ =	sdelay $0x3  }
0x36: {  	p1 =	seq.s32 s10, $0x1;
	s10 =	sld [smem:$0x3FB1];
	_ =	sdelay $0x3  }
0x37: {  	[smem:$0x3FB1] =	sst s10  }
0x38: {  	s10 =	sld [smem:$0x3FB2]  }
0x39: {  	_ = 	snop;
	(pc) =	sbr.ind lr, $3  }
0x3a: {  	_ = 	snop  }
0x3b: {  	_ = 	snop  }
0x3c: {  	p2 =	seq.s32 s10, $0x1;
	s10 =	sld [smem:$0x3FB1]  }
0x3d: {  	_ =	shalt  }
0x3e: {  	_ =	shalt  }
0x3f: {  	_ =	shalt  }
0x40: {  	_ =	shalt  }
0x41: {  	_ =	shalt  }
0x42: {  	_ =	shalt  }
0x43: {  	_ =	shalt  }
0x44: {  	_ =	shalt  }
0x45: {  	_ =	shalt  }
0x46: {  	_ =	shalt  }
0x47: {  	_ =	shalt  }
0x48: {  	_ =	shalt  }
0x49: {  	_ =	shalt  }
0x4a: {  	_ =	shalt  }
0x4b: {  	_ =	shalt  }
0x4c: {  	_ =	shalt  }
0x4d: {  	_ =	shalt  }
0x4e: {  	_ =	shalt  }
0x4f: {  	_ =	shalt  }
0x50: {  	_ =	shalt  }
0x51: {  	_ =	shalt  }
0x52: {  	_ =	shalt  }
0x53: {  	_ =	shalt  }
0x54: {  	_ =	shalt  }
0x55: {  	_ =	shalt  }
0x56: {  	_ =	shalt  }
0x57: {  	_ =	shalt  }
0x58: {  	_ =	shalt  }
0x59: {  	_ =	shalt  }
0x5a: {  	_ =	shalt  }
0x5b: {  	_ =	shalt  }
0x5c: {  	_ =	shalt  }
0x5d: {  	_ =	shalt  }
0x5e: {  	_ =	shalt  }
0x5f: {  	_ =	shalt  }
0x60: {  	_ =	shalt  }
0x61: {  	_ =	shalt  }
0x62: {  	_ =	shalt  }
0x63: {  	_ =	shalt  }
0x64: {  	_ =	shalt  }
0x65: {  	_ =	shalt  }
0x66: {  	_ =	shalt  }
0x67: {  	_ =	shalt  }
0x68: {  	_ =	shalt  }
0x69: {  	_ =	shalt  }
0x6a: {  	_ =	shalt  }
0x6b: {  	_ =	shalt  }
0x6c: {  	_ =	shalt  }
0x6d: {  	_ =	shalt  }
0x6e: {  	_ =	shalt  }
0x6f: {  	_ =	shalt  }
0x70: {  	_ =	shalt  }
0x71: {  	_ =	shalt  }
0x72: {  	_ =	shalt  }
0x73: {  	_ =	shalt  }
0x74: {  	_ =	shalt  }
0x75: {  	_ =	shalt  }
0x76: {  	_ =	shalt  }
0x77: {  	_ =	shalt  }
0x78: {  	_ =	shalt  }
0x79: {  	_ =	shalt  }
0x7a: {  	_ =	shalt  }
0x7b: {  	_ =	shalt  }
0x7c: {  	_ =	shalt  }
0x7d: {  	_ =	shalt  }
0x7e: {  	_ =	shalt  }
0x7f: {  	_ =	shalt  }
0x80: {  	_ =	shalt  }
0x81: {  	_ =	shalt  }
0x82: {  	_ =	shalt  }
0x83: {  	_ =	shalt  }
0x84: {  	_ =	shalt  }
0x85: {  	_ =	shalt  }
0x86: {  	_ =	shalt  }
0x87: {  	_ =	shalt  }
.Lfunc_end0:
.L_simem_size_0:
called_computation.1_lowered:
.L_overlay_start_0:
0x88: {  	s2 =	sld [smem:$0x3FD9]  }
0x89: {  	s3 =	sld [smem:$0x3FFE];
	_ =	sdelay $0x1  }
0x8a: {  	s1 =	srdreg.scid  }
0x8b: {  	s0 =	sand.u32 $0x1, s1  }
0x8c: {  	s17 =	sshll.u32 s0, $0xA;
	s2 =	sadd.s32 s3, s2  }
0x8d: {  	s2 =	sadd.s32 s2, s17  }
0x8e: {  	[smem:$0x3FBD] =	sst s2  }
0x8f: {  	_ = 	snop  }
0x90: {  	s2 =	sld [smem:$0x3FD0];
	(tm) =	ssettm $0x1  }
0x91: {  	s18 =	sld [smem:$0x3FFB];
	_ =	sdelay $0x3  }
0x92: {  	_ =	strace s18  }
0x93: {  	s3 =	sld [smem:$0x3FFC];
	_ =	sdelay $0x3  }
0x94: {  	_ =	strace s3  }
0x95: {  	s3 =	sld [smem:$0x3FFD];
	_ =	sdelay $0x3  }
0x96: {  	_ =	strace s3  }
0x97: {  	_ =	strace $0x8FFFFFFF  }
0x98: {  	s19 =	sld [smem:$0x3FDB];
	_ =	sdelay $0x1  }
0x99: {  	s4 =	simm.s32 $_scs_section_size  }
0x9a: {  	s5 =	simm.s32 $_size__tile_overlayer_lowered;
	s6 =	simm.s32 $_tile_overlayer_lowered  }
0x9b: {  	s22 =	simm.s32 $0x1BFF;
	s21 =	sshll.u32 s6, $0x1;
	s3 =	sadd.s32 s4, s19  }
0x9c: {  	s7 =	simm.s32 $0x0;
	s20 =	sshll.u32 s5, $0x1;
	s5 =	sadd.s32 s21, s3  }
0x9d: {  	[timem:s7], [sflag:s22] =	dma.local [hbm:s5], s20  }
0x9e: {  	_ =	swait.ge [sflag:s22], s20  }
0x9f: {  	s4 =	ssub.s32 $0x0, s20;
	[sflag:s22] =	ssyncset.done $0x0  }
0xa0: {  	[sflag:s22] =	ssyncadd.s32 s4;
	_ =	sdelay $0x1  }
0xa1: {  	s23 =	simm.s32 $0x1B8B  }
0xa2: {  	_ =	swait.ge [sflag:s23], $0x1  }
0xa3: {  	[sflag:s23] =	ssyncset.done $0x0  }
0xa4: {  	s25 =	simm.s32 $0x1B8E;
	s24 =	sld [smem:$0x3FFE];
	[sflag:s23] =	ssyncadd.s32 $0xFFFFFFFF  }
0xa5: {  	s26 =	simm.s32 $execute0_lowered;
	[smem:$0x3FD2] =	sst s25  }
0xa6: {  	s5 =	sshll.u32 s26, $0x1;
	_ =	strace $0x80000049;
	[dreg:$0x1] =	wrdreg $0xFFFFFFFF  }
0xa7: {  	s28 =	simm.s32 $_size_execute0_lowered;
	s3 =	sadd.s32 s3, s5;
	[dreg:$0x0] =	wrdreg $0x0  }
0xa8: {  	s5 =	sshll.u32 s28, $0x1;
	[dreg:$0x2] =	wrdreg s3  }
0xa9: {  	[dreg:$0x3] =	wrdreg s5  }
0xaa: {  	[dreg:$0x4] =	wrdreg $0xC0  }
0xab: {  	_ =	task [dreg:s7], $0x5FFFF  }
0xac: {  	[dreg:$0x1] =	wrdreg $0xFFFFFFFF  }
0xad: {  	[dreg:$0x0] =	wrdreg $0x60  }
0xae: {  	[dreg:$0x2] =	wrdreg s24  }
0xaf: {  	[dreg:$0x3] =	wrdreg s2  }
0xb0: {  	[dreg:$0x4] =	wrdreg $0x9  }
0xb1: {  	_ =	task.clear_ibuf [dreg:s7], $0x5FFFF;
	_ =	strace $0x90000049  }
0xb2: {  	s29 =	simm.s32 $0x9;
	_ =	strace $0x8000004B  }
0xb3: {  	_ =	swait.ge [sflag:s29], $0x1  }
0xb4: {  	[sflag:s29] =	ssyncadd.s32 $0xFFFFFFFF  }
0xb5: {  	_ =	strace $0x9000004B  }
0xb6: {  	_ =	sfence  }
0xb7: {  	s30 =	sld [smem:$0x0];
	_ =	sdelay $0x2  }
0xb8: {  	s31 =	sshll.u32 s1, $0xD;
	s1 =	sshrl.u32 s1, $0x2  }
0xb9: {  	s3 =	sand.u32 $0x4000, s31;
	s1 =	sadd.s32 s1, s30  }
0xba: {  	s0 =	sor.u32 s3, s0;
	s1 =	sshll.u32 s1, $0x11  }
0xbb: {  	s0 =	sor.u32 s1, s0  }
0xbc: {  	s0 =	sadd.s32 $0x8F2B, s0  }
0xbd: {  	[sflag:s0] =	ssyncadd.remote.s32 $0x1  }
0xbe: {  	_ =	sfence.sel $0xFFFF  }
0xbf: {  	[dreg:$0x0] =	wrdreg $0xFFFFFFFF;
	(pc) =	sbr.abs _section_cstart, $3  }
0xc0: {  	[dreg:$0x1] =	wrdreg $0xFFFFFFFF  }
0xc1: {  	_ =	task.clear_ibuf [dreg:s7], $0x2FFFF;
	_ =	strace $0x9FFFFFFF  }
0xc2: {  	(tm) =	ssettm $0x7FFFFFFF  }
0xc3: {  	_ =	shalt  }
tec
execute0_lowered:
.L_overlay_start_1:
0x0: {  	(tag) =	ssettag $0x1  }
0x1: {  	s0 =	rddreg [dreg:$0x0]  }
0x2: {  	s2 =	simm.s32 $0x0;
	s1 =	srdreg.scid;
	s5 =	stileid.u32  }
0x3: {  	s9 =	simm.s32 $0x2;
	s11 =	simm.s32 $0x80;
	s13 =	simm.s32 $0x1A00  }
0x4: {  	s14 =	simm.s32 $0x100;
	s15 =	simm.s32 $0x2A00;
	s16 =	simm.s32 $0x180  }
0x5: {  	s17 =	simm.s32 $0x3A00;
	s18 =	simm.s32 $0x200;
	s19 =	simm.s32 $0x4A00  }
0x6: {  	s20 =	simm.s32 $0x280;
	s21 =	simm.s32 $0x5A00;
	s22 =	simm.s32 $0x300  }
0x7: {  	s23 =	simm.s32 $0x6A00;
	s24 =	simm.s32 $0x380;
	s28 =	simm.s32 $0x8A00  }
0x8: {  	s29 =	simm.s32 $0x480;
	s30 =	simm.s32 $0x9A00;
	s31 =	simm.s32 $0x1  }
0x9: {  	v0 =	vimm.s32 $0x0;
	[smem:$0x7FF] =	sst s2;
	s1 =	sand.u32 $0x1, s1;
	s4 =	sadd.s32 $0x2AB400, s0  }
0xa: {  	v1 =	vimm.s32 $0x1;
	v2 =	vimm.s32 $0x2;
	v3 =	vimm.s32 $0x3;
	s6 =	sshll.u32 s5, $0x1;
	s5 =	sadd.s32 $0x58B800, s0;
	s25 =	ssub.s32 $0x2, s1  }
0xb: {  	v4 =	vimm.s32 $0x4;
	v5 =	vimm.s32 $0x5;
	v6 =	vimm.s32 $0x6;
	_ =	strace $0x8000004A;
	s1 =	sor.u32 s1, s6;
	s3 =	sshrl.u32 s25, $0x1  }
0xc: {  	v7 =	vimm.s32 $0x7;
	v8 =	vimm.s32 $0x8;
	v9 =	vimm.s32 $0x9;
	s6 =	sadd.s32 $0x553400, s0;
	s0 =	simm.s32 $0xAA00;
	s2 =	ssub.s32 s25, s3  }
0xd: {  	v10 =	vimm.s32 $0xA;
	v11 =	vimm.s32 $0xB;
	v12 =	vimm.s32 $0xC;
	s7 =	smul.u32 $0x384, s1;
	s25 =	simm.s32 $0x7A00;
	s26 =	smax.u32 s2, $0x1  }
0xe: {  	v13 =	vimm.s32 $0xD;
	v14 =	vimm.s32 $0xE;
	v15 =	vimm.s32 $0xF;
	s2 =	simm.s32 $0x0;
	[dreg:$0x3] =	wrdreg s26;
	s26 =	simm.s32 $0x400  }
.LBB2_1:
0xf: {  	[dreg:$0x4] =	wrdreg s2;
	s8 =	simm.s32 $0x0  }
.LBB2_2:
0x10: {  	s1 =	smul.u32 $0x14, s8;
	_ =	sdelay $0x1  }
0x11: {  	s3 =	sadd.s32 s7, s1  }
0x12: {  	s1 =	sshll.u32 s3, $0x3  }
0x13: {  	s10 =	simm.s32 $0x0;
	s2 =	sadd.s32 s5, s1  }
0x14: {  	[tilespmem:s10], [sflag:$0x2] =	stream.linear.gather [hbm4b:s2+s10], $0x500, $0x38;
	[tilespmem:$0xAC80] =	vst v63  }
0x15: {  	_ =	swait.ge [sflag:s9], $0x500  }
0x16: {  	[sflag:s9] =	ssyncset.done $0x0  }
0x17: {  	s12 =	simm.s32 $0x500;
	s1 =	sadd.s32 s6, s1;
	[sflag:s9] =	ssyncadd.s32 $0xFFFFFB00  }
0x18: {  	[tilespmem:s12], [sflag:$0x2] =	stream.linear.gather [hbm4b:s1+s10], $0x500, $0x38;
	[tilespmem:$0xAC80] =	vst v63  }
0x19: {  	_ =	swait.ge [sflag:s9], $0x500  }
0x1a: {  	[sflag:s9] =	ssyncset.done $0x0  }
0x1b: {  	s12 =	simm.s32 $0xA00;
	[sflag:s9] =	ssyncadd.s32 $0xFFFFFB00  }
0x1c: {  	[tilespmem:s12], [sflag:$0x1] =	stream.indirect.gather [hbm4b:s4+s11], $0x20, s10, s11, $0xb8;
	[tilespmem:$0xAC80] =	vst v63  }
0x1d: {  	_ = 	snop  }
0x1e: {  	[tilespmem:s13], [sflag:$0x1] =	stream.indirect.gather [hbm4b:s4+s11], $0x20, s11, s11, $0xb8;
	[tilespmem:$0xAC80] =	vst v63  }
0x1f: {  	_ = 	snop  }
0x20: {  	[tilespmem:s15], [sflag:$0x1] =	stream.indirect.gather [hbm4b:s4+s11], $0x20, s14, s11, $0xb8;
	[tilespmem:$0xAC80] =	vst v63  }
0x21: {  	_ = 	snop  }
0x22: {  	[tilespmem:s17], [sflag:$0x1] =	stream.indirect.gather [hbm4b:s4+s11], $0x20, s16, s11, $0xb8;
	[tilespmem:$0xAC80] =	vst v63  }
0x23: {  	_ = 	snop  }
0x24: {  	[tilespmem:s19], [sflag:$0x1] =	stream.indirect.gather [hbm4b:s4+s11], $0x20, s18, s11, $0xb8;
	[tilespmem:$0xAC80] =	vst v63  }
0x25: {  	_ = 	snop  }
0x26: {  	[tilespmem:s21], [sflag:$0x1] =	stream.indirect.gather [hbm4b:s4+s11], $0x20, s20, s11, $0xb8;
	[tilespmem:$0xAC80] =	vst v63  }
0x27: {  	_ = 	snop  }
0x28: {  	[tilespmem:s23], [sflag:$0x1] =	stream.indirect.gather [hbm4b:s4+s11], $0x20, s22, s11, $0xb8;
	[tilespmem:$0xAC80] =	vst v63  }
0x29: {  	_ = 	snop  }
0x2a: {  	[tilespmem:s25], [sflag:$0x1] =	stream.indirect.gather [hbm4b:s4+s11], $0x20, s24, s11, $0xb8;
	[tilespmem:$0xAC80] =	vst v63  }
0x2b: {  	_ = 	snop  }
0x2c: {  	[tilespmem:s28], [sflag:$0x1] =	stream.indirect.gather [hbm4b:s4+s11], $0x20, s26, s11, $0xb8;
	[tilespmem:$0xAC80] =	vst v63  }
0x2d: {  	_ = 	snop  }
0x2e: {  	[tilespmem:s30], [sflag:$0x1] =	stream.indirect.gather [hbm4b:s4+s11], $0x20, s29, s11, $0xb8;
	[tilespmem:$0xAC80] =	vst v63  }
0x2f: {  	_ =	swait.ge [sflag:s31], $0x1000  }
0x30: {  	[sflag:s31] =	ssyncset.done $0x0  }
0x31: {  	[sflag:s31] =	ssyncadd.s32 $0xFFFFF000  }
0x32: {  	_ =	swait.ge [sflag:s31], $0x1000  }
0x33: {  	[sflag:s31] =	ssyncset.done $0x0  }
0x34: {  	[sflag:s31] =	ssyncadd.s32 $0xFFFFF000  }
0x35: {  	_ =	swait.ge [sflag:s31], $0x1000  }
0x36: {  	[sflag:s31] =	ssyncset.done $0x0  }
0x37: {  	[sflag:s31] =	ssyncadd.s32 $0xFFFFF000  }
0x38: {  	_ =	swait.ge [sflag:s31], $0x1000  }
0x39: {  	[sflag:s31] =	ssyncset.done $0x0  }
0x3a: {  	[sflag:s31] =	ssyncadd.s32 $0xFFFFF000  }
0x3b: {  	_ =	swait.ge [sflag:s31], $0x1000  }
0x3c: {  	[sflag:s31] =	ssyncset.done $0x0  }
0x3d: {  	[sflag:s31] =	ssyncadd.s32 $0xFFFFF000  }
0x3e: {  	_ =	swait.ge [sflag:s31], $0x1000  }
0x3f: {  	[sflag:s31] =	ssyncset.done $0x0  }
0x40: {  	[sflag:s31] =	ssyncadd.s32 $0xFFFFF000  }
0x41: {  	_ =	swait.ge [sflag:s31], $0x1000  }
0x42: {  	[sflag:s31] =	ssyncset.done $0x0  }
0x43: {  	[sflag:s31] =	ssyncadd.s32 $0xFFFFF000  }
0x44: {  	_ =	swait.ge [sflag:s31], $0x1000  }
0x45: {  	[sflag:s31] =	ssyncset.done $0x0  }
0x46: {  	[sflag:s31] =	ssyncadd.s32 $0xFFFFF000  }
0x47: {  	_ =	swait.ge [sflag:s31], $0x1000  }
0x48: {  	[sflag:s31] =	ssyncset.done $0x0  }
0x49: {  	[sflag:s31] =	ssyncadd.s32 $0xFFFFF000  }
0x4a: {  	_ =	swait.ge [sflag:s31], $0x1000  }
0x4b: {  	[sflag:s31] =	ssyncset.done $0x0  }
0x4c: {  	s1 =	simm.s32 $0x520;
	[sflag:s31] =	ssyncadd.s32 $0xFFFFF000  }
0x4d: {  	v16 =	vld [tilespmem:s1+$0x10]  }
0x4e: {  	v17 =	vld [tilespmem:s1+$0x0]  }
0x4f: {  	v18 =	vld [tilespmem:s1+$0xFFFFFFF0]  }
0x50: {  	s2 =	simm.s32 $0xE00;
	v19 =	vld [tilespmem:s1+$0xFFFFFFE0]  }
0x51: {  	v20 =	vld [tilespmem:s2+$0xFFFFFC10]  }
0x52: {  	v21 =	vld [tilespmem:s2+$0xFFFFFC00]  }
0x53: {  	v22 =	vld [tilespmem:s2+$0xFFFFFC30]  }
0x54: {  	v23 =	vld [tilespmem:s2+$0xFFFFFC20]  }
0x55: {  	v25 =	vld [tilespmem:s2+$0xFFFFFC50];
	v24 =	vperm.xlane v19, v0  }
0x56: {  	v27 =	vld [tilespmem:s2+$0xFFFFFC40];
	v26 =	vperm.xlane v19, v1  }
0x57: {  	v34 =	vld [tilespmem:s2+$0xFFFFFC70];
	v21 =	vmul.f32 v21, v24;
	v20 =	vmul.f32 v20, v24  }
0x58: {  	v29 =	vld [tilespmem:s2+$0xFFFFFC60];
	v28 =	vperm.xlane v19, v2;
	v22 =	vmul.f32 v22, v26  }
0x59: {  	v35 =	vld [tilespmem:s2+$0xFFFFFC90];
	v23 =	vmul.f32 v23, v26;
	v21 =	vadd.f32 $0.0e+00, v21;
	v20 =	vadd.f32 $0.0e+00, v20  }
0x5a: {  	v31 =	vld [tilespmem:s2+$0xFFFFFC80];
	v30 =	vperm.xlane v19, v3;
	v25 =	vmul.f32 v25, v28  }
0x5b: {  	v39 =	vld [tilespmem:s2+$0xFFFFFCA0];
	v36 =	vmul.f32 v27, v28;
	v21 =	vadd.f32 v23, v21;
	v20 =	vadd.f32 v22, v20  }
0x5c: {  	v37 =	vld [tilespmem:s2+$0xFFFFFCB0];
	v38 =	vperm.xlane v19, v4;
	v24 =	vmul.f32 v34, v30  }
0x5d: {  	v43 =	vld [tilespmem:s2+$0xFFFFFCC0];
	v40 =	vmul.f32 v29, v30;
	v21 =	vadd.f32 v36, v21;
	v20 =	vadd.f32 v25, v20  }
0x5e: {  	v41 =	vld [tilespmem:s2+$0xFFFFFCD0];
	v42 =	vperm.xlane v19, v5;
	v26 =	vmul.f32 v35, v38  }
0x5f: {  	v47 =	vld [tilespmem:s2+$0xFFFFFCE0];
	v44 =	vmul.f32 v31, v38;
	v21 =	vadd.f32 v40, v21;
	v20 =	vadd.f32 v24, v20  }
0x60: {  	v45 =	vld [tilespmem:s2+$0xFFFFFCF0];
	v46 =	vperm.xlane v19, v6;
	v48 =	vmul.f32 v39, v42  }
0x61: {  	v51 =	vld [tilespmem:s2+$0xFFFFFD00];
	v23 =	vmul.f32 v37, v42;
	v21 =	vadd.f32 v44, v21;
	v20 =	vadd.f32 v26, v20  }
0x62: {  	v49 =	vld [tilespmem:s2+$0xFFFFFD10];
	v50 =	vperm.xlane v19, v7;
	v52 =	vmul.f32 v43, v46  }
0x63: {  	v55 =	vld [tilespmem:s2+$0xFFFFFD20];
	v25 =	vmul.f32 v41, v46;
	v21 =	vadd.f32 v48, v21;
	v20 =	vadd.f32 v23, v20  }
0x64: {  	v53 =	vld [tilespmem:s2+$0xFFFFFD30];
	v54 =	vperm.xlane v19, v8;
	v56 =	vmul.f32 v47, v50  }
0x65: {  	v59 =	vld [tilespmem:s2+$0xFFFFFD40];
	v24 =	vmul.f32 v45, v50;
	v21 =	vadd.f32 v52, v21;
	v20 =	vadd.f32 v25, v20  }
0x66: {  	v57 =	vld [tilespmem:s2+$0xFFFFFD50];
	v58 =	vperm.xlane v19, v9;
	v60 =	vmul.f32 v51, v54  }
0x67: {  	v63 =	vld [tilespmem:s2+$0xFFFFFD60];
	v26 =	vmul.f32 v49, v54;
	v21 =	vadd.f32 v56, v21;
	v20 =	vadd.f32 v24, v20  }
0x68: {  	v61 =	vld [tilespmem:s2+$0xFFFFFD70];
	v62 =	vperm.xlane v19, v10;
	v33 =	vmul.f32 v55, v58  }
0x69: {  	v36 =	vld [tilespmem:s2+$0xFFFFFD80];
	v23 =	vmul.f32 v53, v58;
	v21 =	vadd.f32 v60, v21;
	v20 =	vadd.f32 v26, v20  }
0x6a: {  	v34 =	vld [tilespmem:s2+$0xFFFFFD90];
	v35 =	vperm.xlane v19, v11;
	v37 =	vmul.f32 v59, v62  }
0x6b: {  	v40 =	vld [tilespmem:s2+$0xFFFFFDA0];
	v25 =	vmul.f32 v57, v62;
	v21 =	vadd.f32 v33, v21;
	v20 =	vadd.f32 v23, v20  }
0x6c: {  	v38 =	vld [tilespmem:s2+$0xFFFFFDB0];
	v39 =	vperm.xlane v19, v12;
	v41 =	vmul.f32 v63, v35  }
0x6d: {  	v44 =	vld [tilespmem:s2+$0xFFFFFDC0];
	v24 =	vmul.f32 v61, v35;
	v21 =	vadd.f32 v37, v21;
	v20 =	vadd.f32 v25, v20  }
0x6e: {  	v43 =	vperm.xlane v19, v13;
	v42 =	vld [tilespmem:s2+$0xFFFFFDD0];
	v45 =	vmul.f32 v36, v39  }
0x6f: {  	v46 =	vld [tilespmem:s2+$0xFFFFFDF0];
	v26 =	vmul.f32 v34, v39;
	v21 =	vadd.f32 v41, v21;
	v20 =	vadd.f32 v24, v20  }
0x70: {  	v47 =	vperm.xlane v19, v14;
	v48 =	vld [tilespmem:s2+$0xFFFFFDE0];
	v49 =	vmul.f32 v40, v43  }
0x71: {  	v50 =	vld [tilespmem:s2+$0xFFFFFE10];
	v23 =	vmul.f32 v38, v43;
	v21 =	vadd.f32 v45, v21;
	v20 =	vadd.f32 v26, v20  }
0x72: {  	v19 =	vperm.xlane v19, v15;
	v51 =	vld [tilespmem:s2+$0xFFFFFE00];
	v52 =	vmul.f32 v44, v47  }
0x73: {  	v55 =	vld [tilespmem:s2+$0xFFFFFE20];
	v25 =	vmul.f32 v42, v47;
	v21 =	vadd.f32 v49, v21;
	v20 =	vadd.f32 v23, v20  }
0x74: {  	v54 =	vperm.xlane v18, v0;
	v53 =	vld [tilespmem:s2+$0xFFFFFE30];
	v24 =	vmul.f32 v46, v19  }
0x75: {  	v59 =	vld [tilespmem:s2+$0xFFFFFE40];
	v19 =	vmul.f32 v48, v19;
	v21 =	vadd.f32 v52, v21;
	v20 =	vadd.f32 v25, v20  }
0x76: {  	v58 =	vperm.xlane v18, v1;
	v57 =	vmul.f32 v50, v54;
	v56 =	vld [tilespmem:s2+$0xFFFFFE50]  }
0x77: {  	v63 =	vld [tilespmem:s2+$0xFFFFFE60];
	v60 =	vmul.f32 v51, v54;
	v19 =	vadd.f32 v19, v21;
	v20 =	vadd.f32 v24, v20  }
0x78: {  	v62 =	vperm.xlane v18, v2;
	v32 =	vmul.f32 v55, v58;
	v61 =	vld [tilespmem:s2+$0xFFFFFE70]  }
0x79: {  	v35 =	vld [tilespmem:s2+$0xFFFFFE80];
	v23 =	vmul.f32 v53, v58;
	v19 =	vadd.f32 v60, v19;
	v20 =	vadd.f32 v57, v20  }
0x7a: {  	v36 =	vmul.f32 v59, v62;
	v34 =	vperm.xlane v18, v3;
	v33 =	vld [tilespmem:s2+$0xFFFFFE90]  }
0x7b: {  	v39 =	vld [tilespmem:s2+$0xFFFFFEA0];
	v22 =	vmul.f32 v56, v62;
	v19 =	vadd.f32 v32, v19;
	v20 =	vadd.f32 v23, v20  }
0x7c: {  	v38 =	vperm.xlane v18, v4;
	v40 =	vmul.f32 v63, v34;
	v37 =	vld [tilespmem:s2+$0xFFFFFEB0]  }
0x7d: {  	v43 =	vld [tilespmem:s2+$0xFFFFFEC0];
	v24 =	vmul.f32 v61, v34;
	v19 =	vadd.f32 v36, v19;
	v20 =	vadd.f32 v22, v20  }
0x7e: {  	v42 =	vperm.xlane v18, v5;
	v44 =	vmul.f32 v35, v38;
	v41 =	vld [tilespmem:s2+$0xFFFFFED0]  }
0x7f: {  	v47 =	vld [tilespmem:s2+$0xFFFFFEE0];
	v25 =	vmul.f32 v33, v38;
	v19 =	vadd.f32 v40, v19;
	v20 =	vadd.f32 v24, v20  }
0x80: {  	v46 =	vperm.xlane v18, v6;
	v48 =	vmul.f32 v39, v42;
	v45 =	vld [tilespmem:s2+$0xFFFFFEF0]  }
0x81: {  	v51 =	vld [tilespmem:s2+$0xFFFFFF00];
	v23 =	vmul.f32 v37, v42;
	v19 =	vadd.f32 v44, v19;
	v20 =	vadd.f32 v25, v20  }
0x82: {  	v50 =	vperm.xlane v18, v7;
	v49 =	vld [tilespmem:s2+$0xFFFFFF10];
	v52 =	vmul.f32 v43, v46  }
0x83: {  	v55 =	vld [tilespmem:s2+$0xFFFFFF20];
	v22 =	vmul.f32 v41, v46;
	v19 =	vadd.f32 v48, v19;
	v20 =	vadd.f32 v23, v20  }
0x84: {  	v54 =	vperm.xlane v18, v8;
	v56 =	vmul.f32 v47, v50;
	v53 =	vld [tilespmem:s2+$0xFFFFFF30]  }
0x85: {  	v59 =	vld [tilespmem:s2+$0xFFFFFF40];
	v24 =	vmul.f32 v45, v50;
	v19 =	vadd.f32 v52, v19;
	v20 =	vadd.f32 v22, v20  }
0x86: {  	v58 =	vperm.xlane v18, v9;
	v57 =	vld [tilespmem:s2+$0xFFFFFF50];
	v60 =	vmul.f32 v51, v54  }
0x87: {  	v63 =	vld [tilespmem:s2+$0xFFFFFF60];
	v25 =	vmul.f32 v49, v54;
	v19 =	vadd.f32 v56, v19;
	v20 =	vadd.f32 v24, v20  }
0x88: {  	v62 =	vperm.xlane v18, v10;
	v33 =	vmul.f32 v55, v58;
	v61 =	vld [tilespmem:s2+$0xFFFFFF70]  }
0x89: {  	v36 =	vld [tilespmem:s2+$0xFFFFFF80];
	v23 =	vmul.f32 v53, v58;
	v19 =	vadd.f32 v60, v19;
	v20 =	vadd.f32 v25, v20  }
0x8a: {  	v35 =	vperm.xlane v18, v11;
	v34 =	vld [tilespmem:s2+$0xFFFFFF90];
	v37 =	vmul.f32 v59, v62  }
0x8b: {  	v40 =	vld [tilespmem:s2+$0xFFFFFFA0];
	v22 =	vmul.f32 v57, v62;
	v19 =	vadd.f32 v33, v19;
	v20 =	vadd.f32 v23, v20  }
0x8c: {  	v39 =	vperm.xlane v18, v12;
	v38 =	vld [tilespmem:s2+$0xFFFFFFB0];
	v41 =	vmul.f32 v63, v35  }
0x8d: {  	v44 =	vld [tilespmem:s2+$0xFFFFFFC0];
	v24 =	vmul.f32 v61, v35;
	v19 =	vadd.f32 v37, v19;
	v20 =	vadd.f32 v22, v20  }
0x8e: {  	v43 =	vperm.xlane v18, v13;
	v42 =	vld [tilespmem:s2+$0xFFFFFFD0];
	v45 =	vmul.f32 v36, v39  }
0x8f: {  	v46 =	vld [tilespmem:s2+$0xFFFFFFF0];
	v25 =	vmul.f32 v34, v39;
	v19 =	vadd.f32 v41, v19;
	v20 =	vadd.f32 v24, v20  }
0x90: {  	v47 =	vperm.xlane v18, v14;
	v48 =	vld [tilespmem:s2+$0xFFFFFFE0];
	v49 =	vmul.f32 v40, v43  }
0x91: {  	v50 =	vld [tilespmem:s2+$0x10];
	v23 =	vmul.f32 v38, v43;
	v19 =	vadd.f32 v45, v19;
	v20 =	vadd.f32 v25, v20  }
0x92: {  	v18 =	vperm.xlane v18, v15;
	v51 =	vld [tilespmem:s2+$0x0];
	v52 =	vmul.f32 v44, v47  }
0x93: {  	v55 =	vld [tilespmem:s2+$0x20];
	v22 =	vmul.f32 v42, v47;
	v19 =	vadd.f32 v49, v19;
	v20 =	vadd.f32 v23, v20  }
0x94: {  	v54 =	vperm.xlane v17, v0;
	v53 =	vld [tilespmem:s2+$0x30];
	v24 =	vmul.f32 v46, v18  }
0x95: {  	v59 =	vld [tilespmem:s2+$0x40];
	v18 =	vmul.f32 v48, v18;
	v19 =	vadd.f32 v52, v19;
	v20 =	vadd.f32 v22, v20  }
0x96: {  	v58 =	vperm.xlane v17, v1;
	v57 =	vmul.f32 v50, v54;
	v56 =	vld [tilespmem:s2+$0x50]  }
0x97: {  	v63 =	vld [tilespmem:s2+$0x60];
	v60 =	vmul.f32 v51, v54;
	v18 =	vadd.f32 v18, v19;
	v19 =	vadd.f32 v24, v20  }
0x98: {  	v62 =	vperm.xlane v17, v2;
	v32 =	vmul.f32 v55, v58;
	v61 =	vld [tilespmem:s2+$0x70]  }
0x99: {  	v35 =	vld [tilespmem:s2+$0x80];
	v23 =	vmul.f32 v53, v58;
	v18 =	vadd.f32 v60, v18;
	v19 =	vadd.f32 v57, v19  }
0x9a: {  	v36 =	vmul.f32 v59, v62;
	v34 =	vperm.xlane v17, v3;
	v33 =	vld [tilespmem:s2+$0x90]  }
0x9b: {  	v39 =	vld [tilespmem:s2+$0xA0];
	v21 =	vmul.f32 v56, v62;
	v18 =	vadd.f32 v32, v18;
	v19 =	vadd.f32 v23, v19  }
0x9c: {  	v38 =	vperm.xlane v17, v4;
	v40 =	vmul.f32 v63, v34;
	v37 =	vld [tilespmem:s2+$0xB0]  }
0x9d: {  	v43 =	vld [tilespmem:s2+$0xC0];
	v24 =	vmul.f32 v61, v34;
	v18 =	vadd.f32 v36, v18;
	v19 =	vadd.f32 v21, v19  }
0x9e: {  	v42 =	vperm.xlane v17, v5;
	v44 =	vmul.f32 v35, v38;
	v41 =	vld [tilespmem:s2+$0xD0]  }
0x9f: {  	v47 =	vld [tilespmem:s2+$0xE0];
	v22 =	vmul.f32 v33, v38;
	v18 =	vadd.f32 v40, v18;
	v19 =	vadd.f32 v24, v19  }
0xa0: {  	v46 =	vperm.xlane v17, v6;
	v48 =	vmul.f32 v39, v42;
	v45 =	vld [tilespmem:s2+$0xF0]  }
0xa1: {  	v51 =	vld [tilespmem:s2+$0x100];
	v23 =	vmul.f32 v37, v42;
	v18 =	vadd.f32 v44, v18;
	v19 =	vadd.f32 v22, v19  }
0xa2: {  	v50 =	vperm.xlane v17, v7;
	v49 =	vld [tilespmem:s2+$0x110];
	v52 =	vmul.f32 v43, v46  }
0xa3: {  	v55 =	vld [tilespmem:s2+$0x120];
	v21 =	vmul.f32 v41, v46;
	v18 =	vadd.f32 v48, v18;
	v19 =	vadd.f32 v23, v19  }
0xa4: {  	v54 =	vperm.xlane v17, v8;
	v56 =	vmul.f32 v47, v50;
	v53 =	vld [tilespmem:s2+$0x130]  }
0xa5: {  	v59 =	vld [tilespmem:s2+$0x140];
	v24 =	vmul.f32 v45, v50;
	v18 =	vadd.f32 v52, v18;
	v19 =	vadd.f32 v21, v19  }
0xa6: {  	v58 =	vperm.xlane v17, v9;
	v57 =	vld [tilespmem:s2+$0x150];
	v60 =	vmul.f32 v51, v54  }
0xa7: {  	v63 =	vld [tilespmem:s2+$0x160];
	v22 =	vmul.f32 v49, v54;
	v18 =	vadd.f32 v56, v18;
	v19 =	vadd.f32 v24, v19  }
0xa8: {  	v62 =	vperm.xlane v17, v10;
	v31 =	vmul.f32 v55, v58;
	v61 =	vld [tilespmem:s2+$0x170]  }
0xa9: {  	v34 =	vld [tilespmem:s2+$0x180];
	v23 =	vmul.f32 v53, v58;
	v18 =	vadd.f32 v60, v18;
	v19 =	vadd.f32 v22, v19  }
0xaa: {  	v35 =	vmul.f32 v59, v62;
	v33 =	vperm.xlane v17, v11;
	v32 =	vld [tilespmem:s2+$0x190]  }
0xab: {  	v38 =	vld [tilespmem:s2+$0x1A0];
	v21 =	vmul.f32 v57, v62;
	v18 =	vadd.f32 v31, v18;
	v19 =	vadd.f32 v23, v19  }
0xac: {  	v39 =	vmul.f32 v63, v33;
	v37 =	vperm.xlane v17, v12;
	v36 =	vld [tilespmem:s2+$0x1B0]  }
0xad: {  	v42 =	vld [tilespmem:s2+$0x1C0];
	v24 =	vmul.f32 v61, v33;
	v18 =	vadd.f32 v35, v18;
	v19 =	vadd.f32 v21, v19  }
0xae: {  	v41 =	vperm.xlane v17, v13;
	v43 =	vmul.f32 v34, v37;
	v40 =	vld [tilespmem:s2+$0x1D0]  }
0xaf: {  	v44 =	vld [tilespmem:s2+$0x1F0];
	v22 =	vmul.f32 v32, v37;
	v18 =	vadd.f32 v39, v18;
	v19 =	vadd.f32 v24, v19  }
0xb0: {  	v46 =	vld [tilespmem:s2+$0x1E0];
	v45 =	vperm.xlane v17, v14;
	v47 =	vmul.f32 v38, v41  }
0xb1: {  	v30 =	vld [tilespmem:s2+$0x2B0];
	v23 =	vmul.f32 v36, v41;
	v18 =	vadd.f32 v43, v18;
	v19 =	vadd.f32 v22, v19  }
0xb2: {  	v17 =	vperm.xlane v17, v15;
	v49 =	vld [tilespmem:s2+$0x200];
	v50 =	vmul.f32 v42, v45  }
0xb3: {  	v48 =	vld [tilespmem:s2+$0x210];
	v21 =	vmul.f32 v40, v45;
	v18 =	vadd.f32 v47, v18;
	v19 =	vadd.f32 v23, v19  }
0xb4: {  	v53 =	vld [tilespmem:s2+$0x220];
	v52 =	vperm.xlane v16, v0;
	v24 =	vmul.f32 v44, v17  }
0xb5: {  	v51 =	vld [tilespmem:s2+$0x230];
	v17 =	vmul.f32 v46, v17;
	v18 =	vadd.f32 v50, v18;
	v19 =	vadd.f32 v21, v19  }
0xb6: {  	v57 =	vld [tilespmem:s2+$0x240];
	v56 =	vperm.xlane v16, v1  }
0xb7: {  	v54 =	vld [tilespmem:s2+$0x250];
	v17 =	vadd.f32 v17, v18;
	v18 =	vadd.f32 v24, v19;
	v19 =	vmul.f32 v49, v52  }
0xb8: {  	v55 =	vmul.f32 v48, v52;
	v60 =	vld [tilespmem:s2+$0x260]  }
0xb9: {  	v59 =	vperm.xlane v16, v2;
	v58 =	vld [tilespmem:s2+$0x270];
	v17 =	vadd.f32 v19, v17;
	v19 =	vmul.f32 v53, v56  }
0xba: {  	v63 =	vld [tilespmem:s2+$0x280];
	v23 =	vmul.f32 v51, v56;
	v18 =	vadd.f32 v55, v18  }
0xbb: {  	v62 =	vperm.xlane v16, v3;
	v61 =	vld [tilespmem:s2+$0x290];
	v17 =	vadd.f32 v19, v17;
	v19 =	vmul.f32 v57, v59  }
0xbc: {  	v20 =	vmul.f32 v54, v59;
	v32 =	vld [tilespmem:s2+$0x2A0];
	v18 =	vadd.f32 v23, v18  }
0xbd: {  	v38 =	vld [tilespmem:s2+$0x2E0];
	v31 =	vperm.xlane v16, v4;
	v17 =	vadd.f32 v19, v17;
	v19 =	vmul.f32 v60, v62  }
0xbe: {  	v35 =	vld [tilespmem:s2+$0x2C0];
	v24 =	vmul.f32 v58, v62;
	v18 =	vadd.f32 v20, v18  }
0xbf: {  	v34 =	vperm.xlane v16, v5;
	v33 =	vld [tilespmem:s2+$0x2D0];
	v17 =	vadd.f32 v19, v17;
	v19 =	vmul.f32 v63, v31  }
0xc0: {  	v42 =	vld [tilespmem:s2+$0x330];
	v21 =	vmul.f32 v61, v31;
	v18 =	vadd.f32 v24, v18  }
0xc1: {  	v37 =	vperm.xlane v16, v6;
	v36 =	vld [tilespmem:s2+$0x2F0];
	v17 =	vadd.f32 v19, v17;
	v19 =	vmul.f32 v32, v34  }
0xc2: {  	v41 =	vld [tilespmem:s2+$0x300];
	v23 =	vmul.f32 v30, v34;
	v18 =	vadd.f32 v21, v18  }
0xc3: {  	v40 =	vperm.xlane v16, v7;
	v39 =	vld [tilespmem:s2+$0x310];
	v17 =	vadd.f32 v19, v17;
	v19 =	vmul.f32 v35, v37  }
0xc4: {  	v44 =	vld [tilespmem:s2+$0x320];
	v20 =	vmul.f32 v33, v37;
	v18 =	vadd.f32 v23, v18  }
0xc5: {  	v54 =	vld [tilespmem:s2+$0x3B0];
	v43 =	vperm.xlane v16, v8;
	v17 =	vadd.f32 v19, v17;
	v19 =	vmul.f32 v38, v40  }
0xc6: {  	v47 =	vld [tilespmem:s2+$0x340];
	v24 =	vmul.f32 v36, v40;
	v18 =	vadd.f32 v20, v18  }
0xc7: {  	v45 =	vld [tilespmem:s2+$0x350];
	v46 =	vperm.xlane v16, v9;
	v17 =	vadd.f32 v19, v17;
	v19 =	vmul.f32 v41, v43  }
0xc8: {  	v50 =	vld [tilespmem:s2+$0x360];
	v21 =	vmul.f32 v39, v43;
	v18 =	vadd.f32 v24, v18  }
0xc9: {  	v48 =	vld [tilespmem:s2+$0x370];
	v49 =	vperm.xlane v16, v10;
	v17 =	vadd.f32 v19, v17;
	v19 =	vmul.f32 v44, v46  }
0xca: {  	v53 =	vld [tilespmem:s2+$0x380];
	v23 =	vmul.f32 v42, v46;
	v18 =	vadd.f32 v21, v18  }
0xcb: {  	v51 =	vld [tilespmem:s2+$0x390];
	v52 =	vperm.xlane v16, v11;
	v17 =	vadd.f32 v19, v17;
	v19 =	vmul.f32 v47, v49  }
0xcc: {  	v56 =	vld [tilespmem:s2+$0x3A0];
	v20 =	vmul.f32 v45, v49;
	v18 =	vadd.f32 v23, v18  }
0xcd: {  	v55 =	vperm.xlane v16, v12;
	v57 =	vld [tilespmem:s2+$0x3D0];
	v17 =	vadd.f32 v19, v17;
	v19 =	vmul.f32 v50, v52  }
0xce: {  	v59 =	vld [tilespmem:s2+$0x3C0];
	v24 =	vmul.f32 v48, v52;
	v18 =	vadd.f32 v20, v18  }
0xcf: {  	v58 =	vperm.xlane v16, v13;
	v60 =	vld [tilespmem:s2+$0x3F0];
	v17 =	vadd.f32 v19, v17;
	v19 =	vmul.f32 v53, v55  }
0xd0: {  	v62 =	vld [tilespmem:s2+$0x3E0];
	v21 =	vmul.f32 v51, v55;
	v18 =	vadd.f32 v24, v18  }
0xd1: {  	v61 =	vperm.xlane v16, v14;
	v17 =	vadd.f32 v19, v17;
	v19 =	vmul.f32 v56, v58  }
0xd2: {  	v23 =	vmul.f32 v54, v58;
	v18 =	vadd.f32 v21, v18  }
0xd3: {  	v16 =	vperm.xlane v16, v15;
	v17 =	vadd.f32 v19, v17;
	v19 =	vmul.f32 v59, v61  }
0xd4: {  	v20 =	vmul.f32 v57, v61;
	v18 =	vadd.f32 v23, v18  }
0xd5: {  	v63 =	vmul.f32 v60, v16;
	v16 =	vmul.f32 v62, v16;
	v17 =	vadd.f32 v19, v17  }
0xd6: {  	v18 =	vadd.f32 v20, v18  }
0xd7: {  	v17 =	vadd.f32 v16, v17  }
0xd8: {  	s10 =	simm.s32 $0x80;
	s12 =	simm.s32 $0x0;
	v16 =	vadd.f32 v63, v18  }
.LBB2_3:
0xd9: {  	p0 =	sne.s32 s10, $0x980;
	[tilespmem:s12+$0xAA00] =	vst v17;
	s2 =	sadd.s32 $0x800, s2;
	s1 =	sadd.s32 $0x40, s1  }
0xda: {  	[tilespmem:s12+$0xAA10] =	vst v16;
	s12 =	smov.u32 s10;
	s10 =	sadd.s32 $0x80, s10  }
0xdb: {  	v16 =	vld [tilespmem:s1+$0x10]  }
0xdc: {  	v17 =	vld [tilespmem:s1+$0x0]  }
0xdd: {  	v18 =	vld [tilespmem:s1+$0xFFFFFFF0]  }
0xde: {  	v19 =	vld [tilespmem:s1+$0xFFFFFFE0]  }
0xdf: {  	v20 =	vld [tilespmem:s2+$0xFFFFFC10]  }
0xe0: {  	v21 =	vld [tilespmem:s2+$0xFFFFFC00]  }
0xe1: {  	v22 =	vld [tilespmem:s2+$0xFFFFFC30]  }
0xe2: {  	v23 =	vld [tilespmem:s2+$0xFFFFFC20]  }
0xe3: {  	v24 =	vperm.xlane v19, v0;
	v25 =	vperm.xlane v19, v1;
	v26 =	vld [tilespmem:s2+$0xFFFFFC50]  }
0xe4: {  	v27 =	vld [tilespmem:s2+$0xFFFFFC40]  }
0xe5: {  	v21 =	vmul.f32 v21, v24;
	v20 =	vmul.f32 v20, v24;
	v24 =	vld [tilespmem:s2+$0xFFFFFC70]  }
0xe6: {  	v28 =	vperm.xlane v19, v2;
	v22 =	vmul.f32 v22, v25;
	v29 =	vld [tilespmem:s2+$0xFFFFFC60]  }
0xe7: {  	v21 =	vadd.f32 $0.0e+00, v21;
	v20 =	vadd.f32 $0.0e+00, v20;
	v23 =	vmul.f32 v23, v25;
	v25 =	vld [tilespmem:s2+$0xFFFFFC90]  }
0xe8: {  	v30 =	vperm.xlane v19, v3;
	v26 =	vmul.f32 v26, v28;
	v31 =	vld [tilespmem:s2+$0xFFFFFC80]  }
0xe9: {  	v21 =	vadd.f32 v23, v21;
	v20 =	vadd.f32 v22, v20;
	v22 =	vmul.f32 v27, v28;
	v23 =	vld [tilespmem:s2+$0xFFFFFCB0]  }
0xea: {  	v27 =	vperm.xlane v19, v4;
	v24 =	vmul.f32 v24, v30;
	v28 =	vld [tilespmem:s2+$0xFFFFFCA0]  }
0xeb: {  	v21 =	vadd.f32 v22, v21;
	v20 =	vadd.f32 v26, v20;
	v22 =	vmul.f32 v29, v30;
	v26 =	vld [tilespmem:s2+$0xFFFFFCD0]  }
0xec: {  	v29 =	vperm.xlane v19, v5;
	v25 =	vmul.f32 v25, v27;
	v30 =	vld [tilespmem:s2+$0xFFFFFCC0]  }
0xed: {  	v21 =	vadd.f32 v22, v21;
	v20 =	vadd.f32 v24, v20;
	v22 =	vmul.f32 v31, v27;
	v24 =	vld [tilespmem:s2+$0xFFFFFCF0]  }
0xee: {  	v27 =	vperm.xlane v19, v6;
	v23 =	vmul.f32 v23, v29;
	v31 =	vld [tilespmem:s2+$0xFFFFFCE0]  }
0xef: {  	v21 =	vadd.f32 v22, v21;
	v20 =	vadd.f32 v25, v20;
	v22 =	vmul.f32 v28, v29;
	v25 =	vld [tilespmem:s2+$0xFFFFFD10]  }
0xf0: {  	v28 =	vperm.xlane v19, v7;
	v26 =	vmul.f32 v26, v27;
	v29 =	vld [tilespmem:s2+$0xFFFFFD00]  }
0xf1: {  	v21 =	vadd.f32 v22, v21;
	v20 =	vadd.f32 v23, v20;
	v22 =	vmul.f32 v30, v27;
	v23 =	vld [tilespmem:s2+$0xFFFFFD30]  }
0xf2: {  	v27 =	vperm.xlane v19, v8;
	v24 =	vmul.f32 v24, v28;
	v30 =	vld [tilespmem:s2+$0xFFFFFD20]  }
0xf3: {  	v21 =	vadd.f32 v22, v21;
	v20 =	vadd.f32 v26, v20;
	v22 =	vmul.f32 v31, v28;
	v26 =	vld [tilespmem:s2+$0xFFFFFD50]  }
0xf4: {  	v28 =	vperm.xlane v19, v9;
	v25 =	vmul.f32 v25, v27;
	v31 =	vld [tilespmem:s2+$0xFFFFFD40]  }
0xf5: {  	v21 =	vadd.f32 v22, v21;
	v20 =	vadd.f32 v24, v20;
	v22 =	vmul.f32 v29, v27;
	v24 =	vld [tilespmem:s2+$0xFFFFFD70]  }
0xf6: {  	v27 =	vperm.xlane v19, v10;
	v23 =	vmul.f32 v23, v28;
	v29 =	vld [tilespmem:s2+$0xFFFFFD60]  }
0xf7: {  	v21 =	vadd.f32 v22, v21;
	v20 =	vadd.f32 v25, v20;
	v22 =	vmul.f32 v30, v28;
	v25 =	vld [tilespmem:s2+$0xFFFFFD90]  }
0xf8: {  	v28 =	vperm.xlane v19, v11;
	v26 =	vmul.f32 v26, v27;
	v30 =	vld [tilespmem:s2+$0xFFFFFD80]  }
0xf9: {  	v21 =	vadd.f32 v22, v21;
	v20 =	vadd.f32 v23, v20;
	v22 =	vmul.f32 v31, v27;
	v23 =	vld [tilespmem:s2+$0xFFFFFDB0]  }
0xfa: {  	v27 =	vperm.xlane v19, v12;
	v24 =	vmul.f32 v24, v28;
	v31 =	vld [tilespmem:s2+$0xFFFFFDA0]  }
0xfb: {  	v21 =	vadd.f32 v22, v21;
	v20 =	vadd.f32 v26, v20;
	v22 =	vmul.f32 v29, v28;
	v26 =	vld [tilespmem:s2+$0xFFFFFDD0]  }
0xfc: {  	v28 =	vperm.xlane v19, v13;
	v25 =	vmul.f32 v25, v27;
	v29 =	vld [tilespmem:s2+$0xFFFFFDC0]  }
0xfd: {  	v21 =	vadd.f32 v22, v21;
	v20 =	vadd.f32 v24, v20;
	v22 =	vmul.f32 v30, v27;
	v24 =	vld [tilespmem:s2+$0xFFFFFDF0]  }
0xfe: {  	v27 =	vperm.xlane v19, v14;
	v23 =	vmul.f32 v23, v28;
	v30 =	vld [tilespmem:s2+$0xFFFFFDE0]  }
0xff: {  	v21 =	vadd.f32 v22, v21;
	v20 =	vadd.f32 v25, v20;
	v22 =	vmul.f32 v31, v28;
	v25 =	vld [tilespmem:s2+$0xFFFFFE10]  }
0x100: {  	v19 =	vperm.xlane v19, v15;
	v26 =	vmul.f32 v26, v27;
	v28 =	vld [tilespmem:s2+$0xFFFFFE00]  }
0x101: {  	v21 =	vadd.f32 v22, v21;
	v20 =	vadd.f32 v23, v20;
	v22 =	vmul.f32 v29, v27;
	v23 =	vld [tilespmem:s2+$0xFFFFFE30]  }
0x102: {  	v27 =	vperm.xlane v18, v0;
	v24 =	vmul.f32 v24, v19;
	v29 =	vld [tilespmem:s2+$0xFFFFFE20]  }
0x103: {  	v21 =	vadd.f32 v22, v21;
	v20 =	vadd.f32 v26, v20;
	v19 =	vmul.f32 v30, v19;
	v22 =	vld [tilespmem:s2+$0xFFFFFE50]  }
0x104: {  	v26 =	vperm.xlane v18, v1;
	v25 =	vmul.f32 v25, v27;
	v30 =	vld [tilespmem:s2+$0xFFFFFE40]  }
0x105: {  	v19 =	vadd.f32 v19, v21;
	v20 =	vadd.f32 v24, v20;
	v21 =	vmul.f32 v28, v27;
	v24 =	vld [tilespmem:s2+$0xFFFFFE70]  }
0x106: {  	v27 =	vperm.xlane v18, v2;
	v23 =	vmul.f32 v23, v26;
	v28 =	vld [tilespmem:s2+$0xFFFFFE60]  }
0x107: {  	v19 =	vadd.f32 v21, v19;
	v20 =	vadd.f32 v25, v20;
	v21 =	vmul.f32 v29, v26;
	v25 =	vld [tilespmem:s2+$0xFFFFFE90]  }
0x108: {  	v26 =	vperm.xlane v18, v3;
	v22 =	vmul.f32 v22, v27;
	v29 =	vld [tilespmem:s2+$0xFFFFFE80]  }
0x109: {  	v19 =	vadd.f32 v21, v19;
	v20 =	vadd.f32 v23, v20;
	v21 =	vmul.f32 v30, v27;
	v23 =	vld [tilespmem:s2+$0xFFFFFEB0]  }
0x10a: {  	v27 =	vperm.xlane v18, v4;
	v24 =	vmul.f32 v24, v26;
	v30 =	vld [tilespmem:s2+$0xFFFFFEA0]  }
0x10b: {  	v19 =	vadd.f32 v21, v19;
	v20 =	vadd.f32 v22, v20;
	v21 =	vmul.f32 v28, v26;
	v22 =	vld [tilespmem:s2+$0xFFFFFED0]  }
0x10c: {  	v26 =	vperm.xlane v18, v5;
	v25 =	vmul.f32 v25, v27;
	v28 =	vld [tilespmem:s2+$0xFFFFFEC0]  }
0x10d: {  	v19 =	vadd.f32 v21, v19;
	v20 =	vadd.f32 v24, v20;
	v21 =	vmul.f32 v29, v27;
	v24 =	vld [tilespmem:s2+$0xFFFFFEF0]  }
0x10e: {  	v27 =	vperm.xlane v18, v6;
	v23 =	vmul.f32 v23, v26;
	v29 =	vld [tilespmem:s2+$0xFFFFFEE0]  }
0x10f: {  	v19 =	vadd.f32 v21, v19;
	v20 =	vadd.f32 v25, v20;
	v21 =	vmul.f32 v30, v26;
	v25 =	vld [tilespmem:s2+$0xFFFFFF10]  }
0x110: {  	v26 =	vperm.xlane v18, v7;
	v22 =	vmul.f32 v22, v27;
	v30 =	vld [tilespmem:s2+$0xFFFFFF00]  }
0x111: {  	v19 =	vadd.f32 v21, v19;
	v20 =	vadd.f32 v23, v20;
	v21 =	vmul.f32 v28, v27;
	v23 =	vld [tilespmem:s2+$0xFFFFFF30]  }
0x112: {  	v27 =	vperm.xlane v18, v8;
	v24 =	vmul.f32 v24, v26;
	v28 =	vld [tilespmem:s2+$0xFFFFFF20]  }
0x113: {  	v19 =	vadd.f32 v21, v19;
	v20 =	vadd.f32 v22, v20;
	v21 =	vmul.f32 v29, v26;
	v22 =	vld [tilespmem:s2+$0xFFFFFF50]  }
0x114: {  	v26 =	vperm.xlane v18, v9;
	v25 =	vmul.f32 v25, v27;
	v29 =	vld [tilespmem:s2+$0xFFFFFF40]  }
0x115: {  	v19 =	vadd.f32 v21, v19;
	v20 =	vadd.f32 v24, v20;
	v21 =	vmul.f32 v30, v27;
	v24 =	vld [tilespmem:s2+$0xFFFFFF70]  }
0x116: {  	v27 =	vperm.xlane v18, v10;
	v23 =	vmul.f32 v23, v26;
	v30 =	vld [tilespmem:s2+$0xFFFFFF60]  }
0x117: {  	v19 =	vadd.f32 v21, v19;
	v20 =	vadd.f32 v25, v20;
	v21 =	vmul.f32 v28, v26;
	v25 =	vld [tilespmem:s2+$0xFFFFFF90]  }
0x118: {  	v26 =	vperm.xlane v18, v11;
	v22 =	vmul.f32 v22, v27;
	v28 =	vld [tilespmem:s2+$0xFFFFFF80]  }
0x119: {  	v19 =	vadd.f32 v21, v19;
	v20 =	vadd.f32 v23, v20;
	v21 =	vmul.f32 v29, v27;
	v23 =	vld [tilespmem:s2+$0xFFFFFFB0]  }
0x11a: {  	v27 =	vperm.xlane v18, v12;
	v24 =	vmul.f32 v24, v26;
	v29 =	vld [tilespmem:s2+$0xFFFFFFA0]  }
0x11b: {  	v19 =	vadd.f32 v21, v19;
	v20 =	vadd.f32 v22, v20;
	v21 =	vmul.f32 v30, v26;
	v22 =	vld [tilespmem:s2+$0xFFFFFFD0]  }
0x11c: {  	v26 =	vperm.xlane v18, v13;
	v25 =	vmul.f32 v25, v27;
	v30 =	vld [tilespmem:s2+$0xFFFFFFC0]  }
0x11d: {  	v19 =	vadd.f32 v21, v19;
	v20 =	vadd.f32 v24, v20;
	v21 =	vmul.f32 v28, v27;
	v24 =	vld [tilespmem:s2+$0xFFFFFFF0]  }
0x11e: {  	v27 =	vperm.xlane v18, v14;
	v23 =	vmul.f32 v23, v26;
	v28 =	vld [tilespmem:s2+$0xFFFFFFE0]  }
0x11f: {  	v19 =	vadd.f32 v21, v19;
	v20 =	vadd.f32 v25, v20;
	v21 =	vmul.f32 v29, v26;
	v25 =	vld [tilespmem:s2+$0x10]  }
0x120: {  	v18 =	vperm.xlane v18, v15;
	v22 =	vmul.f32 v22, v27;
	v26 =	vld [tilespmem:s2+$0x0]  }
0x121: {  	v19 =	vadd.f32 v21, v19;
	v20 =	vadd.f32 v23, v20;
	v21 =	vmul.f32 v30, v27;
	v23 =	vld [tilespmem:s2+$0x30]  }
0x122: {  	v27 =	vperm.xlane v17, v0;
	v24 =	vmul.f32 v24, v18;
	v29 =	vld [tilespmem:s2+$0x20]  }
0x123: {  	v19 =	vadd.f32 v21, v19;
	v20 =	vadd.f32 v22, v20;
	v18 =	vmul.f32 v28, v18;
	v21 =	vld [tilespmem:s2+$0x50]  }
0x124: {  	v22 =	vmul.f32 v25, v27;
	v25 =	vperm.xlane v17, v1;
	v28 =	vld [tilespmem:s2+$0x40]  }
0x125: {  	v18 =	vadd.f32 v18, v19;
	v19 =	vadd.f32 v24, v20;
	v20 =	vmul.f32 v26, v27;
	v24 =	vld [tilespmem:s2+$0x70]  }
0x126: {  	v26 =	vperm.xlane v17, v2;
	v23 =	vmul.f32 v23, v25;
	v27 =	vld [tilespmem:s2+$0x60]  }
0x127: {  	v18 =	vadd.f32 v20, v18;
	v19 =	vadd.f32 v22, v19;
	v20 =	vmul.f32 v29, v25;
	v22 =	vld [tilespmem:s2+$0x90]  }
0x128: {  	v25 =	vperm.xlane v17, v3;
	v21 =	vmul.f32 v21, v26;
	v29 =	vld [tilespmem:s2+$0x80]  }
0x129: {  	v18 =	vadd.f32 v20, v18;
	v19 =	vadd.f32 v23, v19;
	v20 =	vmul.f32 v28, v26;
	v23 =	vld [tilespmem:s2+$0xB0]  }
0x12a: {  	v26 =	vperm.xlane v17, v4;
	v24 =	vmul.f32 v24, v25;
	v28 =	vld [tilespmem:s2+$0xA0]  }
0x12b: {  	v18 =	vadd.f32 v20, v18;
	v19 =	vadd.f32 v21, v19;
	v20 =	vmul.f32 v27, v25;
	v21 =	vld [tilespmem:s2+$0xD0]  }
0x12c: {  	v25 =	vperm.xlane v17, v5;
	v22 =	vmul.f32 v22, v26;
	v27 =	vld [tilespmem:s2+$0xC0]  }
0x12d: {  	v18 =	vadd.f32 v20, v18;
	v19 =	vadd.f32 v24, v19;
	v20 =	vmul.f32 v29, v26;
	v24 =	vld [tilespmem:s2+$0xF0]  }
0x12e: {  	v26 =	vperm.xlane v17, v6;
	v23 =	vmul.f32 v23, v25;
	v29 =	vld [tilespmem:s2+$0xE0]  }
0x12f: {  	v18 =	vadd.f32 v20, v18;
	v19 =	vadd.f32 v22, v19;
	v20 =	vmul.f32 v28, v25;
	v22 =	vld [tilespmem:s2+$0x110]  }
0x130: {  	v25 =	vperm.xlane v17, v7;
	v21 =	vmul.f32 v21, v26;
	v28 =	vld [tilespmem:s2+$0x100]  }
0x131: {  	v18 =	vadd.f32 v20, v18;
	v19 =	vadd.f32 v23, v19;
	v20 =	vmul.f32 v27, v26;
	v23 =	vld [tilespmem:s2+$0x130]  }
0x132: {  	v26 =	vperm.xlane v17, v8;
	v24 =	vmul.f32 v24, v25;
	v27 =	vld [tilespmem:s2+$0x120]  }
0x133: {  	v18 =	vadd.f32 v20, v18;
	v19 =	vadd.f32 v21, v19;
	v20 =	vmul.f32 v29, v25;
	v21 =	vld [tilespmem:s2+$0x150]  }
0x134: {  	v25 =	vperm.xlane v17, v9;
	v22 =	vmul.f32 v22, v26;
	v29 =	vld [tilespmem:s2+$0x140]  }
0x135: {  	v18 =	vadd.f32 v20, v18;
	v19 =	vadd.f32 v24, v19;
	v20 =	vmul.f32 v28, v26;
	v24 =	vld [tilespmem:s2+$0x170]  }
0x136: {  	v26 =	vperm.xlane v17, v10;
	v23 =	vmul.f32 v23, v25;
	v28 =	vld [tilespmem:s2+$0x160]  }
0x137: {  	v18 =	vadd.f32 v20, v18;
	v19 =	vadd.f32 v22, v19;
	v20 =	vmul.f32 v27, v25;
	v22 =	vld [tilespmem:s2+$0x190]  }
0x138: {  	v25 =	vperm.xlane v17, v11;
	v21 =	vmul.f32 v21, v26;
	v27 =	vld [tilespmem:s2+$0x180]  }
0x139: {  	v18 =	vadd.f32 v20, v18;
	v19 =	vadd.f32 v23, v19;
	v20 =	vmul.f32 v29, v26;
	v23 =	vld [tilespmem:s2+$0x1B0]  }
0x13a: {  	v26 =	vperm.xlane v17, v12;
	v24 =	vmul.f32 v24, v25;
	v29 =	vld [tilespmem:s2+$0x1A0]  }
0x13b: {  	v18 =	vadd.f32 v20, v18;
	v19 =	vadd.f32 v21, v19;
	v20 =	vmul.f32 v28, v25;
	v21 =	vld [tilespmem:s2+$0x1D0]  }
0x13c: {  	v25 =	vperm.xlane v17, v13;
	v22 =	vmul.f32 v22, v26;
	v28 =	vld [tilespmem:s2+$0x1C0]  }
0x13d: {  	v18 =	vadd.f32 v20, v18;
	v19 =	vadd.f32 v24, v19;
	v20 =	vmul.f32 v27, v26;
	v24 =	vld [tilespmem:s2+$0x1F0]  }
0x13e: {  	v26 =	vperm.xlane v17, v14;
	v23 =	vmul.f32 v23, v25;
	v27 =	vld [tilespmem:s2+$0x1E0]  }
0x13f: {  	v18 =	vadd.f32 v20, v18;
	v19 =	vadd.f32 v22, v19;
	v20 =	vmul.f32 v29, v25;
	v22 =	vld [tilespmem:s2+$0x210]  }
0x140: {  	v17 =	vperm.xlane v17, v15;
	v21 =	vmul.f32 v21, v26;
	v25 =	vld [tilespmem:s2+$0x200]  }
0x141: {  	v18 =	vadd.f32 v20, v18;
	v19 =	vadd.f32 v23, v19;
	v20 =	vmul.f32 v28, v26;
	v23 =	vld [tilespmem:s2+$0x230]  }
0x142: {  	v26 =	vperm.xlane v16, v0;
	v24 =	vmul.f32 v24, v17;
	v28 =	vld [tilespmem:s2+$0x220]  }
0x143: {  	v18 =	vadd.f32 v20, v18;
	v19 =	vadd.f32 v21, v19;
	v17 =	vmul.f32 v27, v17;
	v20 =	vld [tilespmem:s2+$0x250]  }
0x144: {  	v21 =	vmul.f32 v22, v26;
	v22 =	vperm.xlane v16, v1;
	v27 =	vld [tilespmem:s2+$0x240]  }
0x145: {  	v17 =	vadd.f32 v17, v18;
	v18 =	vadd.f32 v24, v19;
	v19 =	vmul.f32 v25, v26;
	v24 =	vld [tilespmem:s2+$0x270]  }
0x146: {  	v25 =	vperm.xlane v16, v2;
	v23 =	vmul.f32 v23, v22;
	v26 =	vld [tilespmem:s2+$0x260]  }
0x147: {  	v17 =	vadd.f32 v19, v17;
	v18 =	vadd.f32 v21, v18;
	v19 =	vmul.f32 v28, v22;
	v21 =	vld [tilespmem:s2+$0x290]  }
0x148: {  	v22 =	vperm.xlane v16, v3;
	v20 =	vmul.f32 v20, v25;
	v28 =	vld [tilespmem:s2+$0x280]  }
0x149: {  	v17 =	vadd.f32 v19, v17;
	v18 =	vadd.f32 v23, v18;
	v19 =	vmul.f32 v27, v25;
	v23 =	vld [tilespmem:s2+$0x2B0]  }
0x14a: {  	v25 =	vperm.xlane v16, v4;
	v24 =	vmul.f32 v24, v22;
	v27 =	vld [tilespmem:s2+$0x2A0]  }
0x14b: {  	v17 =	vadd.f32 v19, v17;
	v18 =	vadd.f32 v20, v18;
	v19 =	vmul.f32 v26, v22;
	v20 =	vld [tilespmem:s2+$0x2D0]  }
0x14c: {  	v22 =	vperm.xlane v16, v5;
	v21 =	vmul.f32 v21, v25;
	v26 =	vld [tilespmem:s2+$0x2C0]  }
0x14d: {  	v17 =	vadd.f32 v19, v17;
	v18 =	vadd.f32 v24, v18;
	v19 =	vmul.f32 v28, v25;
	v24 =	vld [tilespmem:s2+$0x2F0]  }
0x14e: {  	v25 =	vperm.xlane v16, v6;
	v23 =	vmul.f32 v23, v22;
	v28 =	vld [tilespmem:s2+$0x2E0]  }
0x14f: {  	v17 =	vadd.f32 v19, v17;
	v18 =	vadd.f32 v21, v18;
	v19 =	vmul.f32 v27, v22;
	v21 =	vld [tilespmem:s2+$0x310]  }
0x150: {  	v22 =	vperm.xlane v16, v7;
	v20 =	vmul.f32 v20, v25;
	v27 =	vld [tilespmem:s2+$0x300]  }
0x151: {  	v17 =	vadd.f32 v19, v17;
	v18 =	vadd.f32 v23, v18;
	v19 =	vmul.f32 v26, v25;
	v23 =	vld [tilespmem:s2+$0x330]  }
0x152: {  	v25 =	vperm.xlane v16, v8;
	v24 =	vmul.f32 v24, v22;
	v26 =	vld [tilespmem:s2+$0x320]  }
0x153: {  	v17 =	vadd.f32 v19, v17;
	v18 =	vadd.f32 v20, v18;
	v19 =	vmul.f32 v28, v22;
	v20 =	vld [tilespmem:s2+$0x350]  }
0x154: {  	v22 =	vperm.xlane v16, v9;
	v21 =	vmul.f32 v21, v25;
	v28 =	vld [tilespmem:s2+$0x340]  }
0x155: {  	v17 =	vadd.f32 v19, v17;
	v18 =	vadd.f32 v24, v18;
	v19 =	vmul.f32 v27, v25;
	v24 =	vld [tilespmem:s2+$0x370]  }
0x156: {  	v25 =	vperm.xlane v16, v10;
	v23 =	vmul.f32 v23, v22;
	v27 =	vld [tilespmem:s2+$0x360]  }
0x157: {  	v17 =	vadd.f32 v19, v17;
	v18 =	vadd.f32 v21, v18;
	v19 =	vmul.f32 v26, v22;
	v21 =	vld [tilespmem:s2+$0x390]  }
0x158: {  	v22 =	vperm.xlane v16, v11;
	v20 =	vmul.f32 v20, v25;
	v26 =	vld [tilespmem:s2+$0x380]  }
0x159: {  	v17 =	vadd.f32 v19, v17;
	v18 =	vadd.f32 v23, v18;
	v19 =	vmul.f32 v28, v25;
	v23 =	vld [tilespmem:s2+$0x3B0]  }
0x15a: {  	v25 =	vperm.xlane v16, v12;
	v24 =	vmul.f32 v24, v22;
	v28 =	vld [tilespmem:s2+$0x3A0]  }
0x15b: {  	v17 =	vadd.f32 v19, v17;
	v18 =	vadd.f32 v20, v18;
	v19 =	vmul.f32 v27, v22;
	v20 =	vld [tilespmem:s2+$0x3D0]  }
0x15c: {  	v22 =	vperm.xlane v16, v13;
	v21 =	vmul.f32 v21, v25;
	v27 =	vld [tilespmem:s2+$0x3C0]  }
0x15d: {  	v17 =	vadd.f32 v19, v17;
	v18 =	vadd.f32 v24, v18;
	v19 =	vmul.f32 v26, v25;
	v24 =	vld [tilespmem:s2+$0x3F0]  }
0x15e: {  	v25 =	vperm.xlane v16, v14;
	v23 =	vmul.f32 v23, v22;
	v26 =	vld [tilespmem:s2+$0x3E0]  }
0x15f: {  	v17 =	vadd.f32 v19, v17;
	v18 =	vadd.f32 v21, v18;
	v19 =	vmul.f32 v28, v22  }
0x160: {  	v16 =	vperm.xlane v16, v15;
	v20 =	vmul.f32 v20, v25  }
0x161: {  	v17 =	vadd.f32 v19, v17;
	v18 =	vadd.f32 v23, v18;
	v19 =	vmul.f32 v27, v25  }
.Ltmp0:
0x162: {  	v21 =	vmul.f32 v24, v16;
	(pc) =	sbr.rel @p0 .LBB2_3-.Ltmp0, $3  }
0x163: {  	v17 =	vadd.f32 v19, v17;
	v18 =	vadd.f32 v20, v18;
	v16 =	vmul.f32 v26, v16;
	_ =	sdelay $0x1  }
0x164: {  	v17 =	vadd.f32 v16, v17;
	v16 =	vadd.f32 v21, v18  }
0x165: {  	s12 =	sshra.s32 s12, $0x2  }
0x166: {  	s8 =	sadd.s32 $0x1, s8  }
0x167: {  	[tilespmem:s12+$0xAA00] =	vst v17;
	s1 =	sshll.u32 s3, $0x2;
	s2 =	rddreg [dreg:$0x1];
	p0 =	sne.s32 s8, $0x2D  }
.Ltmp1:
0x168: {  	[tilespmem:s12+$0xAA10] =	vst v16;
	s12 =	simm.s32 $0x0;
	s1 =	sadd.s32 s2, s1;
	(pc) =	sbr.rel @p0 .LBB2_2-.Ltmp1, $4  }
0x169: {  	[hbm4b:s1+s12] =	stream.linear.scatter [tilespmem:s0], [sflag:$0x2], $0x280, $0x38;
	[tilespmem:$0xAC80] =	vst v63  }
0x16a: {  	_ =	swait.ge [sflag:s9], $0x280  }
0x16b: {  	[sflag:s9] =	ssyncset.done $0x0  }
0x16c: {  	[sflag:s9] =	ssyncadd.s32 $0xFFFFFD80  }
0x16d: {  	s2 =	rddreg [dreg:$0x4]  }
0x16e: {  	s1 =	rddreg [dreg:$0x3];
	s2 =	sadd.s32 $0x1, s2  }
0x16f: {  	p0 =	sne.s32 s2, s1  }
.Ltmp2:
0x170: {  	_ = 	snop;
	(pc) =	sbr.rel @p0 .LBB2_1-.Ltmp2, $1  }
0x171: {  	_ =	sdelay $0x3  }
0x172: {  	_ =	sfence.sel $0x180000  }
0x173: {  	[bflag:$0x0] =	sbarrier.arrive $0xFFFF  }
0x174: {  	_ =	strace $0x9000004A  }
0x175: {  	s0 =	stileid.u32;
	[bflag:$0x2] =	sbarrier.arrive $0xFFFF  }
0x176: {  	p0 =	sne.s32 s0, $0x0;
	s0 =	rddreg [dreg:$0x2]  }
0x177: {  	s0 =	sadd.s32 @!p0 $0x100000, s0  }
0x178: {  	[sflag:s0] =	ssyncadd.tile.s32 @!p0 $0x1;
	_ =	shalt  }
.Lfunc_end2:
_tile_overlayer_lowered:
.L_overlay_start_2:
0x179: {  	(tag) =	ssettag $0x2  }
0x17a: {  	s0 =	rddreg [dreg:$0x0];
	s2 =	stileid.u32  }
0x17b: {  	s1 =	rddreg [dreg:$0x1];
	p0 =	sne.s32 s2, $0x0  }
0x17c: {  	s3 =	rddreg [dreg:$0x2];
	[bflag:$0x3] =	sbarrier.arrive $0xFFFF;
	s2 =	simm.s32 @!p0 $0x1C02  }
0x17d: {  	[timem:s3], [sflag:s2] =	dma.local @!p0 [hbm:s0], s1  }
0x17e: {  	s0 =	simm.s32 @!p0 $0x2  }
0x17f: {  	_ =	swait.ge @!p0 [sflag:s0], s1  }
0x180: {  	s1 =	ssub.s32 @!p0 $0x0, s1;
	[sflag:s0] =	ssyncset.done @!p0 $0x0  }
0x181: {  	[sflag:s0] =	ssyncadd.s32 @!p0 s1  }
0x182: {  	[bflag:$0x3] =	sbarrier.arrive $0xFFFF  }
0x183: {  	_ =	shalt  }

// kernel: sparse-core-data-format-call.cloned.1.call-start
scs
called_computation_lowered:
.L_overlay_start_0:
0x0: {  	s1 =	sld [smem:$0x3FD9]  }
0x1: {  	s2 =	sld [smem:$0x3FFE];
	_ =	sdelay $0x1  }
0x2: {  	s3 =	srdreg.scid  }
0x3: {  	s0 =	sand.u32 $0x1, s3  }
0x4: {  	s17 =	sshll.u32 s0, $0xA;
	s1 =	sadd.s32 s2, s1  }
0x5: {  	s1 =	sadd.s32 s1, s17  }
0x6: {  	[smem:$0x3FBD] =	sst s1  }
0x7: {  	_ = 	snop  }
0x8: {  	(tm) =	ssettm $0x1  }
0x9: {  	s18 =	sld [smem:$0x3FFB];
	_ =	sdelay $0x3  }
0xa: {  	_ =	strace s18  }
0xb: {  	s1 =	sld [smem:$0x3FFC];
	_ =	sdelay $0x3  }
0xc: {  	_ =	strace s1  }
0xd: {  	s1 =	sld [smem:$0x3FFD];
	_ =	sdelay $0x3  }
0xe: {  	_ =	strace s1  }
0xf: {  	_ =	strace $0x8FFFFFFF  }
0x10: {  	s19 =	sld [smem:$0x3FDB];
	_ =	sdelay $0x1  }
0x11: {  	s20 =	simm.s32 $_scs_section_size  }
0x12: {  	s4 =	simm.s32 $_size__tile_overlayer_lowered;
	s5 =	simm.s32 $_tile_overlayer_lowered  }
0x13: {  	s23 =	simm.s32 $0x1BFF;
	s22 =	sshll.u32 s5, $0x1;
	s1 =	sadd.s32 s20, s19  }
0x14: {  	s6 =	simm.s32 $0x0;
	s21 =	sshll.u32 s4, $0x1;
	s4 =	sadd.s32 s22, s1  }
0x15: {  	[timem:s6], [sflag:s23] =	dma.local [hbm:s4], s21  }
0x16: {  	_ =	swait.ge [sflag:s23], s21  }
0x17: {  	s2 =	ssub.s32 $0x0, s21;
	[sflag:s23] =	ssyncset.done $0x0  }
0x18: {  	[sflag:s23] =	ssyncadd.s32 s2;
	_ =	sdelay $0x1  }
0x19: {  	s24 =	simm.s32 $0x1B8B  }
0x1a: {  	_ =	swait.ge [sflag:s24], $0x1  }
0x1b: {  	[sflag:s24] =	ssyncset.done $0x0  }
0x1c: {  	s26 =	simm.s32 $0x1B8E;
	s25 =	sld [smem:$0x3FFE];
	[sflag:s24] =	ssyncadd.s32 $0xFFFFFFFF  }
0x1d: {  	s27 =	simm.s32 $execute0_lowered;
	[smem:$0x3FD2] =	sst s26  }
0x1e: {  	s4 =	sshll.u32 s27, $0x1;
	_ =	strace $0x80000046;
	[dreg:$0x1] =	wrdreg $0xFFFFFFFF  }
0x1f: {  	s28 =	simm.s32 $_size_execute0_lowered;
	s1 =	sadd.s32 s1, s4;
	[dreg:$0x0] =	wrdreg $0x0  }
0x20: {  	s4 =	sshll.u32 s28, $0x1;
	[dreg:$0x2] =	wrdreg s1  }
0x21: {  	[dreg:$0x3] =	wrdreg s4  }
0x22: {  	[dreg:$0x4] =	wrdreg $0xC0  }
0x23: {  	_ =	task [dreg:s6], $0x5FFFF  }
0x24: {  	[dreg:$0x1] =	wrdreg $0xFFFFFFFF  }
0x25: {  	[dreg:$0x0] =	wrdreg $0x60  }
0x26: {  	[dreg:$0x2] =	wrdreg s25  }
0x27: {  	[dreg:$0x3] =	wrdreg $0x9  }
0x28: {  	_ =	task.clear_ibuf [dreg:s6], $0x4FFFF;
	_ =	strace $0x90000046  }
0x29: {  	s29 =	simm.s32 $0x9;
	_ =	strace $0x80000048  }
0x2a: {  	_ =	swait.ge [sflag:s29], $0x1  }
0x2b: {  	[sflag:s29] =	ssyncadd.s32 $0xFFFFFFFF  }
0x2c: {  	_ =	strace $0x90000048  }
0x2d: {  	_ =	sfence  }
0x2e: {  	s30 =	sld [smem:$0x0];
	_ =	sdelay $0x2  }
0x2f: {  	s31 =	sshll.u32 s3, $0xD;
	s3 =	sshrl.u32 s3, $0x2  }
0x30: {  	s2 =	sand.u32 $0x4000, s31;
	s1 =	sadd.s32 s3, s30  }
0x31: {  	s0 =	sor.u32 s2, s0;
	s1 =	sshll.u32 s1, $0x11  }
0x32: {  	s0 =	sor.u32 s1, s0  }
0x33: {  	s0 =	sadd.s32 $0x8F2B, s0  }
0x34: {  	[sflag:s0] =	ssyncadd.remote.s32 $0x1  }
0x35: {  	_ =	sfence.sel $0xFFFF  }
0x36: {  	[dreg:$0x0] =	wrdreg $0xFFFFFFFF;
	(pc) =	sbr.abs _section_cstart, $3  }
0x37: {  	[dreg:$0x1] =	wrdreg $0xFFFFFFFF  }
0x38: {  	_ =	task.clear_ibuf [dreg:s6], $0x2FFFF;
	_ =	strace $0x9FFFFFFF  }
0x39: {  	(tm) =	ssettm $0x7FFFFFFF  }
tec
execute0_lowered:
.L_overlay_start_1:
0x0: {  	(tag) =	ssettag $0x1  }
0x1: {  	s0 =	srdreg.scid  }
0x2: {  	s1 =	sshll.u32 s0, $0x4  }
0x3: {  	s4 =	rddreg [dreg:$0x0];
	s0 =	stileid.u32;
	s1 =	sand.u32 $0x10, s1  }
0x4: {  	s7 =	simm.s32 $0x1;
	s8 =	simm.s32 $0x2;
	s1 =	sor.u32 s0, s1  }
0x5: {  	s9 =	simm.s32 $0x0;
	s12 =	simm.s32 $0x0;
	s2 =	sshll.u32 s1, $0x3  }
0x6: {  	s11 =	simm.s32 $0x0;
	s3 =	sadd.s32 $0x3400, s4;
	s6 =	ssub.s32 $0x2A80, s2  }
.Ltmp0:
0x7: {  	s4 =	sadd.s32 $0x2AB400, s4;
	s5 =	sand.u32 $0xF8, s6;
	(pc) =	sbr.rel .LBB1_1-.Ltmp0, $4  }
0x8: {  	s1 =	rddreg [dreg:$0x1];
	_ =	strace $0x80000047;
	p0 =	sne.s32 s5, $0x0  }
0x9: {  	s6 =	sshrl.u32 s6, $0x8;
	s5 =	simm.s32 $0x1;
	s7 =	simm.s32 @!p0 $0x0  }
0xa: {  	s10 =	smov.u32 s2;
	[sflag:s5] =	ssyncpa.u1 $0x0;
	s6 =	sadd.s32 s7, s6  }
0xb: {  	[sflag:s8] =	ssyncpa.u1 $0x0;
	s8 =	simm.s32 $0x0;
	s7 =	sadd.s32 $0x1, s6  }
.LBB1_9:
0xc: {  	s14 =	sadd.s32 $0x100, s10  }
0xd: {  	p1 =	sgt.s32 s14, $0x2A7F  }
0xe: {  	s14 =	smov.u32 @p1 s2;
	p1 =	sne.s32 s11, s7  }
.Ltmp1:
0xf: {  	p0 =	slt.u32 s11, $0x2;
	(pc) =	sbr.rel @!p1 .LBB1_10-.Ltmp1, $4  }
0x10: {  	s13 =	simm.s32 @!p0 $0x2  }
0x11: {  	s15 =	sadd.s32 $0x1, s11;
	_ =	swait.ge @!p0 [sflag:s13], $0x4000  }
0x12: {  	s12 =	smov.u32 s10;
	s9 =	sadd.s32 $0x4000, s9;
	[sflag:s13] =	ssyncset.done @!p0 $0x0  }
0x13: {  	s11 =	smov.u32 s15;
	s10 =	smov.u32 s14;
	[sflag:s13] =	ssyncadd.s32 @!p0 $0xFFFFC000  }
.LBB1_1:
0x14: {  	p0 =	sge.u32 s11, s6  }
0x15: {  	s13 =	sxor.u32 @!p0 $0xFFFFFFFF, s11  }
0x16: {  	s31 =	sadd.s32 $0xFFFFFFFF, s11;
	s14 =	sshll.u32 @!p0 s10, $0x8;
	s13 =	sshll.u32 @!p0 s13, $0xE  }
0x17: {  	s15 =	simm.s32 @!p0 $0x0;
	s14 =	sadd.s32 @!p0 s3, s14;
	s13 =	sand.u32 @!p0 $0x4000, s13  }
0x18: {  	[tilespmem:s13], [sflag:$0x1] =	stream.linear.gather @!p0 [hbm4b:s14+s15], $0x4000, $0x38;
	[tilespmem:$0x10000] =	vst v63  }
0x19: {  	p0 =	sge.u32 s31, s6  }
.Ltmp2:
0x1a: {  	_ = 	snop;
	(pc) =	sbr.rel @p0 .LBB1_9-.Ltmp2, $1  }
0x1b: {  	_ =	sdelay $0x3  }
0x1c: {  	s13 =	sshll.u32 s9, $0x2;
	_ =	swait.ge [sflag:s5], $0x4000;
	s14 =	sshll.u32 s11, $0xE  }
0x1d: {  	s16 =	simm.s32 $0x0;
	s17 =	simm.s32 $0x0;
	s15 =	sand.u32 $0x10000, s13  }
0x1e: {  	[sflag:s5] =	ssyncset.done $0x0;
	s31 =	sand.u32 $0x4000, s14;
	s14 =	sshrl.u32 s15, $0x2  }
0x1f: {  	[sflag:s5] =	ssyncadd.s32 $0xFFFFC000;
	s13 =	sor.u32 $0x8000, s31;
	s15 =	sor.u32 $0x8000, s14  }
.LBB1_3:
0x20: {  	s18 =	sshra.s32 s16, $0x2  }
0x21: {  	v0 =	vmov s18;
	_ =	sdelay $0x3  }
0x22: {  	p1 =	por $0x1, $0x1;
	s18 =	simm.s32 $0x0  }
.LBB1_4:
0x23: {  	_ = 	snop  }
0x24: {  	s19 =	sshll.u32 s18, $0xA  }
0x25: {  	s19 =	sand.u32 $0x3FFFFC00, s19  }
0x26: {  	s19 =	sadd.s32 s19, s14  }
0x27: {  	v5 =	vld.idx.msk [tilespmem:v0+s19+$0x70 ss:$0x1], $0xffff  }
0x28: {  	v6 =	vld.idx.msk [tilespmem:v0+s19+$0x10 ss:$0x1], $0xffff  }
0x29: {  	v7 =	vld.idx.msk [tilespmem:v0+s19+$0x20 ss:$0x1], $0xffff  }
0x2a: {  	s31 =	sshll.u32 s18, $0x7;
	v1 =	vld.idx.msk [tilespmem:v0+s19+$0x30 ss:$0x1], $0xffff  }
0x2b: {  	s18 =	sand.u32 $0x3FFFFF80, s31;
	v2 =	vld.idx.msk [tilespmem:v0+s19+$0x40 ss:$0x1], $0xffff  }
0x2c: {  	s18 =	sadd.s32 s18, s15;
	v3 =	vld.idx.msk [tilespmem:v0+s19+$0x50 ss:$0x1], $0xffff  }
0x2d: {  	v4 =	vld.idx.msk [tilespmem:v0+s19+$0x60 ss:$0x1], $0xffff;
	[tilespmem:v0+s18+$0x70 ss:$0x1] =	vst.idx.msk $0xffff, v5  }
0x2e: {  	v5 =	vld.idx.msk [tilespmem:v0+s19+$0x0 ss:$0x1], $0xffff;
	[tilespmem:v0+s18+$0x10 ss:$0x1] =	vst.idx.msk $0xffff, v6;
	s19 =	sadd.s32 $0x80, s19  }
0x2f: {  	p0 =	por p1, p1;
	s20 =	simm.s32 $0x6;
	[tilespmem:v0+s18+$0x20 ss:$0x1] =	vst.idx.msk $0xffff, v7;
	v6 =	vld.idx.msk [tilespmem:v0+s19+$0x70 ss:$0x1], $0xffff  }
.LBB1_5:
0x30: {  	p1 =	sne.s32 s20, $0x1;
	v7 =	vld.idx.msk [tilespmem:v0+s19+$0x10 ss:$0x1], $0xffff;
	[tilespmem:v0+s18+$0x30 ss:$0x1] =	vst.idx.msk $0xffff, v1  }
0x31: {  	v8 =	vld.idx.msk [tilespmem:v0+s19+$0x20 ss:$0x1], $0xffff;
	[tilespmem:v0+s18+$0x40 ss:$0x1] =	vst.idx.msk $0xffff, v2  }
0x32: {  	v1 =	vld.idx.msk [tilespmem:v0+s19+$0x30 ss:$0x1], $0xffff;
	[tilespmem:v0+s18+$0x50 ss:$0x1] =	vst.idx.msk $0xffff, v3  }
.Ltmp3:
0x33: {  	v2 =	vld.idx.msk [tilespmem:v0+s19+$0x40 ss:$0x1], $0xffff;
	[tilespmem:v0+s18+$0x60 ss:$0x1] =	vst.idx.msk $0xffff, v4;
	(pc) =	sbr.rel @p1 .LBB1_5-.Ltmp3, $4  }
0x34: {  	v3 =	vld.idx.msk [tilespmem:v0+s19+$0x50 ss:$0x1], $0xffff;
	[tilespmem:v0+s18+$0x0 ss:$0x1] =	vst.idx.msk $0xffff, v5;
	s18 =	sadd.s32 $0x100, s18  }
0x35: {  	v4 =	vld.idx.msk [tilespmem:v0+s19+$0x60 ss:$0x1], $0xffff;
	[tilespmem:v0+s18+$0x70 ss:$0x1] =	vst.idx.msk $0xffff, v6  }
0x36: {  	v5 =	vld.idx.msk [tilespmem:v0+s19+$0x0 ss:$0x1], $0xffff;
	[tilespmem:v0+s18+$0x10 ss:$0x1] =	vst.idx.msk $0xffff, v7;
	s19 =	sadd.s32 $0x80, s19  }
0x37: {  	s20 =	sadd.s32 $0xFFFFFFFF, s20;
	v6 =	vld.idx.msk [tilespmem:v0+s19+$0x70 ss:$0x1], $0xffff;
	[tilespmem:v0+s18+$0x20 ss:$0x1] =	vst.idx.msk $0xffff, v8  }
0x38: {  	_ =	sdelay $0x3  }
0x39: {  	[tilespmem:v0+s18+$0x30 ss:$0x1] =	vst.idx.msk $0xffff, v1  }
0x3a: {  	v1 =	vld.idx.msk [tilespmem:v0+s19+$0x10 ss:$0x1], $0xffff;
	[tilespmem:v0+s18+$0x40 ss:$0x1] =	vst.idx.msk $0xffff, v2  }
0x3b: {  	v2 =	vld.idx.msk [tilespmem:v0+s19+$0x20 ss:$0x1], $0xffff;
	[tilespmem:v0+s18+$0x50 ss:$0x1] =	vst.idx.msk $0xffff, v3  }
0x3c: {  	v61 =	vld.idx.msk [tilespmem:v0+s19+$0x40 ss:$0x1], $0xffff;
	[tilespmem:v0+s18+$0x60 ss:$0x1] =	vst.idx.msk $0xffff, v4  }
0x3d: {  	s31 =	sadd.s32 $0x100, s18;
	v62 =	vld.idx.msk [tilespmem:v0+s19+$0x50 ss:$0x1], $0xffff;
	[tilespmem:v0+s18+$0x0 ss:$0x1] =	vst.idx.msk $0xffff, v5  }
0x3e: {  	v63 =	vld.idx.msk [tilespmem:v0+s19+$0x60 ss:$0x1], $0xffff;
	[tilespmem:v0+s31+$0x70 ss:$0x1] =	vst.idx.msk $0xffff, v6  }
0x3f: {  	v3 =	vld.idx.msk [tilespmem:v0+s19+$0x30 ss:$0x1], $0xffff;
	[tilespmem:v0+s31+$0x10 ss:$0x1] =	vst.idx.msk $0xffff, v1  }
0x40: {  	v1 =	vld.idx.msk [tilespmem:v0+s19+$0x0 ss:$0x1], $0xffff;
	[tilespmem:v0+s31+$0x20 ss:$0x1] =	vst.idx.msk $0xffff, v2  }
.Ltmp4:
0x41: {  	[tilespmem:v0+s31+$0x40 ss:$0x1] =	vst.idx.msk $0xffff, v61;
	(pc) =	sbr.rel @p0 .LBB1_4-.Ltmp4, $4  }
0x42: {  	[tilespmem:v0+s31+$0x50 ss:$0x1] =	vst.idx.msk $0xffff, v62  }
0x43: {  	[tilespmem:v0+s31+$0x60 ss:$0x1] =	vst.idx.msk $0xffff, v63  }
0x44: {  	[tilespmem:v0+s31+$0x30 ss:$0x1] =	vst.idx.msk $0xffff, v3  }
0x45: {  	p1 =	por $0x0, $0x0;
	s18 =	simm.s32 $0x1;
	[tilespmem:v0+s31+$0x0 ss:$0x1] =	vst.idx.msk $0xffff, v1  }
0x46: {  	s17 =	sadd.s32 $0x1, s17  }
0x47: {  	p0 =	sne.s32 s17, $0x8  }
.Ltmp5:
0x48: {  	_ = 	snop;
	(pc) =	sbr.rel @p0 .LBB1_3-.Ltmp5, $2  }
0x49: {  	_ =	sdelay $0x2  }
0x4a: {  	s16 =	sadd.s32 $0x2000, s16  }
.Ltmp6:
0x4b: {  	(pc) =	sbr.rel .LBB1_9-.Ltmp6, $4  }
0x4c: {  	_ = 	snop  }
0x4d: {  	s12 =	sshll.u32 s12, $0x8  }
0x4e: {  	s12 =	sadd.s32 s4, s12  }
0x4f: {  	[hbm4b:s12+s8] =	stream.linear.scatter [tilespmem:s13], [sflag:$0x2], $0x4000, $0x38;
	[tilespmem:$0x10000] =	vst v63  }
.LBB1_10:
0x50: {  	_ =	sfence.sel $0x180000  }
0x51: {  	s2 =	simm.s32 $0x1;
	[bflag:$0x0] =	sbarrier.arrive $0xFFFF  }
0x52: {  	s31 =	simm.s32 $0x2;
	[sflag:s2] =	ssyncpa.u1 $0x1  }
0x53: {  	[sflag:s31] =	ssyncpa.u1 $0x1  }
0x54: {  	p0 =	sne.s32 s0, $0x0;
	_ =	strace $0x90000047  }
0x55: {  	s0 =	sadd.s32 @!p0 $0x100000, s1;
	[bflag:$0x2] =	sbarrier.arrive $0xFFFF  }
0x56: {  	[sflag:s0] =	ssyncadd.tile.s32 @!p0 $0x1;
	_ =	shalt  }
.Lfunc_end1:
_tile_overlayer_lowered:
.L_overlay_start_2:
0x57: {  	(tag) =	ssettag $0x2  }
0x58: {  	s0 =	rddreg [dreg:$0x0];
	s2 =	stileid.u32  }
0x59: {  	s1 =	rddreg [dreg:$0x1];
	p0 =	sne.s32 s2, $0x0  }
0x5a: {  	s3 =	rddreg [dreg:$0x2];
	[bflag:$0x3] =	sbarrier.arrive $0xFFFF;
	s2 =	simm.s32 @!p0 $0x1C01  }
0x5b: {  	[timem:s3], [sflag:s2] =	dma.local @!p0 [hbm:s0], s1  }
0x5c: {  	s0 =	simm.s32 @!p0 $0x1  }
0x5d: {  	_ =	swait.ge @!p0 [sflag:s0], s1  }
0x5e: {  	s1 =	ssub.s32 @!p0 $0x0, s1;
	[sflag:s0] =	ssyncset.done @!p0 $0x0  }
0x5f: {  	[sflag:s0] =	ssyncadd.s32 @!p0 s1  }
0x60: {  	[bflag:$0x3] =	sbarrier.arrive $0xFFFF  }
0x61: {  	_ =	shalt  }

</sc_bundles>
